<compile_context>
chip_gen: v7x
topology: tpu7x:2x2x1
jax: 0.10.2.dev20260603
libtpu: 0.0.44.dev20260713+nightly
codegen_flags: <defaults>
</compile_context>

<pallas_src>
import functools

import jax
import jax.numpy as jnp
from jax import lax
from jax.experimental import pallas as pl
from jax.experimental.pallas import tpu as pltpu
from jax.experimental.pallas import tpu_sc as plsc

N = 10000
D = 128
E = 320000
BN_EPS = 1e-5

NC = 2
NS = 16
NW = NC * NS
EPW = E // NW
CH = 80
NCH = EPW // CH
DEGP = 10240
SEG = DEGP // NS
NP = 10240
ROWS_PT = NP // NS
ZR = 32
NB = 4
RB = 1000

_LANES = 16


def _sc_mesh():
    return plsc.VectorSubcoreMesh(
        core_axis_name="c", subcore_axis_name="s",
        num_cores=NC, num_subcores=NS)


@functools.partial(
    pl.kernel,
    out_type=jax.ShapeDtypeStruct((NW, 1, SEG), jnp.float32),
    mesh=_sc_mesh(),
    scratch_types=[
        pltpu.VMEM((1, EPW), jnp.int32),
        pltpu.VMEM((1, DEGP), jnp.float32),
        pltpu.VMEM((NS, 1, SEG), jnp.float32),
        pltpu.VMEM((1, SEG), jnp.float32),
        pltpu.VMEM_SHARED((NS, 1, DEGP), jnp.float32),
    ],
    compiler_params=pltpu.CompilerParams(needs_layout_passes=False),
)
def _deg_call(dst_hbm, out_hbm, idx_v, hist_v, red_v, acc_v, part_sh):
    c = lax.axis_index("c")
    s = lax.axis_index("s")
    wid = c * NS + s

    zero16 = jnp.zeros((_LANES,), jnp.float32)
    zero16i = jnp.zeros((_LANES,), jnp.int32)
    ones16 = jnp.ones((_LANES,), jnp.float32)

    def zbody(i, carry):
        hist_v[0, pl.ds(i * _LANES, _LANES)] = zero16
        return carry
    lax.fori_loop(0, DEGP // _LANES, zbody, 0)

    pltpu.sync_copy(dst_hbm.at[wid], idx_v)

    def sbody(j, carry):
        idx = idx_v[0, pl.ds(j * _LANES, _LANES)]
        plsc.addupdate_scatter(hist_v, [zero16i, idx], ones16)
        return carry
    lax.fori_loop(0, EPW // _LANES, sbody, 0)

    pltpu.sync_copy(hist_v, part_sh.at[s])
    plsc.subcore_barrier()

    for t in range(NS):
        pltpu.sync_copy(part_sh.at[t, :, pl.ds(s * SEG, SEG)], red_v.at[t])

    def rbody(i, carry):
        v = red_v[0, 0, pl.ds(i * _LANES, _LANES)]
        for t in range(1, NS):
            v = v + red_v[t, 0, pl.ds(i * _LANES, _LANES)]
        acc_v[0, pl.ds(i * _LANES, _LANES)] = v
        return carry
    lax.fori_loop(0, SEG // _LANES, rbody, 0)

    pltpu.sync_copy(acc_v, out_hbm.at[wid])


def _tca_body(x_ref, w_ref, degp_ref, h2_ref):
    deg = degp_ref[:, 0] + degp_ref[:, 1] + 1.0
    dis = lax.rsqrt(deg)
    h = jnp.dot(x_ref[...], w_ref[...],
                preferred_element_type=jnp.float32,
                precision=lax.Precision.HIGHEST)
    h2_ref[...] = h * dis[:, None]


def _tca_call(x, W, degp):
    return pl.pallas_call(
        _tca_body,
        grid=(N // RB,),
        in_specs=[
            pl.BlockSpec((RB, D), lambda j: (j, 0)),
            pl.BlockSpec((D, D), lambda j: (0, 0)),
            pl.BlockSpec((RB, NC), lambda j: (j, 0)),
        ],
        out_specs=pl.BlockSpec((RB, D), lambda j: (j, 0)),
        out_shape=jax.ShapeDtypeStruct((N, D), jnp.float32),
    )(x, W, degp)


@functools.partial(
    pl.kernel,
    out_type=jax.ShapeDtypeStruct((NC, NP, D), jnp.float32),
    mesh=_sc_mesh(),
    scratch_types=(
        [pltpu.VMEM((1, CH), jnp.int32) for _ in range(NB)]
        + [pltpu.VMEM((1, CH), jnp.int32) for _ in range(NB)]
        + [pltpu.VMEM((CH, D), jnp.float32) for _ in range(NB)]
        + [
            pltpu.VMEM((ZR, D), jnp.float32),
            pltpu.VMEM_SHARED((NP, D), jnp.float32),
        ]
        + [pltpu.SemaphoreType.DMA for _ in range(3 * NB)]
    ),
    compiler_params=pltpu.CompilerParams(needs_layout_passes=False),
)
def _msg_call(h2_hbm, src_hbm, dst_hbm, out_hbm,
              si0, si1, si2, si3, di0, di1, di2, di3,
              rw0, rw1, rw2, rw3, zrow, acc_sh,
              sg0, sg1, sg2, sg3, ss0, ss1, ss2, ss3,
              sd0, sd1, sd2, sd3):
    c = lax.axis_index("c")
    s = lax.axis_index("s")
    wid = c * NS + s
    base = wid * NCH

    si = [si0, si1, si2, si3]
    di = [di0, di1, di2, di3]
    rw = [rw0, rw1, rw2, rw3]
    sg = [sg0, sg1, sg2, sg3]
    ss = [ss0, ss1, ss2, ss3]
    sd = [sd0, sd1, sd2, sd3]

    zero16 = jnp.zeros((_LANES,), jnp.float32)

    def zbody(i, carry):
        for jj in range(D // _LANES):
            zrow[i, pl.ds(jj * _LANES, _LANES)] = zero16
        return carry
    lax.fori_loop(0, ZR, zbody, 0)
    for m in range(ROWS_PT // ZR):
        pltpu.sync_copy(zrow, acc_sh.at[pl.ds(s * ROWS_PT + m * ZR, ZR)])
    plsc.subcore_barrier()

    for x in range(NB):
        pltpu.async_copy(src_hbm.at[base + x], si[x], ss[x])
        pltpu.async_copy(dst_hbm.at[base + x], di[x], sd[x])
    for x in range(NB):
        pltpu.make_async_copy(src_hbm.at[base + x], si[x], ss[x]).wait()
        pltpu.async_copy(h2_hbm.at[si[x].at[0]], rw[x], sg[x])

    def _slot(j, x):
        pltpu.make_async_copy(h2_hbm.at[si[x].at[0]], rw[x], sg[x]).wait()

        @pl.when(j + NB < NCH)
        def _():
            pltpu.async_copy(src_hbm.at[base + j + NB], si[x], ss[x])
        pltpu.make_async_copy(dst_hbm.at[base + j], di[x], sd[x]).wait()
        pltpu.sync_copy(rw[x], acc_sh.at[di[x].at[0]], add=True)

        @pl.when(j + NB < NCH)
        def _():
            pltpu.async_copy(dst_hbm.at[base + j + NB], di[x], sd[x])
            pltpu.make_async_copy(src_hbm.at[base + j + NB], si[x], ss[x]).wait()
            pltpu.async_copy(h2_hbm.at[si[x].at[0]], rw[x], sg[x])

    def rot(k, carry):
        for x in range(NB):
            _slot(NB * k + x, x)
        return carry
    lax.fori_loop(0, NCH // NB, rot, 0)
    for j in range(NB * (NCH // NB), NCH):
        _slot(j, j % NB)

    plsc.subcore_barrier()
    pltpu.sync_copy(acc_sh.at[pl.ds(s * ROWS_PT, ROWS_PT)],
                    out_hbm.at[c, pl.ds(s * ROWS_PT, ROWS_PT)])


def _tcb_body(msg_ref, h2_ref, degp_ref, b_ref, gamma_ref, beta_ref,
              out_ref, pre_ref, sum_ref, sumsq_ref):
    p = pl.program_id(0)
    j = pl.program_id(1)

    @pl.when(p == 0)
    def _():
        deg = degp_ref[:, 0] + degp_ref[:, 1] + 1.0
        dis = lax.rsqrt(deg)
        pre = ((msg_ref[0] + msg_ref[1] + h2_ref[...]) * dis[:, None]
               + b_ref[...])
        pre_ref[pl.ds(j * RB, RB), :] = pre
        ps = jnp.sum(pre, axis=0, keepdims=True)
        pss = jnp.sum(pre * pre, axis=0, keepdims=True)

        @pl.when(j == 0)
        def _():
            sum_ref[...] = ps
            sumsq_ref[...] = pss

        @pl.when(j != 0)
        def _():
            sum_ref[...] = sum_ref[...] + ps
            sumsq_ref[...] = sumsq_ref[...] + pss

    @pl.when(p == 1)
    def _():
        mean = sum_ref[...] * (1.0 / N)
        var = sumsq_ref[...] * (1.0 / N) - mean * mean
        inv = lax.rsqrt(var + BN_EPS)
        pre = pre_ref[pl.ds(j * RB, RB), :]
        y = (pre - mean) * (inv * gamma_ref[...]) + beta_ref[...]
        out_ref[...] = jnp.maximum(y, 0.0)


def _tcb_call(msg, h2, degp, b2, gamma2, beta2):
    return pl.pallas_call(
        _tcb_body,
        grid=(2, N // RB),
        in_specs=[
            pl.BlockSpec((NC, RB, D), lambda p, j: (0, j * (1 - p), 0)),
            pl.BlockSpec((RB, D), lambda p, j: (j * (1 - p), 0)),
            pl.BlockSpec((RB, NC), lambda p, j: (j * (1 - p), 0)),
            pl.BlockSpec((1, D), lambda p, j: (0, 0)),
            pl.BlockSpec((1, D), lambda p, j: (0, 0)),
            pl.BlockSpec((1, D), lambda p, j: (0, 0)),
        ],
        out_specs=pl.BlockSpec((RB, D), lambda p, j: (j, 0)),
        out_shape=jax.ShapeDtypeStruct((N, D), jnp.float32),
        scratch_shapes=[
            pltpu.VMEM((N, D), jnp.float32),
            pltpu.VMEM((1, D), jnp.float32),
            pltpu.VMEM((1, D), jnp.float32),
        ],
    )(msg, h2, degp, b2, gamma2, beta2)


def kernel(x, edge_index, W, b, gamma, beta):
    src = edge_index[0].astype(jnp.int32)
    dst = edge_index[1].astype(jnp.int32)

    degs = _deg_call(dst.reshape(NW, 1, EPW))
    degp = degs.reshape(NC, DEGP)[:, :N].T
    h2 = _tca_call(x, W, degp)
    msg = _msg_call(h2,
                    src.reshape(E // CH, 1, CH),
                    dst.reshape(E // CH, 1, CH))
    return _tcb_call(msg, h2, degp, b.reshape(1, D),
                     gamma.reshape(1, D), beta.reshape(1, D))

# --- scband reference (transcript-rebuilt; emitter-appended) ---
"""Pipeline reference for scband-gnn-27745488732760 (READ-ONLY COPY).

The authoritative reference and input builder live on the scoring server;
editing this copy changes nothing except your own understanding.
"""

import jax, jax.numpy as jnp
import numpy as np

N_NODES = 10000
D = 128
N_EDGES = 320000
BN_EPS = 1e-5


def setup_inputs(seed: int = 0) -> dict:
    key = jax.random.key(seed)
    k1, k2, k3, k4 = jax.random.split(key, 4)
    x = jax.random.normal(k1, (N_NODES, D), dtype=jnp.float32)
    edge_index = jax.random.randint(k2, (2, N_EDGES), 0, N_NODES, dtype=jnp.int64)
    # GCNConv(nin=128, nin=128) parameters (glorot-style init for W, zeros for bias)
    W = jax.random.normal(k3, (D, D), dtype=jnp.float32) * (1.0 / np.sqrt(D))
    b = jnp.zeros((D,), dtype=jnp.float32)
    # BatchNorm1d(nin) affine parameters
    gamma = jnp.ones((D,), dtype=jnp.float32)
    beta = jnp.zeros((D,), dtype=jnp.float32)
    return {"x": x, "edge_index": edge_index, "W": W, "b": b, "gamma": gamma, "beta": beta}


def _gcn_conv(x, edge_index, W, b):
    # GCNConv with added self-loops and symmetric normalization:
    # out = D^{-1/2} (A + I) D^{-1/2} (x W) + b
    n = x.shape[0]
    self_loops = jnp.arange(n, dtype=edge_index.dtype)
    src = jnp.concatenate([edge_index[0], self_loops])
    dst = jnp.concatenate([edge_index[1], self_loops])
    deg = jnp.zeros((n,), dtype=x.dtype).at[dst].add(1.0)
    deg_inv_sqrt = jnp.where(deg > 0, 1.0 / jnp.sqrt(deg), 0.0)
    norm = deg_inv_sqrt[src] * deg_inv_sqrt[dst]
    h = x @ W
    msgs = h[src] * norm[:, None]
    out = jnp.zeros((n, h.shape[1]), dtype=x.dtype).at[dst].add(msgs)
    return out + b


def _batchnorm1d(x, gamma, beta):
    # training-mode batch statistics (biased variance), as in nn.BatchNorm1d
    mean = jnp.mean(x, axis=0)
    var = jnp.mean((x - mean) ** 2, axis=0)
    return (x - mean) / jnp.sqrt(var + BN_EPS) * gamma + beta


def reference(x, edge_index, W, b, gamma, beta):
    # layer_num = 1 block: GCNConv -> BatchNorm1d -> ReLU -> Dropout(p=0.0)
    h = _gcn_conv(x, edge_index, W, b)
    h = _batchnorm1d(h, gamma, beta)
    h = jax.nn.relu(h)
    # Dropout with p=0.0 is identity
    # nin == nout -> output_encoder is Identity
    return h

if __name__ == "__main__":
    import jax
    _d = setup_inputs()
    print(jax.jit(kernel)(*tuple(_d.values())))

</pallas_src>

<mosaic_0001>
#map = affine_map<(d0, d1) -> (0, 0, 0)>
module attributes {stable_mosaic.version = 14 : i64} {
  func.func @_deg_call(%arg0: i32, %arg1: i32, %arg2: memref<32x1x10000xi32, #tpu.memory_space<hbm>>, %arg3: memref<32x1x640xf32, #tpu.memory_space<hbm>>, %arg4: memref<1x10000xi32, #tpu.memory_space<vmem>>, %arg5: memref<1x10240xf32, #tpu.memory_space<vmem>>, %arg6: memref<16x1x640xf32, #tpu.memory_space<vmem>>, %arg7: memref<1x640xf32, #tpu.memory_space<vmem>>, %arg8: memref<16x1x10240xf32, #tpu.memory_space<vmem_shared>>) attributes {dimension_semantics = [#tpu.dimension_semantics<core_parallel>, #tpu.dimension_semantics<subcore_parallel>], iteration_bounds = array<i64: 2, 16>, scalar_prefetch = 0 : i64, scratch_operands = 5 : i64, tpu.core_type = #tpu.core_type<sc_vector_subcore>, window_params = [{transform_indices = #map}, {transform_indices = #map}]} {
    %mul3A = arith.constant 16 : i32
    %mul3A_0 = arith.muli %arg0, %mul3A : i32
    %add3A = arith.addi %mul3A_0, %arg1 : i32
    %broadcast_in_dim3A = arith.constant 0.000000e+00 : f32
    %broadcast_in_dim3A_1 = vector.broadcast %broadcast_in_dim3A : f32 to vector<16xf32>
    %broadcast_in_dim3A_2 = arith.constant 0 : i32
    %broadcast_in_dim3A_3 = vector.broadcast %broadcast_in_dim3A_2 : i32 to vector<16xi32>
    %broadcast_in_dim3A_4 = arith.constant 1.000000e+00 : f32
    %broadcast_in_dim3A_5 = vector.broadcast %broadcast_in_dim3A_4 : f32 to vector<16xf32>
    %scan3A = arith.constant 0 : i32
    %scan3A_6 = arith.constant 0 : i32
    %scan3A_7 = arith.constant 640 : i32
    %scan3A_8 = arith.addi %scan3A_6, %scan3A_7 : i32
    %scan3A_9 = arith.constant 1 : i32
    scf.for %scan3A_86 = %scan3A_6 to %scan3A_8 step %scan3A_9  : i32 {
      %mul3A_87 = arith.constant 16 : i32
      %mul3A_88 = arith.muli %scan3A_86, %mul3A_87 : i32
      %swap3A = arith.constant 0 : i32
      %swap3A_89 = arith.index_cast %swap3A : i32 to index
      %swap3A_90 = arith.index_cast %mul3A_88 : i32 to index
      %swap3A_91 = tpu.vector_load %arg5[%swap3A_89, %swap3A_90] {strides = array<i32>} : memref<1x10240xf32, #tpu.memory_space<vmem>>, vector<16xf32>,
      tpu.vector_store %arg5[%swap3A_89, %swap3A_90], %broadcast_in_dim3A_1 {strides = array<i32>} : memref<1x10240xf32, #tpu.memory_space<vmem>>, vector<16xf32>,
    }
    %scan3A_10 = arith.constant 640 : i32
    "tpu.region"() ({
      %run_scoped3A_86 = tpu.sem_alloc : memref<!tpu.dma_semaphore, #tpu.memory_space<semaphore_mem>>
      %dma_start3A = arith.constant 0 : i32
      %dma_start3A_87 = arith.constant 0 : i32
      %dma_start3A_88 = tpu.memref_slice %arg2[%add3A, %dma_start3A, %dma_start3A_87] : memref<32x1x10000xi32, #tpu.memory_space<hbm>> -> memref<1x1x10000xi32, #tpu.memory_space<hbm>>
      %dma_start3A_89 = tpu.memref_squeeze %dma_start3A_88 : memref<1x1x10000xi32, #tpu.memory_space<hbm>> -> memref<1x10000xi32, #tpu.memory_space<hbm>>
      %dma_start3A_90 = arith.constant 0 : i32
      %dma_start3A_91 = arith.constant 0 : i32
      %dma_start3A_92 = tpu.memref_slice %arg2[%add3A, %dma_start3A_90, %dma_start3A_91] : memref<32x1x10000xi32, #tpu.memory_space<hbm>> -> memref<1x1x10000xi32, #tpu.memory_space<hbm>>
      %dma_start3A_93 = tpu.memref_squeeze %dma_start3A_92 : memref<1x1x10000xi32, #tpu.memory_space<hbm>> -> memref<1x10000xi32, #tpu.memory_space<hbm>>
      tpu.enqueue_dma source(%dma_start3A_93 : memref<1x10000xi32, #tpu.memory_space<hbm>>) target(%arg4 : memref<1x10000xi32, #tpu.memory_space<vmem>>) target_semaphore(%run_scoped3A_86 : memref<!tpu.dma_semaphore, #tpu.memory_space<semaphore_mem>>)
      %dma_wait3A = arith.constant 0 : i32
      %dma_wait3A_94 = arith.constant 0 : i32
      %dma_wait3A_95 = tpu.memref_slice %arg2[%add3A, %dma_wait3A, %dma_wait3A_94] : memref<32x1x10000xi32, #tpu.memory_space<hbm>> -> memref<1x1x10000xi32, #tpu.memory_space<hbm>>
      %dma_wait3A_96 = tpu.memref_squeeze %dma_wait3A_95 : memref<1x1x10000xi32, #tpu.memory_space<hbm>> -> memref<1x10000xi32, #tpu.memory_space<hbm>>
      %dma_wait3A_97 = arith.constant 0 : i32
      %dma_wait3A_98 = arith.constant 0 : i32
      %dma_wait3A_99 = tpu.memref_slice %arg2[%add3A, %dma_wait3A_97, %dma_wait3A_98] : memref<32x1x10000xi32, #tpu.memory_space<hbm>> -> memref<1x1x10000xi32, #tpu.memory_space<hbm>>
      %dma_wait3A_100 = tpu.memref_squeeze %dma_wait3A_99 : memref<1x1x10000xi32, #tpu.memory_space<hbm>> -> memref<1x10000xi32, #tpu.memory_space<hbm>>
      tpu.wait_dma2 semaphore(%run_scoped3A_86 : memref<!tpu.dma_semaphore, #tpu.memory_space<semaphore_mem>>) src(%dma_wait3A_100 : memref<1x10000xi32, #tpu.memory_space<hbm>>) dst(%arg4 : memref<1x10000xi32, #tpu.memory_space<vmem>>)
      tpu.yield
    }) : () -> ()
    %scan3A_11 = arith.constant 0 : i32
    %scan3A_12 = arith.constant 0 : i32
    %scan3A_13 = arith.constant 625 : i32
    %scan3A_14 = arith.addi %scan3A_12, %scan3A_13 : i32
    %scan3A_15 = arith.constant 1 : i32
    scf.for %scan3A_86 = %scan3A_12 to %scan3A_14 step %scan3A_15  : i32 {
      %mul3A_87 = arith.constant 16 : i32
      %mul3A_88 = arith.muli %scan3A_86, %mul3A_87 : i32
      %get3A = arith.constant 0 : i32
      %get3A_89 = arith.index_cast %get3A : i32 to index
      %get3A_90 = arith.index_cast %mul3A_88 : i32 to index
      %get3A_91 = tpu.vector_load %arg4[%get3A_89, %get3A_90] {strides = array<i32>} : memref<1x10000xi32, #tpu.memory_space<vmem>>, vector<16xi32>,
      tpu.vector_store_idx %arg5[%broadcast_in_dim3A_3, %get3A_91], %broadcast_in_dim3A_5 {add = true} : memref<1x10240xf32, #tpu.memory_space<vmem>>[vector<16xi32>, vector<16xi32>], vector<16xf32>,
    }
    %scan3A_16 = arith.constant 625 : i32
    "tpu.region"() ({
      %run_scoped3A_86 = tpu.sem_alloc : memref<!tpu.dma_semaphore, #tpu.memory_space<semaphore_mem>>
      %dma_start3A = arith.constant 0 : i32
      %dma_start3A_87 = arith.constant 0 : i32
      %dma_start3A_88 = tpu.memref_slice %arg8[%arg1, %dma_start3A, %dma_start3A_87] : memref<16x1x10240xf32, #tpu.memory_space<vmem_shared>> -> memref<1x1x10240xf32, #tpu.memory_space<vmem_shared>>
      %dma_start3A_89 = tpu.memref_squeeze %dma_start3A_88 : memref<1x1x10240xf32, #tpu.memory_space<vmem_shared>> -> memref<1x10240xf32, #tpu.memory_space<vmem_shared>>
      %dma_start3A_90 = arith.constant 0 : i32
      %dma_start3A_91 = arith.constant 0 : i32
      %dma_start3A_92 = tpu.memref_slice %arg8[%arg1, %dma_start3A_90, %dma_start3A_91] : memref<16x1x10240xf32, #tpu.memory_space<vmem_shared>> -> memref<1x1x10240xf32, #tpu.memory_space<vmem_shared>>
      %dma_start3A_93 = tpu.memref_squeeze %dma_start3A_92 : memref<1x1x10240xf32, #tpu.memory_space<vmem_shared>> -> memref<1x10240xf32, #tpu.memory_space<vmem_shared>>
      tpu.enqueue_dma source(%arg5 : memref<1x10240xf32, #tpu.memory_space<vmem>>) target(%dma_start3A_93 : memref<1x10240xf32, #tpu.memory_space<vmem_shared>>) target_semaphore(%run_scoped3A_86 : memref<!tpu.dma_semaphore, #tpu.memory_space<semaphore_mem>>)
      %dma_wait3A = arith.constant 0 : i32
      %dma_wait3A_94 = arith.constant 0 : i32
      %dma_wait3A_95 = tpu.memref_slice %arg8[%arg1, %dma_wait3A, %dma_wait3A_94] : memref<16x1x10240xf32, #tpu.memory_space<vmem_shared>> -> memref<1x1x10240xf32, #tpu.memory_space<vmem_shared>>
      %dma_wait3A_96 = tpu.memref_squeeze %dma_wait3A_95 : memref<1x1x10240xf32, #tpu.memory_space<vmem_shared>> -> memref<1x10240xf32, #tpu.memory_space<vmem_shared>>
      %dma_wait3A_97 = arith.constant 0 : i32
      %dma_wait3A_98 = arith.constant 0 : i32
      %dma_wait3A_99 = tpu.memref_slice %arg8[%arg1, %dma_wait3A_97, %dma_wait3A_98] : memref<16x1x10240xf32, #tpu.memory_space<vmem_shared>> -> memref<1x1x10240xf32, #tpu.memory_space<vmem_shared>>
      %dma_wait3A_100 = tpu.memref_squeeze %dma_wait3A_99 : memref<1x1x10240xf32, #tpu.memory_space<vmem_shared>> -> memref<1x10240xf32, #tpu.memory_space<vmem_shared>>
      tpu.wait_dma2 semaphore(%run_scoped3A_86 : memref<!tpu.dma_semaphore, #tpu.memory_space<semaphore_mem>>) src(%arg5 : memref<1x10240xf32, #tpu.memory_space<vmem>>) dst(%dma_wait3A_100 : memref<1x10240xf32, #tpu.memory_space<vmem_shared>>)
      tpu.yield
    }) : () -> ()
    %barrier3A = arith.constant 0 : index
    tpu.barrier barrier_id(%barrier3A)
    %mul3A_17 = arith.constant 640 : i32
    %mul3A_18 = arith.muli %arg1, %mul3A_17 : i32
    %run_scoped3A = arith.constant 0 : i32
    %run_scoped3A_19 = arith.constant 0 : i32
    "tpu.region"() ({
      %run_scoped3A_86 = tpu.sem_alloc : memref<!tpu.dma_semaphore, #tpu.memory_space<semaphore_mem>>
      %dma_start3A = arith.constant 0 : i32
      %dma_start3A_87 = arith.constant 0 : i32
      %dma_start3A_88 = tpu.memref_slice %arg6[%run_scoped3A_19, %dma_start3A, %dma_start3A_87] : memref<16x1x640xf32, #tpu.memory_space<vmem>> -> memref<1x1x640xf32, #tpu.memory_space<vmem>>
      %dma_start3A_89 = tpu.memref_squeeze %dma_start3A_88 : memref<1x1x640xf32, #tpu.memory_space<vmem>> -> memref<1x640xf32, #tpu.memory_space<vmem>>
      %dma_start3A_90 = arith.constant 0 : i32
      %dma_start3A_91 = tpu.memref_slice %arg8[%run_scoped3A, %dma_start3A_90, %mul3A_18] : memref<16x1x10240xf32, #tpu.memory_space<vmem_shared>> -> memref<1x1x640xf32, #tpu.memory_space<vmem_shared>>
      %dma_start3A_92 = tpu.memref_squeeze %dma_start3A_91 : memref<1x1x640xf32, #tpu.memory_space<vmem_shared>> -> memref<1x640xf32, #tpu.memory_space<vmem_shared>>
      %dma_start3A_93 = arith.constant 0 : i32
      %dma_start3A_94 = arith.constant 0 : i32
      %dma_start3A_95 = tpu.memref_slice %arg6[%run_scoped3A_19, %dma_start3A_93, %dma_start3A_94] : memref<16x1x640xf32, #tpu.memory_space<vmem>> -> memref<1x1x640xf32, #tpu.memory_space<vmem>>
      %dma_start3A_96 = tpu.memref_squeeze %dma_start3A_95 : memref<1x1x640xf32, #tpu.memory_space<vmem>> -> memref<1x640xf32, #tpu.memory_space<vmem>>
      %dma_start3A_97 = arith.constant 0 : i32
      %dma_start3A_98 = tpu.memref_slice %arg8[%run_scoped3A, %dma_start3A_97, %mul3A_18] : memref<16x1x10240xf32, #tpu.memory_space<vmem_shared>> -> memref<1x1x640xf32, #tpu.memory_space<vmem_shared>>
      %dma_start3A_99 = tpu.memref_squeeze %dma_start3A_98 : memref<1x1x640xf32, #tpu.memory_space<vmem_shared>> -> memref<1x640xf32, #tpu.memory_space<vmem_shared>>
      tpu.enqueue_dma source(%dma_start3A_99 : memref<1x640xf32, #tpu.memory_space<vmem_shared>>) target(%dma_start3A_96 : memref<1x640xf32, #tpu.memory_space<vmem>>) target_semaphore(%run_scoped3A_86 : memref<!tpu.dma_semaphore, #tpu.memory_space<semaphore_mem>>)
      %dma_wait3A = arith.constant 0 : i32
      %dma_wait3A_100 = arith.constant 0 : i32
      %dma_wait3A_101 = tpu.memref_slice %arg6[%run_scoped3A_19, %dma_wait3A, %dma_wait3A_100] : memref<16x1x640xf32, #tpu.memory_space<vmem>> -> memref<1x1x640xf32, #tpu.memory_space<vmem>>
      %dma_wait3A_102 = tpu.memref_squeeze %dma_wait3A_101 : memref<1x1x640xf32, #tpu.memory_space<vmem>> -> memref<1x640xf32, #tpu.memory_space<vmem>>
      %dma_wait3A_103 = arith.constant 0 : i32
      %dma_wait3A_104 = tpu.memref_slice %arg8[%run_scoped3A, %dma_wait3A_103, %mul3A_18] : memref<16x1x10240xf32, #tpu.memory_space<vmem_shared>> -> memref<1x1x640xf32, #tpu.memory_space<vmem_shared>>
      %dma_wait3A_105 = tpu.memref_squeeze %dma_wait3A_104 : memref<1x1x640xf32, #tpu.memory_space<vmem_shared>> -> memref<1x640xf32, #tpu.memory_space<vmem_shared>>
      %dma_wait3A_106 = arith.constant 0 : i32
      %dma_wait3A_107 = arith.constant 0 : i32
      %dma_wait3A_108 = tpu.memref_slice %arg6[%run_scoped3A_19, %dma_wait3A_106, %dma_wait3A_107] : memref<16x1x640xf32, #tpu.memory_space<vmem>> -> memref<1x1x640xf32, #tpu.memory_space<vmem>>
      %dma_wait3A_109 = tpu.memref_squeeze %dma_wait3A_108 : memref<1x1x640xf32, #tpu.memory_space<vmem>> -> memref<1x640xf32, #tpu.memory_space<vmem>>
      %dma_wait3A_110 = arith.constant 0 : i32
      %dma_wait3A_111 = tpu.memref_slice %arg8[%run_scoped3A, %dma_wait3A_110, %mul3A_18] : memref<16x1x10240xf32, #tpu.memory_space<vmem_shared>> -> memref<1x1x640xf32, #tpu.memory_space<vmem_shared>>
      %dma_wait3A_112 = tpu.memref_squeeze %dma_wait3A_111 : memref<1x1x640xf32, #tpu.memory_space<vmem_shared>> -> memref<1x640xf32, #tpu.memory_space<vmem_shared>>
      tpu.wait_dma2 semaphore(%run_scoped3A_86 : memref<!tpu.dma_semaphore, #tpu.memory_space<semaphore_mem>>) src(%dma_wait3A_112 : memref<1x640xf32, #tpu.memory_space<vmem_shared>>) dst(%dma_wait3A_109 : memref<1x640xf32, #tpu.memory_space<vmem>>)
      tpu.yield
    }) : () -> ()
    %mul3A_20 = arith.constant 640 : i32
    %mul3A_21 = arith.muli %arg1, %mul3A_20 : i32
    %run_scoped3A_22 = arith.constant 1 : i32
    %run_scoped3A_23 = arith.constant 1 : i32
    "tpu.region"() ({
      %run_scoped3A_86 = tpu.sem_alloc : memref<!tpu.dma_semaphore, #tpu.memory_space<semaphore_mem>>
      %dma_start3A = arith.constant 0 : i32
      %dma_start3A_87 = arith.constant 0 : i32
      %dma_start3A_88 = tpu.memref_slice %arg6[%run_scoped3A_23, %dma_start3A, %dma_start3A_87] : memref<16x1x640xf32, #tpu.memory_space<vmem>> -> memref<1x1x640xf32, #tpu.memory_space<vmem>>
      %dma_start3A_89 = tpu.memref_squeeze %dma_start3A_88 : memref<1x1x640xf32, #tpu.memory_space<vmem>> -> memref<1x640xf32, #tpu.memory_space<vmem>>
      %dma_start3A_90 = arith.constant 0 : i32
      %dma_start3A_91 = tpu.memref_slice %arg8[%run_scoped3A_22, %dma_start3A_90, %mul3A_21] : memref<16x1x10240xf32, #tpu.memory_space<vmem_shared>> -> memref<1x1x640xf32, #tpu.memory_space<vmem_shared>>
      %dma_start3A_92 = tpu.memref_squeeze %dma_start3A_91 : memref<1x1x640xf32, #tpu.memory_space<vmem_shared>> -> memref<1x640xf32, #tpu.memory_space<vmem_shared>>
      %dma_start3A_93 = arith.constant 0 : i32
      %dma_start3A_94 = arith.constant 0 : i32
      %dma_start3A_95 = tpu.memref_slice %arg6[%run_scoped3A_23, %dma_start3A_93, %dma_start3A_94] : memref<16x1x640xf32, #tpu.memory_space<vmem>> -> memref<1x1x640xf32, #tpu.memory_space<vmem>>
      %dma_start3A_96 = tpu.memref_squeeze %dma_start3A_95 : memref<1x1x640xf32, #tpu.memory_space<vmem>> -> memref<1x640xf32, #tpu.memory_space<vmem>>
      %dma_start3A_97 = arith.constant 0 : i32
      %dma_start3A_98 = tpu.memref_slice %arg8[%run_scoped3A_22, %dma_start3A_97, %mul3A_21] : memref<16x1x10240xf32, #tpu.memory_space<vmem_shared>> -> memref<1x1x640xf32, #tpu.memory_space<vmem_shared>>
      %dma_start3A_99 = tpu.memref_squeeze %dma_start3A_98 : memref<1x1x640xf32, #tpu.memory_space<vmem_shared>> -> memref<1x640xf32, #tpu.memory_space<vmem_shared>>
      tpu.enqueue_dma source(%dma_start3A_99 : memref<1x640xf32, #tpu.memory_space<vmem_shared>>) target(%dma_start3A_96 : memref<1x640xf32, #tpu.memory_space<vmem>>) target_semaphore(%run_scoped3A_86 : memref<!tpu.dma_semaphore, #tpu.memory_space<semaphore_mem>>)
      %dma_wait3A = arith.constant 0 : i32
      %dma_wait3A_100 = arith.constant 0 : i32
      %dma_wait3A_101 = tpu.memref_slice %arg6[%run_scoped3A_23, %dma_wait3A, %dma_wait3A_100] : memref<16x1x640xf32, #tpu.memory_space<vmem>> -> memref<1x1x640xf32, #tpu.memory_space<vmem>>
      %dma_wait3A_102 = tpu.memref_squeeze %dma_wait3A_101 : memref<1x1x640xf32, #tpu.memory_space<vmem>> -> memref<1x640xf32, #tpu.memory_space<vmem>>
      %dma_wait3A_103 = arith.constant 0 : i32
      %dma_wait3A_104 = tpu.memref_slice %arg8[%run_scoped3A_22, %dma_wait3A_103, %mul3A_21] : memref<16x1x10240xf32, #tpu.memory_space<vmem_shared>> -> memref<1x1x640xf32, #tpu.memory_space<vmem_shared>>
      %dma_wait3A_105 = tpu.memref_squeeze %dma_wait3A_104 : memref<1x1x640xf32, #tpu.memory_space<vmem_shared>> -> memref<1x640xf32, #tpu.memory_space<vmem_shared>>
      %dma_wait3A_106 = arith.constant 0 : i32
      %dma_wait3A_107 = arith.constant 0 : i32
      %dma_wait3A_108 = tpu.memref_slice %arg6[%run_scoped3A_23, %dma_wait3A_106, %dma_wait3A_107] : memref<16x1x640xf32, #tpu.memory_space<vmem>> -> memref<1x1x640xf32, #tpu.memory_space<vmem>>
      %dma_wait3A_109 = tpu.memref_squeeze %dma_wait3A_108 : memref<1x1x640xf32, #tpu.memory_space<vmem>> -> memref<1x640xf32, #tpu.memory_space<vmem>>
      %dma_wait3A_110 = arith.constant 0 : i32
      %dma_wait3A_111 = tpu.memref_slice %arg8[%run_scoped3A_22, %dma_wait3A_110, %mul3A_21] : memref<16x1x10240xf32, #tpu.memory_space<vmem_shared>> -> memref<1x1x640xf32, #tpu.memory_space<vmem_shared>>
      %dma_wait3A_112 = tpu.memref_squeeze %dma_wait3A_111 : memref<1x1x640xf32, #tpu.memory_space<vmem_shared>> -> memref<1x640xf32, #tpu.memory_space<vmem_shared>>
      tpu.wait_dma2 semaphore(%run_scoped3A_86 : memref<!tpu.dma_semaphore, #tpu.memory_space<semaphore_mem>>) src(%dma_wait3A_112 : memref<1x640xf32, #tpu.memory_space<vmem_shared>>) dst(%dma_wait3A_109 : memref<1x640xf32, #tpu.memory_space<vmem>>)
      tpu.yield
    }) : () -> ()
    %mul3A_24 = arith.constant 640 : i32
    %mul3A_25 = arith.muli %arg1, %mul3A_24 : i32
    %run_scoped3A_26 = arith.constant 2 : i32
    %run_scoped3A_27 = arith.constant 2 : i32
    "tpu.region"() ({
      %run_scoped3A_86 = tpu.sem_alloc : memref<!tpu.dma_semaphore, #tpu.memory_space<semaphore_mem>>
      %dma_start3A = arith.constant 0 : i32
      %dma_start3A_87 = arith.constant 0 : i32
      %dma_start3A_88 = tpu.memref_slice %arg6[%run_scoped3A_27, %dma_start3A, %dma_start3A_87] : memref<16x1x640xf32, #tpu.memory_space<vmem>> -> memref<1x1x640xf32, #tpu.memory_space<vmem>>
      %dma_start3A_89 = tpu.memref_squeeze %dma_start3A_88 : memref<1x1x640xf32, #tpu.memory_space<vmem>> -> memref<1x640xf32, #tpu.memory_space<vmem>>
      %dma_start3A_90 = arith.constant 0 : i32
      %dma_start3A_91 = tpu.memref_slice %arg8[%run_scoped3A_26, %dma_start3A_90, %mul3A_25] : memref<16x1x10240xf32, #tpu.memory_space<vmem_shared>> -> memref<1x1x640xf32, #tpu.memory_space<vmem_shared>>
      %dma_start3A_92 = tpu.memref_squeeze %dma_start3A_91 : memref<1x1x640xf32, #tpu.memory_space<vmem_shared>> -> memref<1x640xf32, #tpu.memory_space<vmem_shared>>
      %dma_start3A_93 = arith.constant 0 : i32
      %dma_start3A_94 = arith.constant 0 : i32
      %dma_start3A_95 = tpu.memref_slice %arg6[%run_scoped3A_27, %dma_start3A_93, %dma_start3A_94] : memref<16x1x640xf32, #tpu.memory_space<vmem>> -> memref<1x1x640xf32, #tpu.memory_space<vmem>>
      %dma_start3A_96 = tpu.memref_squeeze %dma_start3A_95 : memref<1x1x640xf32, #tpu.memory_space<vmem>> -> memref<1x640xf32, #tpu.memory_space<vmem>>
      %dma_start3A_97 = arith.constant 0 : i32
      %dma_start3A_98 = tpu.memref_slice %arg8[%run_scoped3A_26, %dma_start3A_97, %mul3A_25] : memref<16x1x10240xf32, #tpu.memory_space<vmem_shared>> -> memref<1x1x640xf32, #tpu.memory_space<vmem_shared>>
      %dma_start3A_99 = tpu.memref_squeeze %dma_start3A_98 : memref<1x1x640xf32, #tpu.memory_space<vmem_shared>> -> memref<1x640xf32, #tpu.memory_space<vmem_shared>>
      tpu.enqueue_dma source(%dma_start3A_99 : memref<1x640xf32, #tpu.memory_space<vmem_shared>>) target(%dma_start3A_96 : memref<1x640xf32, #tpu.memory_space<vmem>>) target_semaphore(%run_scoped3A_86 : memref<!tpu.dma_semaphore, #tpu.memory_space<semaphore_mem>>)
      %dma_wait3A = arith.constant 0 : i32
      %dma_wait3A_100 = arith.constant 0 : i32
      %dma_wait3A_101 = tpu.memref_slice %arg6[%run_scoped3A_27, %dma_wait3A, %dma_wait3A_100] : memref<16x1x640xf32, #tpu.memory_space<vmem>> -> memref<1x1x640xf32, #tpu.memory_space<vmem>>
      %dma_wait3A_102 = tpu.memref_squeeze %dma_wait3A_101 : memref<1x1x640xf32, #tpu.memory_space<vmem>> -> memref<1x640xf32, #tpu.memory_space<vmem>>
      %dma_wait3A_103 = arith.constant 0 : i32
      %dma_wait3A_104 = tpu.memref_slice %arg8[%run_scoped3A_26, %dma_wait3A_103, %mul3A_25] : memref<16x1x10240xf32, #tpu.memory_space<vmem_shared>> -> memref<1x1x640xf32, #tpu.memory_space<vmem_shared>>
      %dma_wait3A_105 = tpu.memref_squeeze %dma_wait3A_104 : memref<1x1x640xf32, #tpu.memory_space<vmem_shared>> -> memref<1x640xf32, #tpu.memory_space<vmem_shared>>
      %dma_wait3A_106 = arith.constant 0 : i32
      %dma_wait3A_107 = arith.constant 0 : i32
      %dma_wait3A_108 = tpu.memref_slice %arg6[%run_scoped3A_27, %dma_wait3A_106, %dma_wait3A_107] : memref<16x1x640xf32, #tpu.memory_space<vmem>> -> memref<1x1x640xf32, #tpu.memory_space<vmem>>
      %dma_wait3A_109 = tpu.memref_squeeze %dma_wait3A_108 : memref<1x1x640xf32, #tpu.memory_space<vmem>> -> memref<1x640xf32, #tpu.memory_space<vmem>>
      %dma_wait3A_110 = arith.constant 0 : i32
      %dma_wait3A_111 = tpu.memref_slice %arg8[%run_scoped3A_26, %dma_wait3A_110, %mul3A_25] : memref<16x1x10240xf32, #tpu.memory_space<vmem_shared>> -> memref<1x1x640xf32, #tpu.memory_space<vmem_shared>>
      %dma_wait3A_112 = tpu.memref_squeeze %dma_wait3A_111 : memref<1x1x640xf32, #tpu.memory_space<vmem_shared>> -> memref<1x640xf32, #tpu.memory_space<vmem_shared>>
      tpu.wait_dma2 semaphore(%run_scoped3A_86 : memref<!tpu.dma_semaphore, #tpu.memory_space<semaphore_mem>>) src(%dma_wait3A_112 : memref<1x640xf32, #tpu.memory_space<vmem_shared>>) dst(%dma_wait3A_109 : memref<1x640xf32, #tpu.memory_space<vmem>>)
      tpu.yield
    }) : () -> ()
    %mul3A_28 = arith.constant 640 : i32
    %mul3A_29 = arith.muli %arg1, %mul3A_28 : i32
    %run_scoped3A_30 = arith.constant 3 : i32
    %run_scoped3A_31 = arith.constant 3 : i32
    "tpu.region"() ({
      %run_scoped3A_86 = tpu.sem_alloc : memref<!tpu.dma_semaphore, #tpu.memory_space<semaphore_mem>>
      %dma_start3A = arith.constant 0 : i32
      %dma_start3A_87 = arith.constant 0 : i32
      %dma_start3A_88 = tpu.memref_slice %arg6[%run_scoped3A_31, %dma_start3A, %dma_start3A_87] : memref<16x1x640xf32, #tpu.memory_space<vmem>> -> memref<1x1x640xf32, #tpu.memory_space<vmem>>
      %dma_start3A_89 = tpu.memref_squeeze %dma_start3A_88 : memref<1x1x640xf32, #tpu.memory_space<vmem>> -> memref<1x640xf32, #tpu.memory_space<vmem>>
      %dma_start3A_90 = arith.constant 0 : i32
      %dma_start3A_91 = tpu.memref_slice %arg8[%run_scoped3A_30, %dma_start3A_90, %mul3A_29] : memref<16x1x10240xf32, #tpu.memory_space<vmem_shared>> -> memref<1x1x640xf32, #tpu.memory_space<vmem_shared>>
      %dma_start3A_92 = tpu.memref_squeeze %dma_start3A_91 : memref<1x1x640xf32, #tpu.memory_space<vmem_shared>> -> memref<1x640xf32, #tpu.memory_space<vmem_shared>>
      %dma_start3A_93 = arith.constant 0 : i32
      %dma_start3A_94 = arith.constant 0 : i32
      %dma_start3A_95 = tpu.memref_slice %arg6[%run_scoped3A_31, %dma_start3A_93, %dma_start3A_94] : memref<16x1x640xf32, #tpu.memory_space<vmem>> -> memref<1x1x640xf32, #tpu.memory_space<vmem>>
      %dma_start3A_96 = tpu.memref_squeeze %dma_start3A_95 : memref<1x1x640xf32, #tpu.memory_space<vmem>> -> memref<1x640xf32, #tpu.memory_space<vmem>>
      %dma_start3A_97 = arith.constant 0 : i32
      %dma_start3A_98 = tpu.memref_slice %arg8[%run_scoped3A_30, %dma_start3A_97, %mul3A_29] : memref<16x1x10240xf32, #tpu.memory_space<vmem_shared>> -> memref<1x1x640xf32, #tpu.memory_space<vmem_shared>>
      %dma_start3A_99 = tpu.memref_squeeze %dma_start3A_98 : memref<1x1x640xf32, #tpu.memory_space<vmem_shared>> -> memref<1x640xf32, #tpu.memory_space<vmem_shared>>
      tpu.enqueue_dma source(%dma_start3A_99 : memref<1x640xf32, #tpu.memory_space<vmem_shared>>) target(%dma_start3A_96 : memref<1x640xf32, #tpu.memory_space<vmem>>) target_semaphore(%run_scoped3A_86 : memref<!tpu.dma_semaphore, #tpu.memory_space<semaphore_mem>>)
      %dma_wait3A = arith.constant 0 : i32
      %dma_wait3A_100 = arith.constant 0 : i32
      %dma_wait3A_101 = tpu.memref_slice %arg6[%run_scoped3A_31, %dma_wait3A, %dma_wait3A_100] : memref<16x1x640xf32, #tpu.memory_space<vmem>> -> memref<1x1x640xf32, #tpu.memory_space<vmem>>
      %dma_wait3A_102 = tpu.memref_squeeze %dma_wait3A_101 : memref<1x1x640xf32, #tpu.memory_space<vmem>> -> memref<1x640xf32, #tpu.memory_space<vmem>>
      %dma_wait3A_103 = arith.constant 0 : i32
      %dma_wait3A_104 = tpu.memref_slice %arg8[%run_scoped3A_30, %dma_wait3A_103, %mul3A_29] : memref<16x1x10240xf32, #tpu.memory_space<vmem_shared>> -> memref<1x1x640xf32, #tpu.memory_space<vmem_shared>>
      %dma_wait3A_105 = tpu.memref_squeeze %dma_wait3A_104 : memref<1x1x640xf32, #tpu.memory_space<vmem_shared>> -> memref<1x640xf32, #tpu.memory_space<vmem_shared>>
      %dma_wait3A_106 = arith.constant 0 : i32
      %dma_wait3A_107 = arith.constant 0 : i32
      %dma_wait3A_108 = tpu.memref_slice %arg6[%run_scoped3A_31, %dma_wait3A_106, %dma_wait3A_107] : memref<16x1x640xf32, #tpu.memory_space<vmem>> -> memref<1x1x640xf32, #tpu.memory_space<vmem>>
      %dma_wait3A_109 = tpu.memref_squeeze %dma_wait3A_108 : memref<1x1x640xf32, #tpu.memory_space<vmem>> -> memref<1x640xf32, #tpu.memory_space<vmem>>
      %dma_wait3A_110 = arith.constant 0 : i32
      %dma_wait3A_111 = tpu.memref_slice %arg8[%run_scoped3A_30, %dma_wait3A_110, %mul3A_29] : memref<16x1x10240xf32, #tpu.memory_space<vmem_shared>> -> memref<1x1x640xf32, #tpu.memory_space<vmem_shared>>
      %dma_wait3A_112 = tpu.memref_squeeze %dma_wait3A_111 : memref<1x1x640xf32, #tpu.memory_space<vmem_shared>> -> memref<1x640xf32, #tpu.memory_space<vmem_shared>>
      tpu.wait_dma2 semaphore(%run_scoped3A_86 : memref<!tpu.dma_semaphore, #tpu.memory_space<semaphore_mem>>) src(%dma_wait3A_112 : memref<1x640xf32, #tpu.memory_space<vmem_shared>>) dst(%dma_wait3A_109 : memref<1x640xf32, #tpu.memory_space<vmem>>)
      tpu.yield
    }) : () -> ()
    %mul3A_32 = arith.constant 640 : i32
    %mul3A_33 = arith.muli %arg1, %mul3A_32 : i32
    %run_scoped3A_34 = arith.constant 4 : i32
    %run_scoped3A_35 = arith.constant 4 : i32
    "tpu.region"() ({
      %run_scoped3A_86 = tpu.sem_alloc : memref<!tpu.dma_semaphore, #tpu.memory_space<semaphore_mem>>
      %dma_start3A = arith.constant 0 : i32
      %dma_start3A_87 = arith.constant 0 : i32
      %dma_start3A_88 = tpu.memref_slice %arg6[%run_scoped3A_35, %dma_start3A, %dma_start3A_87] : memref<16x1x640xf32, #tpu.memory_space<vmem>> -> memref<1x1x640xf32, #tpu.memory_space<vmem>>
      %dma_start3A_89 = tpu.memref_squeeze %dma_start3A_88 : memref<1x1x640xf32, #tpu.memory_space<vmem>> -> memref<1x640xf32, #tpu.memory_space<vmem>>
      %dma_start3A_90 = arith.constant 0 : i32
      %dma_start3A_91 = tpu.memref_slice %arg8[%run_scoped3A_34, %dma_start3A_90, %mul3A_33] : memref<16x1x10240xf32, #tpu.memory_space<vmem_shared>> -> memref<1x1x640xf32, #tpu.memory_space<vmem_shared>>
      %dma_start3A_92 = tpu.memref_squeeze %dma_start3A_91 : memref<1x1x640xf32, #tpu.memory_space<vmem_shared>> -> memref<1x640xf32, #tpu.memory_space<vmem_shared>>
      %dma_start3A_93 = arith.constant 0 : i32
      %dma_start3A_94 = arith.constant 0 : i32
      %dma_start3A_95 = tpu.memref_slice %arg6[%run_scoped3A_35, %dma_start3A_93, %dma_start3A_94] : memref<16x1x640xf32, #tpu.memory_space<vmem>> -> memref<1x1x640xf32, #tpu.memory_space<vmem>>
      %dma_start3A_96 = tpu.memref_squeeze %dma_start3A_95 : memref<1x1x640xf32, #tpu.memory_space<vmem>> -> memref<1x640xf32, #tpu.memory_space<vmem>>
      %dma_start3A_97 = arith.constant 0 : i32
      %dma_start3A_98 = tpu.memref_slice %arg8[%run_scoped3A_34, %dma_start3A_97, %mul3A_33] : memref<16x1x10240xf32, #tpu.memory_space<vmem_shared>> -> memref<1x1x640xf32, #tpu.memory_space<vmem_shared>>
      %dma_start3A_99 = tpu.memref_squeeze %dma_start3A_98 : memref<1x1x640xf32, #tpu.memory_space<vmem_shared>> -> memref<1x640xf32, #tpu.memory_space<vmem_shared>>
      tpu.enqueue_dma source(%dma_start3A_99 : memref<1x640xf32, #tpu.memory_space<vmem_shared>>) target(%dma_start3A_96 : memref<1x640xf32, #tpu.memory_space<vmem>>) target_semaphore(%run_scoped3A_86 : memref<!tpu.dma_semaphore, #tpu.memory_space<semaphore_mem>>)
      %dma_wait3A = arith.constant 0 : i32
      %dma_wait3A_100 = arith.constant 0 : i32
      %dma_wait3A_101 = tpu.memref_slice %arg6[%run_scoped3A_35, %dma_wait3A, %dma_wait3A_100] : memref<16x1x640xf32, #tpu.memory_space<vmem>> -> memref<1x1x640xf32, #tpu.memory_space<vmem>>
      %dma_wait3A_102 = tpu.memref_squeeze %dma_wait3A_101 : memref<1x1x640xf32, #tpu.memory_space<vmem>> -> memref<1x640xf32, #tpu.memory_space<vmem>>
      %dma_wait3A_103 = arith.constant 0 : i32
      %dma_wait3A_104 = tpu.memref_slice %arg8[%run_scoped3A_34, %dma_wait3A_103, %mul3A_33] : memref<16x1x10240xf32, #tpu.memory_space<vmem_shared>> -> memref<1x1x640xf32, #tpu.memory_space<vmem_shared>>
      %dma_wait3A_105 = tpu.memref_squeeze %dma_wait3A_104 : memref<1x1x640xf32, #tpu.memory_space<vmem_shared>> -> memref<1x640xf32, #tpu.memory_space<vmem_shared>>
      %dma_wait3A_106 = arith.constant 0 : i32
      %dma_wait3A_107 = arith.constant 0 : i32
      %dma_wait3A_108 = tpu.memref_slice %arg6[%run_scoped3A_35, %dma_wait3A_106, %dma_wait3A_107] : memref<16x1x640xf32, #tpu.memory_space<vmem>> -> memref<1x1x640xf32, #tpu.memory_space<vmem>>
      %dma_wait3A_109 = tpu.memref_squeeze %dma_wait3A_108 : memref<1x1x640xf32, #tpu.memory_space<vmem>> -> memref<1x640xf32, #tpu.memory_space<vmem>>
      %dma_wait3A_110 = arith.constant 0 : i32
      %dma_wait3A_111 = tpu.memref_slice %arg8[%run_scoped3A_34, %dma_wait3A_110, %mul3A_33] : memref<16x1x10240xf32, #tpu.memory_space<vmem_shared>> -> memref<1x1x640xf32, #tpu.memory_space<vmem_shared>>
      %dma_wait3A_112 = tpu.memref_squeeze %dma_wait3A_111 : memref<1x1x640xf32, #tpu.memory_space<vmem_shared>> -> memref<1x640xf32, #tpu.memory_space<vmem_shared>>
      tpu.wait_dma2 semaphore(%run_scoped3A_86 : memref<!tpu.dma_semaphore, #tpu.memory_space<semaphore_mem>>) src(%dma_wait3A_112 : memref<1x640xf32, #tpu.memory_space<vmem_shared>>) dst(%dma_wait3A_109 : memref<1x640xf32, #tpu.memory_space<vmem>>)
      tpu.yield
    }) : () -> ()
    %mul3A_36 = arith.constant 640 : i32
    %mul3A_37 = arith.muli %arg1, %mul3A_36 : i32
    %run_scoped3A_38 = arith.constant 5 : i32
    %run_scoped3A_39 = arith.constant 5 : i32
    "tpu.region"() ({
      %run_scoped3A_86 = tpu.sem_alloc : memref<!tpu.dma_semaphore, #tpu.memory_space<semaphore_mem>>
      %dma_start3A = arith.constant 0 : i32
      %dma_start3A_87 = arith.constant 0 : i32
      %dma_start3A_88 = tpu.memref_slice %arg6[%run_scoped3A_39, %dma_start3A, %dma_start3A_87] : memref<16x1x640xf32, #tpu.memory_space<vmem>> -> memref<1x1x640xf32, #tpu.memory_space<vmem>>
      %dma_start3A_89 = tpu.memref_squeeze %dma_start3A_88 : memref<1x1x640xf32, #tpu.memory_space<vmem>> -> memref<1x640xf32, #tpu.memory_space<vmem>>
      %dma_start3A_90 = arith.constant 0 : i32
      %dma_start3A_91 = tpu.memref_slice %arg8[%run_scoped3A_38, %dma_start3A_90, %mul3A_37] : memref<16x1x10240xf32, #tpu.memory_space<vmem_shared>> -> memref<1x1x640xf32, #tpu.memory_space<vmem_shared>>
      %dma_start3A_92 = tpu.memref_squeeze %dma_start3A_91 : memref<1x1x640xf32, #tpu.memory_space<vmem_shared>> -> memref<1x640xf32, #tpu.memory_space<vmem_shared>>
      %dma_start3A_93 = arith.constant 0 : i32
      %dma_start3A_94 = arith.constant 0 : i32
      %dma_start3A_95 = tpu.memref_slice %arg6[%run_scoped3A_39, %dma_start3A_93, %dma_start3A_94] : memref<16x1x640xf32, #tpu.memory_space<vmem>> -> memref<1x1x640xf32, #tpu.memory_space<vmem>>
      %dma_start3A_96 = tpu.memref_squeeze %dma_start3A_95 : memref<1x1x640xf32, #tpu.memory_space<vmem>> -> memref<1x640xf32, #tpu.memory_space<vmem>>
      %dma_start3A_97 = arith.constant 0 : i32
      %dma_start3A_98 = tpu.memref_slice %arg8[%run_scoped3A_38, %dma_start3A_97, %mul3A_37] : memref<16x1x10240xf32, #tpu.memory_space<vmem_shared>> -> memref<1x1x640xf32, #tpu.memory_space<vmem_shared>>
      %dma_start3A_99 = tpu.memref_squeeze %dma_start3A_98 : memref<1x1x640xf32, #tpu.memory_space<vmem_shared>> -> memref<1x640xf32, #tpu.memory_space<vmem_shared>>
      tpu.enqueue_dma source(%dma_start3A_99 : memref<1x640xf32, #tpu.memory_space<vmem_shared>>) target(%dma_start3A_96 : memref<1x640xf32, #tpu.memory_space<vmem>>) target_semaphore(%run_scoped3A_86 : memref<!tpu.dma_semaphore, #tpu.memory_space<semaphore_mem>>)
      %dma_wait3A = arith.constant 0 : i32
      %dma_wait3A_100 = arith.constant 0 : i32
      %dma_wait3A_101 = tpu.memref_slice %arg6[%run_scoped3A_39, %dma_wait3A, %dma_wait3A_100] : memref<16x1x640xf32, #tpu.memory_space<vmem>> -> memref<1x1x640xf32, #tpu.memory_space<vmem>>
      %dma_wait3A_102 = tpu.memref_squeeze %dma_wait3A_101 : memref<1x1x640xf32, #tpu.memory_space<vmem>> -> memref<1x640xf32, #tpu.memory_space<vmem>>
      %dma_wait3A_103 = arith.constant 0 : i32
      %dma_wait3A_104 = tpu.memref_slice %arg8[%run_scoped3A_38, %dma_wait3A_103, %mul3A_37] : memref<16x1x10240xf32, #tpu.memory_space<vmem_shared>> -> memref<1x1x640xf32, #tpu.memory_space<vmem_shared>>
      %dma_wait3A_105 = tpu.memref_squeeze %dma_wait3A_104 : memref<1x1x640xf32, #tpu.memory_space<vmem_shared>> -> memref<1x640xf32, #tpu.memory_space<vmem_shared>>
      %dma_wait3A_106 = arith.constant 0 : i32
      %dma_wait3A_107 = arith.constant 0 : i32
      %dma_wait3A_108 = tpu.memref_slice %arg6[%run_scoped3A_39, %dma_wait3A_106, %dma_wait3A_107] : memref<16x1x640xf32, #tpu.memory_space<vmem>> -> memref<1x1x640xf32, #tpu.memory_space<vmem>>
      %dma_wait3A_109 = tpu.memref_squeeze %dma_wait3A_108 : memref<1x1x640xf32, #tpu.memory_space<vmem>> -> memref<1x640xf32, #tpu.memory_space<vmem>>
      %dma_wait3A_110 = arith.constant 0 : i32
      %dma_wait3A_111 = tpu.memref_slice %arg8[%run_scoped3A_38, %dma_wait3A_110, %mul3A_37] : memref<16x1x10240xf32, #tpu.memory_space<vmem_shared>> -> memref<1x1x640xf32, #tpu.memory_space<vmem_shared>>
      %dma_wait3A_112 = tpu.memref_squeeze %dma_wait3A_111 : memref<1x1x640xf32, #tpu.memory_space<vmem_shared>> -> memref<1x640xf32, #tpu.memory_space<vmem_shared>>
      tpu.wait_dma2 semaphore(%run_scoped3A_86 : memref<!tpu.dma_semaphore, #tpu.memory_space<semaphore_mem>>) src(%dma_wait3A_112 : memref<1x640xf32, #tpu.memory_space<vmem_shared>>) dst(%dma_wait3A_109 : memref<1x640xf32, #tpu.memory_space<vmem>>)
      tpu.yield
    }) : () -> ()
    %mul3A_40 = arith.constant 640 : i32
    %mul3A_41 = arith.muli %arg1, %mul3A_40 : i32
    %run_scoped3A_42 = arith.constant 6 : i32
    %run_scoped3A_43 = arith.constant 6 : i32
    "tpu.region"() ({
      %run_scoped3A_86 = tpu.sem_alloc : memref<!tpu.dma_semaphore, #tpu.memory_space<semaphore_mem>>
      %dma_start3A = arith.constant 0 : i32
      %dma_start3A_87 = arith.constant 0 : i32
      %dma_start3A_88 = tpu.memref_slice %arg6[%run_scoped3A_43, %dma_start3A, %dma_start3A_87] : memref<16x1x640xf32, #tpu.memory_space<vmem>> -> memref<1x1x640xf32, #tpu.memory_space<vmem>>
      %dma_start3A_89 = tpu.memref_squeeze %dma_start3A_88 : memref<1x1x640xf32, #tpu.memory_space<vmem>> -> memref<1x640xf32, #tpu.memory_space<vmem>>
      %dma_start3A_90 = arith.constant 0 : i32
      %dma_start3A_91 = tpu.memref_slice %arg8[%run_scoped3A_42, %dma_start3A_90, %mul3A_41] : memref<16x1x10240xf32, #tpu.memory_space<vmem_shared>> -> memref<1x1x640xf32, #tpu.memory_space<vmem_shared>>
      %dma_start3A_92 = tpu.memref_squeeze %dma_start3A_91 : memref<1x1x640xf32, #tpu.memory_space<vmem_shared>> -> memref<1x640xf32, #tpu.memory_space<vmem_shared>>
      %dma_start3A_93 = arith.constant 0 : i32
      %dma_start3A_94 = arith.constant 0 : i32
      %dma_start3A_95 = tpu.memref_slice %arg6[%run_scoped3A_43, %dma_start3A_93, %dma_start3A_94] : memref<16x1x640xf32, #tpu.memory_space<vmem>> -> memref<1x1x640xf32, #tpu.memory_space<vmem>>
      %dma_start3A_96 = tpu.memref_squeeze %dma_start3A_95 : memref<1x1x640xf32, #tpu.memory_space<vmem>> -> memref<1x640xf32, #tpu.memory_space<vmem>>
      %dma_start3A_97 = arith.constant 0 : i32
      %dma_start3A_98 = tpu.memref_slice %arg8[%run_scoped3A_42, %dma_start3A_97, %mul3A_41] : memref<16x1x10240xf32, #tpu.memory_space<vmem_shared>> -> memref<1x1x640xf32, #tpu.memory_space<vmem_shared>>
      %dma_start3A_99 = tpu.memref_squeeze %dma_start3A_98 : memref<1x1x640xf32, #tpu.memory_space<vmem_shared>> -> memref<1x640xf32, #tpu.memory_space<vmem_shared>>
      tpu.enqueue_dma source(%dma_start3A_99 : memref<1x640xf32, #tpu.memory_space<vmem_shared>>) target(%dma_start3A_96 : memref<1x640xf32, #tpu.memory_space<vmem>>) target_semaphore(%run_scoped3A_86 : memref<!tpu.dma_semaphore, #tpu.memory_space<semaphore_mem>>)
      %dma_wait3A = arith.constant 0 : i32
      %dma_wait3A_100 = arith.constant 0 : i32
      %dma_wait3A_101 = tpu.memref_slice %arg6[%run_scoped3A_43, %dma_wait3A, %dma_wait3A_100] : memref<16x1x640xf32, #tpu.memory_space<vmem>> -> memref<1x1x640xf32, #tpu.memory_space<vmem>>
      %dma_wait3A_102 = tpu.memref_squeeze %dma_wait3A_101 : memref<1x1x640xf32, #tpu.memory_space<vmem>> -> memref<1x640xf32, #tpu.memory_space<vmem>>
      %dma_wait3A_103 = arith.constant 0 : i32
      %dma_wait3A_104 = tpu.memref_slice %arg8[%run_scoped3A_42, %dma_wait3A_103, %mul3A_41] : memref<16x1x10240xf32, #tpu.memory_space<vmem_shared>> -> memref<1x1x640xf32, #tpu.memory_space<vmem_shared>>
      %dma_wait3A_105 = tpu.memref_squeeze %dma_wait3A_104 : memref<1x1x640xf32, #tpu.memory_space<vmem_shared>> -> memref<1x640xf32, #tpu.memory_space<vmem_shared>>
      %dma_wait3A_106 = arith.constant 0 : i32
      %dma_wait3A_107 = arith.constant 0 : i32
      %dma_wait3A_108 = tpu.memref_slice %arg6[%run_scoped3A_43, %dma_wait3A_106, %dma_wait3A_107] : memref<16x1x640xf32, #tpu.memory_space<vmem>> -> memref<1x1x640xf32, #tpu.memory_space<vmem>>
      %dma_wait3A_109 = tpu.memref_squeeze %dma_wait3A_108 : memref<1x1x640xf32, #tpu.memory_space<vmem>> -> memref<1x640xf32, #tpu.memory_space<vmem>>
      %dma_wait3A_110 = arith.constant 0 : i32
      %dma_wait3A_111 = tpu.memref_slice %arg8[%run_scoped3A_42, %dma_wait3A_110, %mul3A_41] : memref<16x1x10240xf32, #tpu.memory_space<vmem_shared>> -> memref<1x1x640xf32, #tpu.memory_space<vmem_shared>>
      %dma_wait3A_112 = tpu.memref_squeeze %dma_wait3A_111 : memref<1x1x640xf32, #tpu.memory_space<vmem_shared>> -> memref<1x640xf32, #tpu.memory_space<vmem_shared>>
      tpu.wait_dma2 semaphore(%run_scoped3A_86 : memref<!tpu.dma_semaphore, #tpu.memory_space<semaphore_mem>>) src(%dma_wait3A_112 : memref<1x640xf32, #tpu.memory_space<vmem_shared>>) dst(%dma_wait3A_109 : memref<1x640xf32, #tpu.memory_space<vmem>>)
      tpu.yield
    }) : () -> ()
    %mul3A_44 = arith.constant 640 : i32
    %mul3A_45 = arith.muli %arg1, %mul3A_44 : i32
    %run_scoped3A_46 = arith.constant 7 : i32
    %run_scoped3A_47 = arith.constant 7 : i32
    "tpu.region"() ({
      %run_scoped3A_86 = tpu.sem_alloc : memref<!tpu.dma_semaphore, #tpu.memory_space<semaphore_mem>>
      %dma_start3A = arith.constant 0 : i32
      %dma_start3A_87 = arith.constant 0 : i32
      %dma_start3A_88 = tpu.memref_slice %arg6[%run_scoped3A_47, %dma_start3A, %dma_start3A_87] : memref<16x1x640xf32, #tpu.memory_space<vmem>> -> memref<1x1x640xf32, #tpu.memory_space<vmem>>
      %dma_start3A_89 = tpu.memref_squeeze %dma_start3A_88 : memref<1x1x640xf32, #tpu.memory_space<vmem>> -> memref<1x640xf32, #tpu.memory_space<vmem>>
      %dma_start3A_90 = arith.constant 0 : i32
      %dma_start3A_91 = tpu.memref_slice %arg8[%run_scoped3A_46, %dma_start3A_90, %mul3A_45] : memref<16x1x10240xf32, #tpu.memory_space<vmem_shared>> -> memref<1x1x640xf32, #tpu.memory_space<vmem_shared>>
      %dma_start3A_92 = tpu.memref_squeeze %dma_start3A_91 : memref<1x1x640xf32, #tpu.memory_space<vmem_shared>> -> memref<1x640xf32, #tpu.memory_space<vmem_shared>>
      %dma_start3A_93 = arith.constant 0 : i32
      %dma_start3A_94 = arith.constant 0 : i32
      %dma_start3A_95 = tpu.memref_slice %arg6[%run_scoped3A_47, %dma_start3A_93, %dma_start3A_94] : memref<16x1x640xf32, #tpu.memory_space<vmem>> -> memref<1x1x640xf32, #tpu.memory_space<vmem>>
      %dma_start3A_96 = tpu.memref_squeeze %dma_start3A_95 : memref<1x1x640xf32, #tpu.memory_space<vmem>> -> memref<1x640xf32, #tpu.memory_space<vmem>>
      %dma_start3A_97 = arith.constant 0 : i32
      %dma_start3A_98 = tpu.memref_slice %arg8[%run_scoped3A_46, %dma_start3A_97, %mul3A_45] : memref<16x1x10240xf32, #tpu.memory_space<vmem_shared>> -> memref<1x1x640xf32, #tpu.memory_space<vmem_shared>>
      %dma_start3A_99 = tpu.memref_squeeze %dma_start3A_98 : memref<1x1x640xf32, #tpu.memory_space<vmem_shared>> -> memref<1x640xf32, #tpu.memory_space<vmem_shared>>
      tpu.enqueue_dma source(%dma_start3A_99 : memref<1x640xf32, #tpu.memory_space<vmem_shared>>) target(%dma_start3A_96 : memref<1x640xf32, #tpu.memory_space<vmem>>) target_semaphore(%run_scoped3A_86 : memref<!tpu.dma_semaphore, #tpu.memory_space<semaphore_mem>>)
      %dma_wait3A = arith.constant 0 : i32
      %dma_wait3A_100 = arith.constant 0 : i32
      %dma_wait3A_101 = tpu.memref_slice %arg6[%run_scoped3A_47, %dma_wait3A, %dma_wait3A_100] : memref<16x1x640xf32, #tpu.memory_space<vmem>> -> memref<1x1x640xf32, #tpu.memory_space<vmem>>
      %dma_wait3A_102 = tpu.memref_squeeze %dma_wait3A_101 : memref<1x1x640xf32, #tpu.memory_space<vmem>> -> memref<1x640xf32, #tpu.memory_space<vmem>>
      %dma_wait3A_103 = arith.constant 0 : i32
      %dma_wait3A_104 = tpu.memref_slice %arg8[%run_scoped3A_46, %dma_wait3A_103, %mul3A_45] : memref<16x1x10240xf32, #tpu.memory_space<vmem_shared>> -> memref<1x1x640xf32, #tpu.memory_space<vmem_shared>>
      %dma_wait3A_105 = tpu.memref_squeeze %dma_wait3A_104 : memref<1x1x640xf32, #tpu.memory_space<vmem_shared>> -> memref<1x640xf32, #tpu.memory_space<vmem_shared>>
      %dma_wait3A_106 = arith.constant 0 : i32
      %dma_wait3A_107 = arith.constant 0 : i32
      %dma_wait3A_108 = tpu.memref_slice %arg6[%run_scoped3A_47, %dma_wait3A_106, %dma_wait3A_107] : memref<16x1x640xf32, #tpu.memory_space<vmem>> -> memref<1x1x640xf32, #tpu.memory_space<vmem>>
      %dma_wait3A_109 = tpu.memref_squeeze %dma_wait3A_108 : memref<1x1x640xf32, #tpu.memory_space<vmem>> -> memref<1x640xf32, #tpu.memory_space<vmem>>
      %dma_wait3A_110 = arith.constant 0 : i32
      %dma_wait3A_111 = tpu.memref_slice %arg8[%run_scoped3A_46, %dma_wait3A_110, %mul3A_45] : memref<16x1x10240xf32, #tpu.memory_space<vmem_shared>> -> memref<1x1x640xf32, #tpu.memory_space<vmem_shared>>
      %dma_wait3A_112 = tpu.memref_squeeze %dma_wait3A_111 : memref<1x1x640xf32, #tpu.memory_space<vmem_shared>> -> memref<1x640xf32, #tpu.memory_space<vmem_shared>>
      tpu.wait_dma2 semaphore(%run_scoped3A_86 : memref<!tpu.dma_semaphore, #tpu.memory_space<semaphore_mem>>) src(%dma_wait3A_112 : memref<1x640xf32, #tpu.memory_space<vmem_shared>>) dst(%dma_wait3A_109 : memref<1x640xf32, #tpu.memory_space<vmem>>)
      tpu.yield
    }) : () -> ()
    %mul3A_48 = arith.constant 640 : i32
    %mul3A_49 = arith.muli %arg1, %mul3A_48 : i32
    %run_scoped3A_50 = arith.constant 8 : i32
    %run_scoped3A_51 = arith.constant 8 : i32
    "tpu.region"() ({
      %run_scoped3A_86 = tpu.sem_alloc : memref<!tpu.dma_semaphore, #tpu.memory_space<semaphore_mem>>
      %dma_start3A = arith.constant 0 : i32
      %dma_start3A_87 = arith.constant 0 : i32
      %dma_start3A_88 = tpu.memref_slice %arg6[%run_scoped3A_51, %dma_start3A, %dma_start3A_87] : memref<16x1x640xf32, #tpu.memory_space<vmem>> -> memref<1x1x640xf32, #tpu.memory_space<vmem>>
      %dma_start3A_89 = tpu.memref_squeeze %dma_start3A_88 : memref<1x1x640xf32, #tpu.memory_space<vmem>> -> memref<1x640xf32, #tpu.memory_space<vmem>>
      %dma_start3A_90 = arith.constant 0 : i32
      %dma_start3A_91 = tpu.memref_slice %arg8[%run_scoped3A_50, %dma_start3A_90, %mul3A_49] : memref<16x1x10240xf32, #tpu.memory_space<vmem_shared>> -> memref<1x1x640xf32, #tpu.memory_space<vmem_shared>>
      %dma_start3A_92 = tpu.memref_squeeze %dma_start3A_91 : memref<1x1x640xf32, #tpu.memory_space<vmem_shared>> -> memref<1x640xf32, #tpu.memory_space<vmem_shared>>
      %dma_start3A_93 = arith.constant 0 : i32
      %dma_start3A_94 = arith.constant 0 : i32
      %dma_start3A_95 = tpu.memref_slice %arg6[%run_scoped3A_51, %dma_start3A_93, %dma_start3A_94] : memref<16x1x640xf32, #tpu.memory_space<vmem>> -> memref<1x1x640xf32, #tpu.memory_space<vmem>>
      %dma_start3A_96 = tpu.memref_squeeze %dma_start3A_95 : memref<1x1x640xf32, #tpu.memory_space<vmem>> -> memref<1x640xf32, #tpu.memory_space<vmem>>
      %dma_start3A_97 = arith.constant 0 : i32
      %dma_start3A_98 = tpu.memref_slice %arg8[%run_scoped3A_50, %dma_start3A_97, %mul3A_49] : memref<16x1x10240xf32, #tpu.memory_space<vmem_shared>> -> memref<1x1x640xf32, #tpu.memory_space<vmem_shared>>
      %dma_start3A_99 = tpu.memref_squeeze %dma_start3A_98 : memref<1x1x640xf32, #tpu.memory_space<vmem_shared>> -> memref<1x640xf32, #tpu.memory_space<vmem_shared>>
      tpu.enqueue_dma source(%dma_start3A_99 : memref<1x640xf32, #tpu.memory_space<vmem_shared>>) target(%dma_start3A_96 : memref<1x640xf32, #tpu.memory_space<vmem>>) target_semaphore(%run_scoped3A_86 : memref<!tpu.dma_semaphore, #tpu.memory_space<semaphore_mem>>)
      %dma_wait3A = arith.constant 0 : i32
      %dma_wait3A_100 = arith.constant 0 : i32
      %dma_wait3A_101 = tpu.memref_slice %arg6[%run_scoped3A_51, %dma_wait3A, %dma_wait3A_100] : memref<16x1x640xf32, #tpu.memory_space<vmem>> -> memref<1x1x640xf32, #tpu.memory_space<vmem>>
      %dma_wait3A_102 = tpu.memref_squeeze %dma_wait3A_101 : memref<1x1x640xf32, #tpu.memory_space<vmem>> -> memref<1x640xf32, #tpu.memory_space<vmem>>
      %dma_wait3A_103 = arith.constant 0 : i32
      %dma_wait3A_104 = tpu.memref_slice %arg8[%run_scoped3A_50, %dma_wait3A_103, %mul3A_49] : memref<16x1x10240xf32, #tpu.memory_space<vmem_shared>> -> memref<1x1x640xf32, #tpu.memory_space<vmem_shared>>
      %dma_wait3A_105 = tpu.memref_squeeze %dma_wait3A_104 : memref<1x1x640xf32, #tpu.memory_space<vmem_shared>> -> memref<1x640xf32, #tpu.memory_space<vmem_shared>>
      %dma_wait3A_106 = arith.constant 0 : i32
      %dma_wait3A_107 = arith.constant 0 : i32
      %dma_wait3A_108 = tpu.memref_slice %arg6[%run_scoped3A_51, %dma_wait3A_106, %dma_wait3A_107] : memref<16x1x640xf32, #tpu.memory_space<vmem>> -> memref<1x1x640xf32, #tpu.memory_space<vmem>>
      %dma_wait3A_109 = tpu.memref_squeeze %dma_wait3A_108 : memref<1x1x640xf32, #tpu.memory_space<vmem>> -> memref<1x640xf32, #tpu.memory_space<vmem>>
      %dma_wait3A_110 = arith.constant 0 : i32
      %dma_wait3A_111 = tpu.memref_slice %arg8[%run_scoped3A_50, %dma_wait3A_110, %mul3A_49] : memref<16x1x10240xf32, #tpu.memory_space<vmem_shared>> -> memref<1x1x640xf32, #tpu.memory_space<vmem_shared>>
      %dma_wait3A_112 = tpu.memref_squeeze %dma_wait3A_111 : memref<1x1x640xf32, #tpu.memory_space<vmem_shared>> -> memref<1x640xf32, #tpu.memory_space<vmem_shared>>
      tpu.wait_dma2 semaphore(%run_scoped3A_86 : memref<!tpu.dma_semaphore, #tpu.memory_space<semaphore_mem>>) src(%dma_wait3A_112 : memref<1x640xf32, #tpu.memory_space<vmem_shared>>) dst(%dma_wait3A_109 : memref<1x640xf32, #tpu.memory_space<vmem>>)
      tpu.yield
    }) : () -> ()
    %mul3A_52 = arith.constant 640 : i32
    %mul3A_53 = arith.muli %arg1, %mul3A_52 : i32
    %run_scoped3A_54 = arith.constant 9 : i32
    %run_scoped3A_55 = arith.constant 9 : i32
    "tpu.region"() ({
      %run_scoped3A_86 = tpu.sem_alloc : memref<!tpu.dma_semaphore, #tpu.memory_space<semaphore_mem>>
      %dma_start3A = arith.constant 0 : i32
      %dma_start3A_87 = arith.constant 0 : i32
      %dma_start3A_88 = tpu.memref_slice %arg6[%run_scoped3A_55, %dma_start3A, %dma_start3A_87] : memref<16x1x640xf32, #tpu.memory_space<vmem>> -> memref<1x1x640xf32, #tpu.memory_space<vmem>>
      %dma_start3A_89 = tpu.memref_squeeze %dma_start3A_88 : memref<1x1x640xf32, #tpu.memory_space<vmem>> -> memref<1x640xf32, #tpu.memory_space<vmem>>
      %dma_start3A_90 = arith.constant 0 : i32
      %dma_start3A_91 = tpu.memref_slice %arg8[%run_scoped3A_54, %dma_start3A_90, %mul3A_53] : memref<16x1x10240xf32, #tpu.memory_space<vmem_shared>> -> memref<1x1x640xf32, #tpu.memory_space<vmem_shared>>
      %dma_start3A_92 = tpu.memref_squeeze %dma_start3A_91 : memref<1x1x640xf32, #tpu.memory_space<vmem_shared>> -> memref<1x640xf32, #tpu.memory_space<vmem_shared>>
      %dma_start3A_93 = arith.constant 0 : i32
      %dma_start3A_94 = arith.constant 0 : i32
      %dma_start3A_95 = tpu.memref_slice %arg6[%run_scoped3A_55, %dma_start3A_93, %dma_start3A_94] : memref<16x1x640xf32, #tpu.memory_space<vmem>> -> memref<1x1x640xf32, #tpu.memory_space<vmem>>
      %dma_start3A_96 = tpu.memref_squeeze %dma_start3A_95 : memref<1x1x640xf32, #tpu.memory_space<vmem>> -> memref<1x640xf32, #tpu.memory_space<vmem>>
      %dma_start3A_97 = arith.constant 0 : i32
      %dma_start3A_98 = tpu.memref_slice %arg8[%run_scoped3A_54, %dma_start3A_97, %mul3A_53] : memref<16x1x10240xf32, #tpu.memory_space<vmem_shared>> -> memref<1x1x640xf32, #tpu.memory_space<vmem_shared>>
      %dma_start3A_99 = tpu.memref_squeeze %dma_start3A_98 : memref<1x1x640xf32, #tpu.memory_space<vmem_shared>> -> memref<1x640xf32, #tpu.memory_space<vmem_shared>>
      tpu.enqueue_dma source(%dma_start3A_99 : memref<1x640xf32, #tpu.memory_space<vmem_shared>>) target(%dma_start3A_96 : memref<1x640xf32, #tpu.memory_space<vmem>>) target_semaphore(%run_scoped3A_86 : memref<!tpu.dma_semaphore, #tpu.memory_space<semaphore_mem>>)
      %dma_wait3A = arith.constant 0 : i32
      %dma_wait3A_100 = arith.constant 0 : i32
      %dma_wait3A_101 = tpu.memref_slice %arg6[%run_scoped3A_55, %dma_wait3A, %dma_wait3A_100] : memref<16x1x640xf32, #tpu.memory_space<vmem>> -> memref<1x1x640xf32, #tpu.memory_space<vmem>>
      %dma_wait3A_102 = tpu.memref_squeeze %dma_wait3A_101 : memref<1x1x640xf32, #tpu.memory_space<vmem>> -> memref<1x640xf32, #tpu.memory_space<vmem>>
      %dma_wait3A_103 = arith.constant 0 : i32
      %dma_wait3A_104 = tpu.memref_slice %arg8[%run_scoped3A_54, %dma_wait3A_103, %mul3A_53] : memref<16x1x10240xf32, #tpu.memory_space<vmem_shared>> -> memref<1x1x640xf32, #tpu.memory_space<vmem_shared>>
      %dma_wait3A_105 = tpu.memref_squeeze %dma_wait3A_104 : memref<1x1x640xf32, #tpu.memory_space<vmem_shared>> -> memref<1x640xf32, #tpu.memory_space<vmem_shared>>
      %dma_wait3A_106 = arith.constant 0 : i32
      %dma_wait3A_107 = arith.constant 0 : i32
      %dma_wait3A_108 = tpu.memref_slice %arg6[%run_scoped3A_55, %dma_wait3A_106, %dma_wait3A_107] : memref<16x1x640xf32, #tpu.memory_space<vmem>> -> memref<1x1x640xf32, #tpu.memory_space<vmem>>
      %dma_wait3A_109 = tpu.memref_squeeze %dma_wait3A_108 : memref<1x1x640xf32, #tpu.memory_space<vmem>> -> memref<1x640xf32, #tpu.memory_space<vmem>>
      %dma_wait3A_110 = arith.constant 0 : i32
      %dma_wait3A_111 = tpu.memref_slice %arg8[%run_scoped3A_54, %dma_wait3A_110, %mul3A_53] : memref<16x1x10240xf32, #tpu.memory_space<vmem_shared>> -> memref<1x1x640xf32, #tpu.memory_space<vmem_shared>>
      %dma_wait3A_112 = tpu.memref_squeeze %dma_wait3A_111 : memref<1x1x640xf32, #tpu.memory_space<vmem_shared>> -> memref<1x640xf32, #tpu.memory_space<vmem_shared>>
      tpu.wait_dma2 semaphore(%run_scoped3A_86 : memref<!tpu.dma_semaphore, #tpu.memory_space<semaphore_mem>>) src(%dma_wait3A_112 : memref<1x640xf32, #tpu.memory_space<vmem_shared>>) dst(%dma_wait3A_109 : memref<1x640xf32, #tpu.memory_space<vmem>>)
      tpu.yield
    }) : () -> ()
    %mul3A_56 = arith.constant 640 : i32
    %mul3A_57 = arith.muli %arg1, %mul3A_56 : i32
    %run_scoped3A_58 = arith.constant 10 : i32
    %run_scoped3A_59 = arith.constant 10 : i32
    "tpu.region"() ({
      %run_scoped3A_86 = tpu.sem_alloc : memref<!tpu.dma_semaphore, #tpu.memory_space<semaphore_mem>>
      %dma_start3A = arith.constant 0 : i32
      %dma_start3A_87 = arith.constant 0 : i32
      %dma_start3A_88 = tpu.memref_slice %arg6[%run_scoped3A_59, %dma_start3A, %dma_start3A_87] : memref<16x1x640xf32, #tpu.memory_space<vmem>> -> memref<1x1x640xf32, #tpu.memory_space<vmem>>
      %dma_start3A_89 = tpu.memref_squeeze %dma_start3A_88 : memref<1x1x640xf32, #tpu.memory_space<vmem>> -> memref<1x640xf32, #tpu.memory_space<vmem>>
      %dma_start3A_90 = arith.constant 0 : i32
      %dma_start3A_91 = tpu.memref_slice %arg8[%run_scoped3A_58, %dma_start3A_90, %mul3A_57] : memref<16x1x10240xf32, #tpu.memory_space<vmem_shared>> -> memref<1x1x640xf32, #tpu.memory_space<vmem_shared>>
      %dma_start3A_92 = tpu.memref_squeeze %dma_start3A_91 : memref<1x1x640xf32, #tpu.memory_space<vmem_shared>> -> memref<1x640xf32, #tpu.memory_space<vmem_shared>>
      %dma_start3A_93 = arith.constant 0 : i32
      %dma_start3A_94 = arith.constant 0 : i32
      %dma_start3A_95 = tpu.memref_slice %arg6[%run_scoped3A_59, %dma_start3A_93, %dma_start3A_94] : memref<16x1x640xf32, #tpu.memory_space<vmem>> -> memref<1x1x640xf32, #tpu.memory_space<vmem>>
      %dma_start3A_96 = tpu.memref_squeeze %dma_start3A_95 : memref<1x1x640xf32, #tpu.memory_space<vmem>> -> memref<1x640xf32, #tpu.memory_space<vmem>>
      %dma_start3A_97 = arith.constant 0 : i32
      %dma_start3A_98 = tpu.memref_slice %arg8[%run_scoped3A_58, %dma_start3A_97, %mul3A_57] : memref<16x1x10240xf32, #tpu.memory_space<vmem_shared>> -> memref<1x1x640xf32, #tpu.memory_space<vmem_shared>>
      %dma_start3A_99 = tpu.memref_squeeze %dma_start3A_98 : memref<1x1x640xf32, #tpu.memory_space<vmem_shared>> -> memref<1x640xf32, #tpu.memory_space<vmem_shared>>
      tpu.enqueue_dma source(%dma_start3A_99 : memref<1x640xf32, #tpu.memory_space<vmem_shared>>) target(%dma_start3A_96 : memref<1x640xf32, #tpu.memory_space<vmem>>) target_semaphore(%run_scoped3A_86 : memref<!tpu.dma_semaphore, #tpu.memory_space<semaphore_mem>>)
      %dma_wait3A = arith.constant 0 : i32
      %dma_wait3A_100 = arith.constant 0 : i32
      %dma_wait3A_101 = tpu.memref_slice %arg6[%run_scoped3A_59, %dma_wait3A, %dma_wait3A_100] : memref<16x1x640xf32, #tpu.memory_space<vmem>> -> memref<1x1x640xf32, #tpu.memory_space<vmem>>
      %dma_wait3A_102 = tpu.memref_squeeze %dma_wait3A_101 : memref<1x1x640xf32, #tpu.memory_space<vmem>> -> memref<1x640xf32, #tpu.memory_space<vmem>>
      %dma_wait3A_103 = arith.constant 0 : i32
      %dma_wait3A_104 = tpu.memref_slice %arg8[%run_scoped3A_58, %dma_wait3A_103, %mul3A_57] : memref<16x1x10240xf32, #tpu.memory_space<vmem_shared>> -> memref<1x1x640xf32, #tpu.memory_space<vmem_shared>>
      %dma_wait3A_105 = tpu.memref_squeeze %dma_wait3A_104 : memref<1x1x640xf32, #tpu.memory_space<vmem_shared>> -> memref<1x640xf32, #tpu.memory_space<vmem_shared>>
      %dma_wait3A_106 = arith.constant 0 : i32
      %dma_wait3A_107 = arith.constant 0 : i32
      %dma_wait3A_108 = tpu.memref_slice %arg6[%run_scoped3A_59, %dma_wait3A_106, %dma_wait3A_107] : memref<16x1x640xf32, #tpu.memory_space<vmem>> -> memref<1x1x640xf32, #tpu.memory_space<vmem>>
      %dma_wait3A_109 = tpu.memref_squeeze %dma_wait3A_108 : memref<1x1x640xf32, #tpu.memory_space<vmem>> -> memref<1x640xf32, #tpu.memory_space<vmem>>
      %dma_wait3A_110 = arith.constant 0 : i32
      %dma_wait3A_111 = tpu.memref_slice %arg8[%run_scoped3A_58, %dma_wait3A_110, %mul3A_57] : memref<16x1x10240xf32, #tpu.memory_space<vmem_shared>> -> memref<1x1x640xf32, #tpu.memory_space<vmem_shared>>
      %dma_wait3A_112 = tpu.memref_squeeze %dma_wait3A_111 : memref<1x1x640xf32, #tpu.memory_space<vmem_shared>> -> memref<1x640xf32, #tpu.memory_space<vmem_shared>>
      tpu.wait_dma2 semaphore(%run_scoped3A_86 : memref<!tpu.dma_semaphore, #tpu.memory_space<semaphore_mem>>) src(%dma_wait3A_112 : memref<1x640xf32, #tpu.memory_space<vmem_shared>>) dst(%dma_wait3A_109 : memref<1x640xf32, #tpu.memory_space<vmem>>)
      tpu.yield
    }) : () -> ()
    %mul3A_60 = arith.constant 640 : i32
    %mul3A_61 = arith.muli %arg1, %mul3A_60 : i32
    %run_scoped3A_62 = arith.constant 11 : i32
    %run_scoped3A_63 = arith.constant 11 : i32
    "tpu.region"() ({
      %run_scoped3A_86 = tpu.sem_alloc : memref<!tpu.dma_semaphore, #tpu.memory_space<semaphore_mem>>
      %dma_start3A = arith.constant 0 : i32
      %dma_start3A_87 = arith.constant 0 : i32
      %dma_start3A_88 = tpu.memref_slice %arg6[%run_scoped3A_63, %dma_start3A, %dma_start3A_87] : memref<16x1x640xf32, #tpu.memory_space<vmem>> -> memref<1x1x640xf32, #tpu.memory_space<vmem>>
      %dma_start3A_89 = tpu.memref_squeeze %dma_start3A_88 : memref<1x1x640xf32, #tpu.memory_space<vmem>> -> memref<1x640xf32, #tpu.memory_space<vmem>>
      %dma_start3A_90 = arith.constant 0 : i32
      %dma_start3A_91 = tpu.memref_slice %arg8[%run_scoped3A_62, %dma_start3A_90, %mul3A_61] : memref<16x1x10240xf32, #tpu.memory_space<vmem_shared>> -> memref<1x1x640xf32, #tpu.memory_space<vmem_shared>>
      %dma_start3A_92 = tpu.memref_squeeze %dma_start3A_91 : memref<1x1x640xf32, #tpu.memory_space<vmem_shared>> -> memref<1x640xf32, #tpu.memory_space<vmem_shared>>
      %dma_start3A_93 = arith.constant 0 : i32
      %dma_start3A_94 = arith.constant 0 : i32
      %dma_start3A_95 = tpu.memref_slice %arg6[%run_scoped3A_63, %dma_start3A_93, %dma_start3A_94] : memref<16x1x640xf32, #tpu.memory_space<vmem>> -> memref<1x1x640xf32, #tpu.memory_space<vmem>>
      %dma_start3A_96 = tpu.memref_squeeze %dma_start3A_95 : memref<1x1x640xf32, #tpu.memory_space<vmem>> -> memref<1x640xf32, #tpu.memory_space<vmem>>
      %dma_start3A_97 = arith.constant 0 : i32
      %dma_start3A_98 = tpu.memref_slice %arg8[%run_scoped3A_62, %dma_start3A_97, %mul3A_61] : memref<16x1x10240xf32, #tpu.memory_space<vmem_shared>> -> memref<1x1x640xf32, #tpu.memory_space<vmem_shared>>
      %dma_start3A_99 = tpu.memref_squeeze %dma_start3A_98 : memref<1x1x640xf32, #tpu.memory_space<vmem_shared>> -> memref<1x640xf32, #tpu.memory_space<vmem_shared>>
      tpu.enqueue_dma source(%dma_start3A_99 : memref<1x640xf32, #tpu.memory_space<vmem_shared>>) target(%dma_start3A_96 : memref<1x640xf32, #tpu.memory_space<vmem>>) target_semaphore(%run_scoped3A_86 : memref<!tpu.dma_semaphore, #tpu.memory_space<semaphore_mem>>)
      %dma_wait3A = arith.constant 0 : i32
      %dma_wait3A_100 = arith.constant 0 : i32
      %dma_wait3A_101 = tpu.memref_slice %arg6[%run_scoped3A_63, %dma_wait3A, %dma_wait3A_100] : memref<16x1x640xf32, #tpu.memory_space<vmem>> -> memref<1x1x640xf32, #tpu.memory_space<vmem>>
      %dma_wait3A_102 = tpu.memref_squeeze %dma_wait3A_101 : memref<1x1x640xf32, #tpu.memory_space<vmem>> -> memref<1x640xf32, #tpu.memory_space<vmem>>
      %dma_wait3A_103 = arith.constant 0 : i32
      %dma_wait3A_104 = tpu.memref_slice %arg8[%run_scoped3A_62, %dma_wait3A_103, %mul3A_61] : memref<16x1x10240xf32, #tpu.memory_space<vmem_shared>> -> memref<1x1x640xf32, #tpu.memory_space<vmem_shared>>
      %dma_wait3A_105 = tpu.memref_squeeze %dma_wait3A_104 : memref<1x1x640xf32, #tpu.memory_space<vmem_shared>> -> memref<1x640xf32, #tpu.memory_space<vmem_shared>>
      %dma_wait3A_106 = arith.constant 0 : i32
      %dma_wait3A_107 = arith.constant 0 : i32
      %dma_wait3A_108 = tpu.memref_slice %arg6[%run_scoped3A_63, %dma_wait3A_106, %dma_wait3A_107] : memref<16x1x640xf32, #tpu.memory_space<vmem>> -> memref<1x1x640xf32, #tpu.memory_space<vmem>>
      %dma_wait3A_109 = tpu.memref_squeeze %dma_wait3A_108 : memref<1x1x640xf32, #tpu.memory_space<vmem>> -> memref<1x640xf32, #tpu.memory_space<vmem>>
      %dma_wait3A_110 = arith.constant 0 : i32
      %dma_wait3A_111 = tpu.memref_slice %arg8[%run_scoped3A_62, %dma_wait3A_110, %mul3A_61] : memref<16x1x10240xf32, #tpu.memory_space<vmem_shared>> -> memref<1x1x640xf32, #tpu.memory_space<vmem_shared>>
      %dma_wait3A_112 = tpu.memref_squeeze %dma_wait3A_111 : memref<1x1x640xf32, #tpu.memory_space<vmem_shared>> -> memref<1x640xf32, #tpu.memory_space<vmem_shared>>
      tpu.wait_dma2 semaphore(%run_scoped3A_86 : memref<!tpu.dma_semaphore, #tpu.memory_space<semaphore_mem>>) src(%dma_wait3A_112 : memref<1x640xf32, #tpu.memory_space<vmem_shared>>) dst(%dma_wait3A_109 : memref<1x640xf32, #tpu.memory_space<vmem>>)
      tpu.yield
    }) : () -> ()
    %mul3A_64 = arith.constant 640 : i32
    %mul3A_65 = arith.muli %arg1, %mul3A_64 : i32
    %run_scoped3A_66 = arith.constant 12 : i32
    %run_scoped3A_67 = arith.constant 12 : i32
    "tpu.region"() ({
      %run_scoped3A_86 = tpu.sem_alloc : memref<!tpu.dma_semaphore, #tpu.memory_space<semaphore_mem>>
      %dma_start3A = arith.constant 0 : i32
      %dma_start3A_87 = arith.constant 0 : i32
      %dma_start3A_88 = tpu.memref_slice %arg6[%run_scoped3A_67, %dma_start3A, %dma_start3A_87] : memref<16x1x640xf32, #tpu.memory_space<vmem>> -> memref<1x1x640xf32, #tpu.memory_space<vmem>>
      %dma_start3A_89 = tpu.memref_squeeze %dma_start3A_88 : memref<1x1x640xf32, #tpu.memory_space<vmem>> -> memref<1x640xf32, #tpu.memory_space<vmem>>
      %dma_start3A_90 = arith.constant 0 : i32
      %dma_start3A_91 = tpu.memref_slice %arg8[%run_scoped3A_66, %dma_start3A_90, %mul3A_65] : memref<16x1x10240xf32, #tpu.memory_space<vmem_shared>> -> memref<1x1x640xf32, #tpu.memory_space<vmem_shared>>
      %dma_start3A_92 = tpu.memref_squeeze %dma_start3A_91 : memref<1x1x640xf32, #tpu.memory_space<vmem_shared>> -> memref<1x640xf32, #tpu.memory_space<vmem_shared>>
      %dma_start3A_93 = arith.constant 0 : i32
      %dma_start3A_94 = arith.constant 0 : i32
      %dma_start3A_95 = tpu.memref_slice %arg6[%run_scoped3A_67, %dma_start3A_93, %dma_start3A_94] : memref<16x1x640xf32, #tpu.memory_space<vmem>> -> memref<1x1x640xf32, #tpu.memory_space<vmem>>
      %dma_start3A_96 = tpu.memref_squeeze %dma_start3A_95 : memref<1x1x640xf32, #tpu.memory_space<vmem>> -> memref<1x640xf32, #tpu.memory_space<vmem>>
      %dma_start3A_97 = arith.constant 0 : i32
      %dma_start3A_98 = tpu.memref_slice %arg8[%run_scoped3A_66, %dma_start3A_97, %mul3A_65] : memref<16x1x10240xf32, #tpu.memory_space<vmem_shared>> -> memref<1x1x640xf32, #tpu.memory_space<vmem_shared>>
      %dma_start3A_99 = tpu.memref_squeeze %dma_start3A_98 : memref<1x1x640xf32, #tpu.memory_space<vmem_shared>> -> memref<1x640xf32, #tpu.memory_space<vmem_shared>>
      tpu.enqueue_dma source(%dma_start3A_99 : memref<1x640xf32, #tpu.memory_space<vmem_shared>>) target(%dma_start3A_96 : memref<1x640xf32, #tpu.memory_space<vmem>>) target_semaphore(%run_scoped3A_86 : memref<!tpu.dma_semaphore, #tpu.memory_space<semaphore_mem>>)
      %dma_wait3A = arith.constant 0 : i32
      %dma_wait3A_100 = arith.constant 0 : i32
      %dma_wait3A_101 = tpu.memref_slice %arg6[%run_scoped3A_67, %dma_wait3A, %dma_wait3A_100] : memref<16x1x640xf32, #tpu.memory_space<vmem>> -> memref<1x1x640xf32, #tpu.memory_space<vmem>>
      %dma_wait3A_102 = tpu.memref_squeeze %dma_wait3A_101 : memref<1x1x640xf32, #tpu.memory_space<vmem>> -> memref<1x640xf32, #tpu.memory_space<vmem>>
      %dma_wait3A_103 = arith.constant 0 : i32
      %dma_wait3A_104 = tpu.memref_slice %arg8[%run_scoped3A_66, %dma_wait3A_103, %mul3A_65] : memref<16x1x10240xf32, #tpu.memory_space<vmem_shared>> -> memref<1x1x640xf32, #tpu.memory_space<vmem_shared>>
      %dma_wait3A_105 = tpu.memref_squeeze %dma_wait3A_104 : memref<1x1x640xf32, #tpu.memory_space<vmem_shared>> -> memref<1x640xf32, #tpu.memory_space<vmem_shared>>
      %dma_wait3A_106 = arith.constant 0 : i32
      %dma_wait3A_107 = arith.constant 0 : i32
      %dma_wait3A_108 = tpu.memref_slice %arg6[%run_scoped3A_67, %dma_wait3A_106, %dma_wait3A_107] : memref<16x1x640xf32, #tpu.memory_space<vmem>> -> memref<1x1x640xf32, #tpu.memory_space<vmem>>
      %dma_wait3A_109 = tpu.memref_squeeze %dma_wait3A_108 : memref<1x1x640xf32, #tpu.memory_space<vmem>> -> memref<1x640xf32, #tpu.memory_space<vmem>>
      %dma_wait3A_110 = arith.constant 0 : i32
      %dma_wait3A_111 = tpu.memref_slice %arg8[%run_scoped3A_66, %dma_wait3A_110, %mul3A_65] : memref<16x1x10240xf32, #tpu.memory_space<vmem_shared>> -> memref<1x1x640xf32, #tpu.memory_space<vmem_shared>>
      %dma_wait3A_112 = tpu.memref_squeeze %dma_wait3A_111 : memref<1x1x640xf32, #tpu.memory_space<vmem_shared>> -> memref<1x640xf32, #tpu.memory_space<vmem_shared>>
      tpu.wait_dma2 semaphore(%run_scoped3A_86 : memref<!tpu.dma_semaphore, #tpu.memory_space<semaphore_mem>>) src(%dma_wait3A_112 : memref<1x640xf32, #tpu.memory_space<vmem_shared>>) dst(%dma_wait3A_109 : memref<1x640xf32, #tpu.memory_space<vmem>>)
      tpu.yield
    }) : () -> ()
    %mul3A_68 = arith.constant 640 : i32
    %mul3A_69 = arith.muli %arg1, %mul3A_68 : i32
    %run_scoped3A_70 = arith.constant 13 : i32
    %run_scoped3A_71 = arith.constant 13 : i32
    "tpu.region"() ({
      %run_scoped3A_86 = tpu.sem_alloc : memref<!tpu.dma_semaphore, #tpu.memory_space<semaphore_mem>>
      %dma_start3A = arith.constant 0 : i32
      %dma_start3A_87 = arith.constant 0 : i32
      %dma_start3A_88 = tpu.memref_slice %arg6[%run_scoped3A_71, %dma_start3A, %dma_start3A_87] : memref<16x1x640xf32, #tpu.memory_space<vmem>> -> memref<1x1x640xf32, #tpu.memory_space<vmem>>
      %dma_start3A_89 = tpu.memref_squeeze %dma_start3A_88 : memref<1x1x640xf32, #tpu.memory_space<vmem>> -> memref<1x640xf32, #tpu.memory_space<vmem>>
      %dma_start3A_90 = arith.constant 0 : i32
      %dma_start3A_91 = tpu.memref_slice %arg8[%run_scoped3A_70, %dma_start3A_90, %mul3A_69] : memref<16x1x10240xf32, #tpu.memory_space<vmem_shared>> -> memref<1x1x640xf32, #tpu.memory_space<vmem_shared>>
      %dma_start3A_92 = tpu.memref_squeeze %dma_start3A_91 : memref<1x1x640xf32, #tpu.memory_space<vmem_shared>> -> memref<1x640xf32, #tpu.memory_space<vmem_shared>>
      %dma_start3A_93 = arith.constant 0 : i32
      %dma_start3A_94 = arith.constant 0 : i32
      %dma_start3A_95 = tpu.memref_slice %arg6[%run_scoped3A_71, %dma_start3A_93, %dma_start3A_94] : memref<16x1x640xf32, #tpu.memory_space<vmem>> -> memref<1x1x640xf32, #tpu.memory_space<vmem>>
      %dma_start3A_96 = tpu.memref_squeeze %dma_start3A_95 : memref<1x1x640xf32, #tpu.memory_space<vmem>> -> memref<1x640xf32, #tpu.memory_space<vmem>>
      %dma_start3A_97 = arith.constant 0 : i32
      %dma_start3A_98 = tpu.memref_slice %arg8[%run_scoped3A_70, %dma_start3A_97, %mul3A_69] : memref<16x1x10240xf32, #tpu.memory_space<vmem_shared>> -> memref<1x1x640xf32, #tpu.memory_space<vmem_shared>>
      %dma_start3A_99 = tpu.memref_squeeze %dma_start3A_98 : memref<1x1x640xf32, #tpu.memory_space<vmem_shared>> -> memref<1x640xf32, #tpu.memory_space<vmem_shared>>
      tpu.enqueue_dma source(%dma_start3A_99 : memref<1x640xf32, #tpu.memory_space<vmem_shared>>) target(%dma_start3A_96 : memref<1x640xf32, #tpu.memory_space<vmem>>) target_semaphore(%run_scoped3A_86 : memref<!tpu.dma_semaphore, #tpu.memory_space<semaphore_mem>>)
      %dma_wait3A = arith.constant 0 : i32
      %dma_wait3A_100 = arith.constant 0 : i32
      %dma_wait3A_101 = tpu.memref_slice %arg6[%run_scoped3A_71, %dma_wait3A, %dma_wait3A_100] : memref<16x1x640xf32, #tpu.memory_space<vmem>> -> memref<1x1x640xf32, #tpu.memory_space<vmem>>
      %dma_wait3A_102 = tpu.memref_squeeze %dma_wait3A_101 : memref<1x1x640xf32, #tpu.memory_space<vmem>> -> memref<1x640xf32, #tpu.memory_space<vmem>>
      %dma_wait3A_103 = arith.constant 0 : i32
      %dma_wait3A_104 = tpu.memref_slice %arg8[%run_scoped3A_70, %dma_wait3A_103, %mul3A_69] : memref<16x1x10240xf32, #tpu.memory_space<vmem_shared>> -> memref<1x1x640xf32, #tpu.memory_space<vmem_shared>>
      %dma_wait3A_105 = tpu.memref_squeeze %dma_wait3A_104 : memref<1x1x640xf32, #tpu.memory_space<vmem_shared>> -> memref<1x640xf32, #tpu.memory_space<vmem_shared>>
      %dma_wait3A_106 = arith.constant 0 : i32
      %dma_wait3A_107 = arith.constant 0 : i32
      %dma_wait3A_108 = tpu.memref_slice %arg6[%run_scoped3A_71, %dma_wait3A_106, %dma_wait3A_107] : memref<16x1x640xf32, #tpu.memory_space<vmem>> -> memref<1x1x640xf32, #tpu.memory_space<vmem>>
      %dma_wait3A_109 = tpu.memref_squeeze %dma_wait3A_108 : memref<1x1x640xf32, #tpu.memory_space<vmem>> -> memref<1x640xf32, #tpu.memory_space<vmem>>
      %dma_wait3A_110 = arith.constant 0 : i32
      %dma_wait3A_111 = tpu.memref_slice %arg8[%run_scoped3A_70, %dma_wait3A_110, %mul3A_69] : memref<16x1x10240xf32, #tpu.memory_space<vmem_shared>> -> memref<1x1x640xf32, #tpu.memory_space<vmem_shared>>
      %dma_wait3A_112 = tpu.memref_squeeze %dma_wait3A_111 : memref<1x1x640xf32, #tpu.memory_space<vmem_shared>> -> memref<1x640xf32, #tpu.memory_space<vmem_shared>>
      tpu.wait_dma2 semaphore(%run_scoped3A_86 : memref<!tpu.dma_semaphore, #tpu.memory_space<semaphore_mem>>) src(%dma_wait3A_112 : memref<1x640xf32, #tpu.memory_space<vmem_shared>>) dst(%dma_wait3A_109 : memref<1x640xf32, #tpu.memory_space<vmem>>)
      tpu.yield
    }) : () -> ()
    %mul3A_72 = arith.constant 640 : i32
    %mul3A_73 = arith.muli %arg1, %mul3A_72 : i32
    %run_scoped3A_74 = arith.constant 14 : i32
    %run_scoped3A_75 = arith.constant 14 : i32
    "tpu.region"() ({
      %run_scoped3A_86 = tpu.sem_alloc : memref<!tpu.dma_semaphore, #tpu.memory_space<semaphore_mem>>
      %dma_start3A = arith.constant 0 : i32
      %dma_start3A_87 = arith.constant 0 : i32
      %dma_start3A_88 = tpu.memref_slice %arg6[%run_scoped3A_75, %dma_start3A, %dma_start3A_87] : memref<16x1x640xf32, #tpu.memory_space<vmem>> -> memref<1x1x640xf32, #tpu.memory_space<vmem>>
      %dma_start3A_89 = tpu.memref_squeeze %dma_start3A_88 : memref<1x1x640xf32, #tpu.memory_space<vmem>> -> memref<1x640xf32, #tpu.memory_space<vmem>>
      %dma_start3A_90 = arith.constant 0 : i32
      %dma_start3A_91 = tpu.memref_slice %arg8[%run_scoped3A_74, %dma_start3A_90, %mul3A_73] : memref<16x1x10240xf32, #tpu.memory_space<vmem_shared>> -> memref<1x1x640xf32, #tpu.memory_space<vmem_shared>>
      %dma_start3A_92 = tpu.memref_squeeze %dma_start3A_91 : memref<1x1x640xf32, #tpu.memory_space<vmem_shared>> -> memref<1x640xf32, #tpu.memory_space<vmem_shared>>
      %dma_start3A_93 = arith.constant 0 : i32
      %dma_start3A_94 = arith.constant 0 : i32
      %dma_start3A_95 = tpu.memref_slice %arg6[%run_scoped3A_75, %dma_start3A_93, %dma_start3A_94] : memref<16x1x640xf32, #tpu.memory_space<vmem>> -> memref<1x1x640xf32, #tpu.memory_space<vmem>>
      %dma_start3A_96 = tpu.memref_squeeze %dma_start3A_95 : memref<1x1x640xf32, #tpu.memory_space<vmem>> -> memref<1x640xf32, #tpu.memory_space<vmem>>
      %dma_start3A_97 = arith.constant 0 : i32
      %dma_start3A_98 = tpu.memref_slice %arg8[%run_scoped3A_74, %dma_start3A_97, %mul3A_73] : memref<16x1x10240xf32, #tpu.memory_space<vmem_shared>> -> memref<1x1x640xf32, #tpu.memory_space<vmem_shared>>
      %dma_start3A_99 = tpu.memref_squeeze %dma_start3A_98 : memref<1x1x640xf32, #tpu.memory_space<vmem_shared>> -> memref<1x640xf32, #tpu.memory_space<vmem_shared>>
      tpu.enqueue_dma source(%dma_start3A_99 : memref<1x640xf32, #tpu.memory_space<vmem_shared>>) target(%dma_start3A_96 : memref<1x640xf32, #tpu.memory_space<vmem>>) target_semaphore(%run_scoped3A_86 : memref<!tpu.dma_semaphore, #tpu.memory_space<semaphore_mem>>)
      %dma_wait3A = arith.constant 0 : i32
      %dma_wait3A_100 = arith.constant 0 : i32
      %dma_wait3A_101 = tpu.memref_slice %arg6[%run_scoped3A_75, %dma_wait3A, %dma_wait3A_100] : memref<16x1x640xf32, #tpu.memory_space<vmem>> -> memref<1x1x640xf32, #tpu.memory_space<vmem>>
      %dma_wait3A_102 = tpu.memref_squeeze %dma_wait3A_101 : memref<1x1x640xf32, #tpu.memory_space<vmem>> -> memref<1x640xf32, #tpu.memory_space<vmem>>
      %dma_wait3A_103 = arith.constant 0 : i32
      %dma_wait3A_104 = tpu.memref_slice %arg8[%run_scoped3A_74, %dma_wait3A_103, %mul3A_73] : memref<16x1x10240xf32, #tpu.memory_space<vmem_shared>> -> memref<1x1x640xf32, #tpu.memory_space<vmem_shared>>
      %dma_wait3A_105 = tpu.memref_squeeze %dma_wait3A_104 : memref<1x1x640xf32, #tpu.memory_space<vmem_shared>> -> memref<1x640xf32, #tpu.memory_space<vmem_shared>>
      %dma_wait3A_106 = arith.constant 0 : i32
      %dma_wait3A_107 = arith.constant 0 : i32
      %dma_wait3A_108 = tpu.memref_slice %arg6[%run_scoped3A_75, %dma_wait3A_106, %dma_wait3A_107] : memref<16x1x640xf32, #tpu.memory_space<vmem>> -> memref<1x1x640xf32, #tpu.memory_space<vmem>>
      %dma_wait3A_109 = tpu.memref_squeeze %dma_wait3A_108 : memref<1x1x640xf32, #tpu.memory_space<vmem>> -> memref<1x640xf32, #tpu.memory_space<vmem>>
      %dma_wait3A_110 = arith.constant 0 : i32
      %dma_wait3A_111 = tpu.memref_slice %arg8[%run_scoped3A_74, %dma_wait3A_110, %mul3A_73] : memref<16x1x10240xf32, #tpu.memory_space<vmem_shared>> -> memref<1x1x640xf32, #tpu.memory_space<vmem_shared>>
      %dma_wait3A_112 = tpu.memref_squeeze %dma_wait3A_111 : memref<1x1x640xf32, #tpu.memory_space<vmem_shared>> -> memref<1x640xf32, #tpu.memory_space<vmem_shared>>
      tpu.wait_dma2 semaphore(%run_scoped3A_86 : memref<!tpu.dma_semaphore, #tpu.memory_space<semaphore_mem>>) src(%dma_wait3A_112 : memref<1x640xf32, #tpu.memory_space<vmem_shared>>) dst(%dma_wait3A_109 : memref<1x640xf32, #tpu.memory_space<vmem>>)
      tpu.yield
    }) : () -> ()
    %mul3A_76 = arith.constant 640 : i32
    %mul3A_77 = arith.muli %arg1, %mul3A_76 : i32
    %run_scoped3A_78 = arith.constant 15 : i32
    %run_scoped3A_79 = arith.constant 15 : i32
    "tpu.region"() ({
      %run_scoped3A_86 = tpu.sem_alloc : memref<!tpu.dma_semaphore, #tpu.memory_space<semaphore_mem>>
      %dma_start3A = arith.constant 0 : i32
      %dma_start3A_87 = arith.constant 0 : i32
      %dma_start3A_88 = tpu.memref_slice %arg6[%run_scoped3A_79, %dma_start3A, %dma_start3A_87] : memref<16x1x640xf32, #tpu.memory_space<vmem>> -> memref<1x1x640xf32, #tpu.memory_space<vmem>>
      %dma_start3A_89 = tpu.memref_squeeze %dma_start3A_88 : memref<1x1x640xf32, #tpu.memory_space<vmem>> -> memref<1x640xf32, #tpu.memory_space<vmem>>
      %dma_start3A_90 = arith.constant 0 : i32
      %dma_start3A_91 = tpu.memref_slice %arg8[%run_scoped3A_78, %dma_start3A_90, %mul3A_77] : memref<16x1x10240xf32, #tpu.memory_space<vmem_shared>> -> memref<1x1x640xf32, #tpu.memory_space<vmem_shared>>
      %dma_start3A_92 = tpu.memref_squeeze %dma_start3A_91 : memref<1x1x640xf32, #tpu.memory_space<vmem_shared>> -> memref<1x640xf32, #tpu.memory_space<vmem_shared>>
      %dma_start3A_93 = arith.constant 0 : i32
      %dma_start3A_94 = arith.constant 0 : i32
      %dma_start3A_95 = tpu.memref_slice %arg6[%run_scoped3A_79, %dma_start3A_93, %dma_start3A_94] : memref<16x1x640xf32, #tpu.memory_space<vmem>> -> memref<1x1x640xf32, #tpu.memory_space<vmem>>
      %dma_start3A_96 = tpu.memref_squeeze %dma_start3A_95 : memref<1x1x640xf32, #tpu.memory_space<vmem>> -> memref<1x640xf32, #tpu.memory_space<vmem>>
      %dma_start3A_97 = arith.constant 0 : i32
      %dma_start3A_98 = tpu.memref_slice %arg8[%run_scoped3A_78, %dma_start3A_97, %mul3A_77] : memref<16x1x10240xf32, #tpu.memory_space<vmem_shared>> -> memref<1x1x640xf32, #tpu.memory_space<vmem_shared>>
      %dma_start3A_99 = tpu.memref_squeeze %dma_start3A_98 : memref<1x1x640xf32, #tpu.memory_space<vmem_shared>> -> memref<1x640xf32, #tpu.memory_space<vmem_shared>>
      tpu.enqueue_dma source(%dma_start3A_99 : memref<1x640xf32, #tpu.memory_space<vmem_shared>>) target(%dma_start3A_96 : memref<1x640xf32, #tpu.memory_space<vmem>>) target_semaphore(%run_scoped3A_86 : memref<!tpu.dma_semaphore, #tpu.memory_space<semaphore_mem>>)
      %dma_wait3A = arith.constant 0 : i32
      %dma_wait3A_100 = arith.constant 0 : i32
      %dma_wait3A_101 = tpu.memref_slice %arg6[%run_scoped3A_79, %dma_wait3A, %dma_wait3A_100] : memref<16x1x640xf32, #tpu.memory_space<vmem>> -> memref<1x1x640xf32, #tpu.memory_space<vmem>>
      %dma_wait3A_102 = tpu.memref_squeeze %dma_wait3A_101 : memref<1x1x640xf32, #tpu.memory_space<vmem>> -> memref<1x640xf32, #tpu.memory_space<vmem>>
      %dma_wait3A_103 = arith.constant 0 : i32
      %dma_wait3A_104 = tpu.memref_slice %arg8[%run_scoped3A_78, %dma_wait3A_103, %mul3A_77] : memref<16x1x10240xf32, #tpu.memory_space<vmem_shared>> -> memref<1x1x640xf32, #tpu.memory_space<vmem_shared>>
      %dma_wait3A_105 = tpu.memref_squeeze %dma_wait3A_104 : memref<1x1x640xf32, #tpu.memory_space<vmem_shared>> -> memref<1x640xf32, #tpu.memory_space<vmem_shared>>
      %dma_wait3A_106 = arith.constant 0 : i32
      %dma_wait3A_107 = arith.constant 0 : i32
      %dma_wait3A_108 = tpu.memref_slice %arg6[%run_scoped3A_79, %dma_wait3A_106, %dma_wait3A_107] : memref<16x1x640xf32, #tpu.memory_space<vmem>> -> memref<1x1x640xf32, #tpu.memory_space<vmem>>
      %dma_wait3A_109 = tpu.memref_squeeze %dma_wait3A_108 : memref<1x1x640xf32, #tpu.memory_space<vmem>> -> memref<1x640xf32, #tpu.memory_space<vmem>>
      %dma_wait3A_110 = arith.constant 0 : i32
      %dma_wait3A_111 = tpu.memref_slice %arg8[%run_scoped3A_78, %dma_wait3A_110, %mul3A_77] : memref<16x1x10240xf32, #tpu.memory_space<vmem_shared>> -> memref<1x1x640xf32, #tpu.memory_space<vmem_shared>>
      %dma_wait3A_112 = tpu.memref_squeeze %dma_wait3A_111 : memref<1x1x640xf32, #tpu.memory_space<vmem_shared>> -> memref<1x640xf32, #tpu.memory_space<vmem_shared>>
      tpu.wait_dma2 semaphore(%run_scoped3A_86 : memref<!tpu.dma_semaphore, #tpu.memory_space<semaphore_mem>>) src(%dma_wait3A_112 : memref<1x640xf32, #tpu.memory_space<vmem_shared>>) dst(%dma_wait3A_109 : memref<1x640xf32, #tpu.memory_space<vmem>>)
      tpu.yield
    }) : () -> ()
    %scan3A_80 = arith.constant 0 : i32
    %scan3A_81 = arith.constant 0 : i32
    %scan3A_82 = arith.constant 40 : i32
    %scan3A_83 = arith.addi %scan3A_81, %scan3A_82 : i32
    %scan3A_84 = arith.constant 1 : i32
    scf.for %scan3A_86 = %scan3A_81 to %scan3A_83 step %scan3A_84  : i32 {
      %mul3A_87 = arith.constant 16 : i32
      %mul3A_88 = arith.muli %scan3A_86, %mul3A_87 : i32
      %get3A = arith.constant 0 : i32
      %get3A_89 = arith.constant 0 : i32
      %get3A_90 = arith.index_cast %get3A : i32 to index
      %get3A_91 = arith.index_cast %get3A_89 : i32 to index
      %get3A_92 = arith.index_cast %mul3A_88 : i32 to index
      %get3A_93 = tpu.vector_load %arg6[%get3A_90, %get3A_91, %get3A_92] {strides = array<i32>} : memref<16x1x640xf32, #tpu.memory_space<vmem>>, vector<16xf32>,
      %mul3A_94 = arith.constant 16 : i32
      %mul3A_95 = arith.muli %scan3A_86, %mul3A_94 : i32
      %get3A_96 = arith.constant 1 : i32
      %get3A_97 = arith.constant 0 : i32
      %get3A_98 = arith.index_cast %get3A_96 : i32 to index
      %get3A_99 = arith.index_cast %get3A_97 : i32 to index
      %get3A_100 = arith.index_cast %mul3A_95 : i32 to index
      %get3A_101 = tpu.vector_load %arg6[%get3A_98, %get3A_99, %get3A_100] {strides = array<i32>} : memref<16x1x640xf32, #tpu.memory_space<vmem>>, vector<16xf32>,
      %add3A_102 = arith.addf %get3A_93, %get3A_101 : vector<16xf32>
      %mul3A_103 = arith.constant 16 : i32
      %mul3A_104 = arith.muli %scan3A_86, %mul3A_103 : i32
      %get3A_105 = arith.constant 2 : i32
      %get3A_106 = arith.constant 0 : i32
      %get3A_107 = arith.index_cast %get3A_105 : i32 to index
      %get3A_108 = arith.index_cast %get3A_106 : i32 to index
      %get3A_109 = arith.index_cast %mul3A_104 : i32 to index
      %get3A_110 = tpu.vector_load %arg6[%get3A_107, %get3A_108, %get3A_109] {strides = array<i32>} : memref<16x1x640xf32, #tpu.memory_space<vmem>>, vector<16xf32>,
      %add3A_111 = arith.addf %add3A_102, %get3A_110 : vector<16xf32>
      %mul3A_112 = arith.constant 16 : i32
      %mul3A_113 = arith.muli %scan3A_86, %mul3A_112 : i32
      %get3A_114 = arith.constant 3 : i32
      %get3A_115 = arith.constant 0 : i32
      %get3A_116 = arith.index_cast %get3A_114 : i32 to index
      %get3A_117 = arith.index_cast %get3A_115 : i32 to index
      %get3A_118 = arith.index_cast %mul3A_113 : i32 to index
      %get3A_119 = tpu.vector_load %arg6[%get3A_116, %get3A_117, %get3A_118] {strides = array<i32>} : memref<16x1x640xf32, #tpu.memory_space<vmem>>, vector<16xf32>,
      %add3A_120 = arith.addf %add3A_111, %get3A_119 : vector<16xf32>
      %mul3A_121 = arith.constant 16 : i32
      %mul3A_122 = arith.muli %scan3A_86, %mul3A_121 : i32
      %get3A_123 = arith.constant 4 : i32
      %get3A_124 = arith.constant 0 : i32
      %get3A_125 = arith.index_cast %get3A_123 : i32 to index
      %get3A_126 = arith.index_cast %get3A_124 : i32 to index
      %get3A_127 = arith.index_cast %mul3A_122 : i32 to index
      %get3A_128 = tpu.vector_load %arg6[%get3A_125, %get3A_126, %get3A_127] {strides = array<i32>} : memref<16x1x640xf32, #tpu.memory_space<vmem>>, vector<16xf32>,
      %add3A_129 = arith.addf %add3A_120, %get3A_128 : vector<16xf32>
      %mul3A_130 = arith.constant 16 : i32
      %mul3A_131 = arith.muli %scan3A_86, %mul3A_130 : i32
      %get3A_132 = arith.constant 5 : i32
      %get3A_133 = arith.constant 0 : i32
      %get3A_134 = arith.index_cast %get3A_132 : i32 to index
      %get3A_135 = arith.index_cast %get3A_133 : i32 to index
      %get3A_136 = arith.index_cast %mul3A_131 : i32 to index
      %get3A_137 = tpu.vector_load %arg6[%get3A_134, %get3A_135, %get3A_136] {strides = array<i32>} : memref<16x1x640xf32, #tpu.memory_space<vmem>>, vector<16xf32>,
      %add3A_138 = arith.addf %add3A_129, %get3A_137 : vector<16xf32>
      %mul3A_139 = arith.constant 16 : i32
      %mul3A_140 = arith.muli %scan3A_86, %mul3A_139 : i32
      %get3A_141 = arith.constant 6 : i32
      %get3A_142 = arith.constant 0 : i32
      %get3A_143 = arith.index_cast %get3A_141 : i32 to index
      %get3A_144 = arith.index_cast %get3A_142 : i32 to index
      %get3A_145 = arith.index_cast %mul3A_140 : i32 to index
      %get3A_146 = tpu.vector_load %arg6[%get3A_143, %get3A_144, %get3A_145] {strides = array<i32>} : memref<16x1x640xf32, #tpu.memory_space<vmem>>, vector<16xf32>,
      %add3A_147 = arith.addf %add3A_138, %get3A_146 : vector<16xf32>
      %mul3A_148 = arith.constant 16 : i32
      %mul3A_149 = arith.muli %scan3A_86, %mul3A_148 : i32
      %get3A_150 = arith.constant 7 : i32
      %get3A_151 = arith.constant 0 : i32
      %get3A_152 = arith.index_cast %get3A_150 : i32 to index
      %get3A_153 = arith.index_cast %get3A_151 : i32 to index
      %get3A_154 = arith.index_cast %mul3A_149 : i32 to index
      %get3A_155 = tpu.vector_load %arg6[%get3A_152, %get3A_153, %get3A_154] {strides = array<i32>} : memref<16x1x640xf32, #tpu.memory_space<vmem>>, vector<16xf32>,
      %add3A_156 = arith.addf %add3A_147, %get3A_155 : vector<16xf32>
      %mul3A_157 = arith.constant 16 : i32
      %mul3A_158 = arith.muli %scan3A_86, %mul3A_157 : i32
      %get3A_159 = arith.constant 8 : i32
      %get3A_160 = arith.constant 0 : i32
      %get3A_161 = arith.index_cast %get3A_159 : i32 to index
      %get3A_162 = arith.index_cast %get3A_160 : i32 to index
      %get3A_163 = arith.index_cast %mul3A_158 : i32 to index
      %get3A_164 = tpu.vector_load %arg6[%get3A_161, %get3A_162, %get3A_163] {strides = array<i32>} : memref<16x1x640xf32, #tpu.memory_space<vmem>>, vector<16xf32>,
      %add3A_165 = arith.addf %add3A_156, %get3A_164 : vector<16xf32>
      %mul3A_166 = arith.constant 16 : i32
      %mul3A_167 = arith.muli %scan3A_86, %mul3A_166 : i32
      %get3A_168 = arith.constant 9 : i32
      %get3A_169 = arith.constant 0 : i32
      %get3A_170 = arith.index_cast %get3A_168 : i32 to index
      %get3A_171 = arith.index_cast %get3A_169 : i32 to index
      %get3A_172 = arith.index_cast %mul3A_167 : i32 to index
      %get3A_173 = tpu.vector_load %arg6[%get3A_170, %get3A_171, %get3A_172] {strides = array<i32>} : memref<16x1x640xf32, #tpu.memory_space<vmem>>, vector<16xf32>,
      %add3A_174 = arith.addf %add3A_165, %get3A_173 : vector<16xf32>
      %mul3A_175 = arith.constant 16 : i32
      %mul3A_176 = arith.muli %scan3A_86, %mul3A_175 : i32
      %get3A_177 = arith.constant 10 : i32
      %get3A_178 = arith.constant 0 : i32
      %get3A_179 = arith.index_cast %get3A_177 : i32 to index
      %get3A_180 = arith.index_cast %get3A_178 : i32 to index
      %get3A_181 = arith.index_cast %mul3A_176 : i32 to index
      %get3A_182 = tpu.vector_load %arg6[%get3A_179, %get3A_180, %get3A_181] {strides = array<i32>} : memref<16x1x640xf32, #tpu.memory_space<vmem>>, vector<16xf32>,
      %add3A_183 = arith.addf %add3A_174, %get3A_182 : vector<16xf32>
      %mul3A_184 = arith.constant 16 : i32
      %mul3A_185 = arith.muli %scan3A_86, %mul3A_184 : i32
      %get3A_186 = arith.constant 11 : i32
      %get3A_187 = arith.constant 0 : i32
      %get3A_188 = arith.index_cast %get3A_186 : i32 to index
      %get3A_189 = arith.index_cast %get3A_187 : i32 to index
      %get3A_190 = arith.index_cast %mul3A_185 : i32 to index
      %get3A_191 = tpu.vector_load %arg6[%get3A_188, %get3A_189, %get3A_190] {strides = array<i32>} : memref<16x1x640xf32, #tpu.memory_space<vmem>>, vector<16xf32>,
      %add3A_192 = arith.addf %add3A_183, %get3A_191 : vector<16xf32>
      %mul3A_193 = arith.constant 16 : i32
      %mul3A_194 = arith.muli %scan3A_86, %mul3A_193 : i32
      %get3A_195 = arith.constant 12 : i32
      %get3A_196 = arith.constant 0 : i32
      %get3A_197 = arith.index_cast %get3A_195 : i32 to index
      %get3A_198 = arith.index_cast %get3A_196 : i32 to index
      %get3A_199 = arith.index_cast %mul3A_194 : i32 to index
      %get3A_200 = tpu.vector_load %arg6[%get3A_197, %get3A_198, %get3A_199] {strides = array<i32>} : memref<16x1x640xf32, #tpu.memory_space<vmem>>, vector<16xf32>,
      %add3A_201 = arith.addf %add3A_192, %get3A_200 : vector<16xf32>
      %mul3A_202 = arith.constant 16 : i32
      %mul3A_203 = arith.muli %scan3A_86, %mul3A_202 : i32
      %get3A_204 = arith.constant 13 : i32
      %get3A_205 = arith.constant 0 : i32
      %get3A_206 = arith.index_cast %get3A_204 : i32 to index
      %get3A_207 = arith.index_cast %get3A_205 : i32 to index
      %get3A_208 = arith.index_cast %mul3A_203 : i32 to index
      %get3A_209 = tpu.vector_load %arg6[%get3A_206, %get3A_207, %get3A_208] {strides = array<i32>} : memref<16x1x640xf32, #tpu.memory_space<vmem>>, vector<16xf32>,
      %add3A_210 = arith.addf %add3A_201, %get3A_209 : vector<16xf32>
      %mul3A_211 = arith.constant 16 : i32
      %mul3A_212 = arith.muli %scan3A_86, %mul3A_211 : i32
      %get3A_213 = arith.constant 14 : i32
      %get3A_214 = arith.constant 0 : i32
      %get3A_215 = arith.index_cast %get3A_213 : i32 to index
      %get3A_216 = arith.index_cast %get3A_214 : i32 to index
      %get3A_217 = arith.index_cast %mul3A_212 : i32 to index
      %get3A_218 = tpu.vector_load %arg6[%get3A_215, %get3A_216, %get3A_217] {strides = array<i32>} : memref<16x1x640xf32, #tpu.memory_space<vmem>>, vector<16xf32>,
      %add3A_219 = arith.addf %add3A_210, %get3A_218 : vector<16xf32>
      %mul3A_220 = arith.constant 16 : i32
      %mul3A_221 = arith.muli %scan3A_86, %mul3A_220 : i32
      %get3A_222 = arith.constant 15 : i32
      %get3A_223 = arith.constant 0 : i32
      %get3A_224 = arith.index_cast %get3A_222 : i32 to index
      %get3A_225 = arith.index_cast %get3A_223 : i32 to index
      %get3A_226 = arith.index_cast %mul3A_221 : i32 to index
      %get3A_227 = tpu.vector_load %arg6[%get3A_224, %get3A_225, %get3A_226] {strides = array<i32>} : memref<16x1x640xf32, #tpu.memory_space<vmem>>, vector<16xf32>,
      %add3A_228 = arith.addf %add3A_219, %get3A_227 : vector<16xf32>
      %mul3A_229 = arith.constant 16 : i32
      %mul3A_230 = arith.muli %scan3A_86, %mul3A_229 : i32
      %swap3A = arith.constant 0 : i32
      %swap3A_231 = arith.index_cast %swap3A : i32 to index
      %swap3A_232 = arith.index_cast %mul3A_230 : i32 to index
      %swap3A_233 = tpu.vector_load %arg7[%swap3A_231, %swap3A_232] {strides = array<i32>} : memref<1x640xf32, #tpu.memory_space<vmem>>, vector<16xf32>,
      tpu.vector_store %arg7[%swap3A_231, %swap3A_232], %add3A_228 {strides = array<i32>} : memref<1x640xf32, #tpu.memory_space<vmem>>, vector<16xf32>,
    }
    %scan3A_85 = arith.constant 40 : i32
    "tpu.region"() ({
      %run_scoped3A_86 = tpu.sem_alloc : memref<!tpu.dma_semaphore, #tpu.memory_space<semaphore_mem>>
      %dma_start3A = arith.constant 0 : i32
      %dma_start3A_87 = arith.constant 0 : i32
      %dma_start3A_88 = tpu.memref_slice %arg3[%add3A, %dma_start3A, %dma_start3A_87] : memref<32x1x640xf32, #tpu.memory_space<hbm>> -> memref<1x1x640xf32, #tpu.memory_space<hbm>>
      %dma_start3A_89 = tpu.memref_squeeze %dma_start3A_88 : memref<1x1x640xf32, #tpu.memory_space<hbm>> -> memref<1x640xf32, #tpu.memory_space<hbm>>
      %dma_start3A_90 = arith.constant 0 : i32
      %dma_start3A_91 = arith.constant 0 : i32
      %dma_start3A_92 = tpu.memref_slice %arg3[%add3A, %dma_start3A_90, %dma_start3A_91] : memref<32x1x640xf32, #tpu.memory_space<hbm>> -> memref<1x1x640xf32, #tpu.memory_space<hbm>>
      %dma_start3A_93 = tpu.memref_squeeze %dma_start3A_92 : memref<1x1x640xf32, #tpu.memory_space<hbm>> -> memref<1x640xf32, #tpu.memory_space<hbm>>
      tpu.enqueue_dma source(%arg7 : memref<1x640xf32, #tpu.memory_space<vmem>>) target(%dma_start3A_93 : memref<1x640xf32, #tpu.memory_space<hbm>>) target_semaphore(%run_scoped3A_86 : memref<!tpu.dma_semaphore, #tpu.memory_space<semaphore_mem>>)
      %dma_wait3A = arith.constant 0 : i32
      %dma_wait3A_94 = arith.constant 0 : i32
      %dma_wait3A_95 = tpu.memref_slice %arg3[%add3A, %dma_wait3A, %dma_wait3A_94] : memref<32x1x640xf32, #tpu.memory_space<hbm>> -> memref<1x1x640xf32, #tpu.memory_space<hbm>>
      %dma_wait3A_96 = tpu.memref_squeeze %dma_wait3A_95 : memref<1x1x640xf32, #tpu.memory_space<hbm>> -> memref<1x640xf32, #tpu.memory_space<hbm>>
      %dma_wait3A_97 = arith.constant 0 : i32
      %dma_wait3A_98 = arith.constant 0 : i32
      %dma_wait3A_99 = tpu.memref_slice %arg3[%add3A, %dma_wait3A_97, %dma_wait3A_98] : memref<32x1x640xf32, #tpu.memory_space<hbm>> -> memref<1x1x640xf32, #tpu.memory_space<hbm>>
      %dma_wait3A_100 = tpu.memref_squeeze %dma_wait3A_99 : memref<1x1x640xf32, #tpu.memory_space<hbm>> -> memref<1x640xf32, #tpu.memory_space<hbm>>
      tpu.wait_dma2 semaphore(%run_scoped3A_86 : memref<!tpu.dma_semaphore, #tpu.memory_space<semaphore_mem>>) src(%arg7 : memref<1x640xf32, #tpu.memory_space<vmem>>) dst(%dma_wait3A_100 : memref<1x640xf32, #tpu.memory_space<hbm>>)
      tpu.yield
    }) : () -> ()
    return
  }
}

#map = affine_map<(d0, d1) -> (0, 0)>
#map1 = affine_map<(d0, d1) -> (0, 0, 0)>
module attributes {stable_mosaic.version = 14 : i64} {
  func.func @_msg_call(%arg0: i32, %arg1: i32, %arg2: memref<10000x128xf32, #tpu.memory_space<hbm>>, %arg3: memref<4000x1x80xi32, #tpu.memory_space<hbm>>, %arg4: memref<4000x1x80xi32, #tpu.memory_space<hbm>>, %arg5: memref<2x10240x128xf32, #tpu.memory_space<hbm>>, %arg6: memref<1x80xi32, #tpu.memory_space<vmem>>, %arg7: memref<1x80xi32, #tpu.memory_space<vmem>>, %arg8: memref<1x80xi32, #tpu.memory_space<vmem>>, %arg9: memref<1x80xi32, #tpu.memory_space<vmem>>, %arg10: memref<1x80xi32, #tpu.memory_space<vmem>>, %arg11: memref<1x80xi32, #tpu.memory_space<vmem>>, %arg12: memref<1x80xi32, #tpu.memory_space<vmem>>, %arg13: memref<1x80xi32, #tpu.memory_space<vmem>>, %arg14: memref<80x128xf32, #tpu.memory_space<vmem>>, %arg15: memref<80x128xf32, #tpu.memory_space<vmem>>, %arg16: memref<80x128xf32, #tpu.memory_space<vmem>>, %arg17: memref<80x128xf32, #tpu.memory_space<vmem>>, %arg18: memref<32x128xf32, #tpu.memory_space<vmem>>, %arg19: memref<10240x128xf32, #tpu.memory_space<vmem_shared>>, %arg20: memref<!tpu.dma_semaphore, #tpu.memory_space<semaphore_mem>>, %arg21: memref<!tpu.dma_semaphore, #tpu.memory_space<semaphore_mem>>, %arg22: memref<!tpu.dma_semaphore, #tpu.memory_space<semaphore_mem>>, %arg23: memref<!tpu.dma_semaphore, #tpu.memory_space<semaphore_mem>>, %arg24: memref<!tpu.dma_semaphore, #tpu.memory_space<semaphore_mem>>, %arg25: memref<!tpu.dma_semaphore, #tpu.memory_space<semaphore_mem>>, %arg26: memref<!tpu.dma_semaphore, #tpu.memory_space<semaphore_mem>>, %arg27: memref<!tpu.dma_semaphore, #tpu.memory_space<semaphore_mem>>, %arg28: memref<!tpu.dma_semaphore, #tpu.memory_space<semaphore_mem>>, %arg29: memref<!tpu.dma_semaphore, #tpu.memory_space<semaphore_mem>>, %arg30: memref<!tpu.dma_semaphore, #tpu.memory_space<semaphore_mem>>, %arg31: memref<!tpu.dma_semaphore, #tpu.memory_space<semaphore_mem>>) attributes {dimension_semantics = [#tpu.dimension_semantics<core_parallel>, #tpu.dimension_semantics<subcore_parallel>], iteration_bounds = array<i64: 2, 16>, scalar_prefetch = 0 : i64, scratch_operands = 26 : i64, tpu.core_type = #tpu.core_type<sc_vector_subcore>, window_params = [{transform_indices = #map}, {transform_indices = #map1}, {transform_indices = #map1}, {transform_indices = #map1}]} {
    %mul3A = arith.constant 16 : i32
    %mul3A_0 = arith.muli %arg0, %mul3A : i32
    %add3A = arith.addi %mul3A_0, %arg1 : i32
    %mul3A_1 = arith.constant 125 : i32
    %mul3A_2 = arith.muli %add3A, %mul3A_1 : i32
    %broadcast_in_dim3A = arith.constant 0.000000e+00 : f32
    %broadcast_in_dim3A_3 = vector.broadcast %broadcast_in_dim3A : f32 to vector<16xf32>
    %scan3A = arith.constant 0 : i32
    %scan3A_4 = arith.constant 0 : i32
    %scan3A_5 = arith.constant 32 : i32
    %scan3A_6 = arith.addi %scan3A_4, %scan3A_5 : i32
    %scan3A_7 = arith.constant 1 : i32
    scf.for %scan3A_263 = %scan3A_4 to %scan3A_6 step %scan3A_7  : i32 {
      %swap3A = arith.index_cast %scan3A_263 : i32 to index
      %swap3A_264 = arith.constant 0 : index
      %swap3A_265 = tpu.vector_load %arg18[%swap3A, %swap3A_264] {strides = array<i32>} : memref<32x128xf32, #tpu.memory_space<vmem>>, vector<16xf32>,
      tpu.vector_store %arg18[%swap3A, %swap3A_264], %broadcast_in_dim3A_3 {strides = array<i32>} : memref<32x128xf32, #tpu.memory_space<vmem>>, vector<16xf32>,
      %swap3A_266 = arith.index_cast %scan3A_263 : i32 to index
      %swap3A_267 = arith.constant 16 : index
      %swap3A_268 = tpu.vector_load %arg18[%swap3A_266, %swap3A_267] {strides = array<i32>} : memref<32x128xf32, #tpu.memory_space<vmem>>, vector<16xf32>,
      tpu.vector_store %arg18[%swap3A_266, %swap3A_267], %broadcast_in_dim3A_3 {strides = array<i32>} : memref<32x128xf32, #tpu.memory_space<vmem>>, vector<16xf32>,
      %swap3A_269 = arith.index_cast %scan3A_263 : i32 to index
      %swap3A_270 = arith.constant 32 : index
      %swap3A_271 = tpu.vector_load %arg18[%swap3A_269, %swap3A_270] {strides = array<i32>} : memref<32x128xf32, #tpu.memory_space<vmem>>, vector<16xf32>,
      tpu.vector_store %arg18[%swap3A_269, %swap3A_270], %broadcast_in_dim3A_3 {strides = array<i32>} : memref<32x128xf32, #tpu.memory_space<vmem>>, vector<16xf32>,
      %swap3A_272 = arith.index_cast %scan3A_263 : i32 to index
      %swap3A_273 = arith.constant 48 : index
      %swap3A_274 = tpu.vector_load %arg18[%swap3A_272, %swap3A_273] {strides = array<i32>} : memref<32x128xf32, #tpu.memory_space<vmem>>, vector<16xf32>,
      tpu.vector_store %arg18[%swap3A_272, %swap3A_273], %broadcast_in_dim3A_3 {strides = array<i32>} : memref<32x128xf32, #tpu.memory_space<vmem>>, vector<16xf32>,
      %swap3A_275 = arith.index_cast %scan3A_263 : i32 to index
      %swap3A_276 = arith.constant 64 : index
      %swap3A_277 = tpu.vector_load %arg18[%swap3A_275, %swap3A_276] {strides = array<i32>} : memref<32x128xf32, #tpu.memory_space<vmem>>, vector<16xf32>,
      tpu.vector_store %arg18[%swap3A_275, %swap3A_276], %broadcast_in_dim3A_3 {strides = array<i32>} : memref<32x128xf32, #tpu.memory_space<vmem>>, vector<16xf32>,
      %swap3A_278 = arith.index_cast %scan3A_263 : i32 to index
      %swap3A_279 = arith.constant 80 : index
      %swap3A_280 = tpu.vector_load %arg18[%swap3A_278, %swap3A_279] {strides = array<i32>} : memref<32x128xf32, #tpu.memory_space<vmem>>, vector<16xf32>,
      tpu.vector_store %arg18[%swap3A_278, %swap3A_279], %broadcast_in_dim3A_3 {strides = array<i32>} : memref<32x128xf32, #tpu.memory_space<vmem>>, vector<16xf32>,
      %swap3A_281 = arith.index_cast %scan3A_263 : i32 to index
      %swap3A_282 = arith.constant 96 : index
      %swap3A_283 = tpu.vector_load %arg18[%swap3A_281, %swap3A_282] {strides = array<i32>} : memref<32x128xf32, #tpu.memory_space<vmem>>, vector<16xf32>,
      tpu.vector_store %arg18[%swap3A_281, %swap3A_282], %broadcast_in_dim3A_3 {strides = array<i32>} : memref<32x128xf32, #tpu.memory_space<vmem>>, vector<16xf32>,
      %swap3A_284 = arith.index_cast %scan3A_263 : i32 to index
      %swap3A_285 = arith.constant 112 : index
      %swap3A_286 = tpu.vector_load %arg18[%swap3A_284, %swap3A_285] {strides = array<i32>} : memref<32x128xf32, #tpu.memory_space<vmem>>, vector<16xf32>,
      tpu.vector_store %arg18[%swap3A_284, %swap3A_285], %broadcast_in_dim3A_3 {strides = array<i32>} : memref<32x128xf32, #tpu.memory_space<vmem>>, vector<16xf32>,
    }
    %scan3A_8 = arith.constant 32 : i32
    %mul3A_9 = arith.constant 640 : i32
    %mul3A_10 = arith.muli %arg1, %mul3A_9 : i32
    %add3A_11 = arith.constant 0 : i32
    %add3A_12 = arith.addi %mul3A_10, %add3A_11 : i32
    "tpu.region"() ({
      %run_scoped3A_263 = tpu.sem_alloc : memref<!tpu.dma_semaphore, #tpu.memory_space<semaphore_mem>>
      %dma_start3A_264 = arith.constant 0 : i32
      %dma_start3A_265 = tpu.memref_slice %arg19[%add3A_12, %dma_start3A_264] : memref<10240x128xf32, #tpu.memory_space<vmem_shared>> -> memref<32x128xf32, #tpu.memory_space<vmem_shared>>
      %dma_start3A_266 = arith.constant 0 : i32
      %dma_start3A_267 = tpu.memref_slice %arg19[%add3A_12, %dma_start3A_266] : memref<10240x128xf32, #tpu.memory_space<vmem_shared>> -> memref<32x128xf32, #tpu.memory_space<vmem_shared>>
      tpu.enqueue_dma source(%arg18 : memref<32x128xf32, #tpu.memory_space<vmem>>) target(%dma_start3A_267 : memref<32x128xf32, #tpu.memory_space<vmem_shared>>) target_semaphore(%run_scoped3A_263 : memref<!tpu.dma_semaphore, #tpu.memory_space<semaphore_mem>>)
      %dma_wait3A_268 = arith.constant 0 : i32
      %dma_wait3A_269 = tpu.memref_slice %arg19[%add3A_12, %dma_wait3A_268] : memref<10240x128xf32, #tpu.memory_space<vmem_shared>> -> memref<32x128xf32, #tpu.memory_space<vmem_shared>>
      %dma_wait3A_270 = arith.constant 0 : i32
      %dma_wait3A_271 = tpu.memref_slice %arg19[%add3A_12, %dma_wait3A_270] : memref<10240x128xf32, #tpu.memory_space<vmem_shared>> -> memref<32x128xf32, #tpu.memory_space<vmem_shared>>
      tpu.wait_dma2 semaphore(%run_scoped3A_263 : memref<!tpu.dma_semaphore, #tpu.memory_space<semaphore_mem>>) src(%arg18 : memref<32x128xf32, #tpu.memory_space<vmem>>) dst(%dma_wait3A_271 : memref<32x128xf32, #tpu.memory_space<vmem_shared>>)
      tpu.yield
    }) : () -> ()
    %mul3A_13 = arith.constant 640 : i32
    %mul3A_14 = arith.muli %arg1, %mul3A_13 : i32
    %add3A_15 = arith.constant 32 : i32
    %add3A_16 = arith.addi %mul3A_14, %add3A_15 : i32
    "tpu.region"() ({
      %run_scoped3A_263 = tpu.sem_alloc : memref<!tpu.dma_semaphore, #tpu.memory_space<semaphore_mem>>
      %dma_start3A_264 = arith.constant 0 : i32
      %dma_start3A_265 = tpu.memref_slice %arg19[%add3A_16, %dma_start3A_264] : memref<10240x128xf32, #tpu.memory_space<vmem_shared>> -> memref<32x128xf32, #tpu.memory_space<vmem_shared>>
      %dma_start3A_266 = arith.constant 0 : i32
      %dma_start3A_267 = tpu.memref_slice %arg19[%add3A_16, %dma_start3A_266] : memref<10240x128xf32, #tpu.memory_space<vmem_shared>> -> memref<32x128xf32, #tpu.memory_space<vmem_shared>>
      tpu.enqueue_dma source(%arg18 : memref<32x128xf32, #tpu.memory_space<vmem>>) target(%dma_start3A_267 : memref<32x128xf32, #tpu.memory_space<vmem_shared>>) target_semaphore(%run_scoped3A_263 : memref<!tpu.dma_semaphore, #tpu.memory_space<semaphore_mem>>)
      %dma_wait3A_268 = arith.constant 0 : i32
      %dma_wait3A_269 = tpu.memref_slice %arg19[%add3A_16, %dma_wait3A_268] : memref<10240x128xf32, #tpu.memory_space<vmem_shared>> -> memref<32x128xf32, #tpu.memory_space<vmem_shared>>
      %dma_wait3A_270 = arith.constant 0 : i32
      %dma_wait3A_271 = tpu.memref_slice %arg19[%add3A_16, %dma_wait3A_270] : memref<10240x128xf32, #tpu.memory_space<vmem_shared>> -> memref<32x128xf32, #tpu.memory_space<vmem_shared>>
      tpu.wait_dma2 semaphore(%run_scoped3A_263 : memref<!tpu.dma_semaphore, #tpu.memory_space<semaphore_mem>>) src(%arg18 : memref<32x128xf32, #tpu.memory_space<vmem>>) dst(%dma_wait3A_271 : memref<32x128xf32, #tpu.memory_space<vmem_shared>>)
      tpu.yield
    }) : () -> ()
    %mul3A_17 = arith.constant 640 : i32
    %mul3A_18 = arith.muli %arg1, %mul3A_17 : i32
    %add3A_19 = arith.constant 64 : i32
    %add3A_20 = arith.addi %mul3A_18, %add3A_19 : i32
    "tpu.region"() ({
      %run_scoped3A_263 = tpu.sem_alloc : memref<!tpu.dma_semaphore, #tpu.memory_space<semaphore_mem>>
      %dma_start3A_264 = arith.constant 0 : i32
      %dma_start3A_265 = tpu.memref_slice %arg19[%add3A_20, %dma_start3A_264] : memref<10240x128xf32, #tpu.memory_space<vmem_shared>> -> memref<32x128xf32, #tpu.memory_space<vmem_shared>>
      %dma_start3A_266 = arith.constant 0 : i32
      %dma_start3A_267 = tpu.memref_slice %arg19[%add3A_20, %dma_start3A_266] : memref<10240x128xf32, #tpu.memory_space<vmem_shared>> -> memref<32x128xf32, #tpu.memory_space<vmem_shared>>
      tpu.enqueue_dma source(%arg18 : memref<32x128xf32, #tpu.memory_space<vmem>>) target(%dma_start3A_267 : memref<32x128xf32, #tpu.memory_space<vmem_shared>>) target_semaphore(%run_scoped3A_263 : memref<!tpu.dma_semaphore, #tpu.memory_space<semaphore_mem>>)
      %dma_wait3A_268 = arith.constant 0 : i32
      %dma_wait3A_269 = tpu.memref_slice %arg19[%add3A_20, %dma_wait3A_268] : memref<10240x128xf32, #tpu.memory_space<vmem_shared>> -> memref<32x128xf32, #tpu.memory_space<vmem_shared>>
      %dma_wait3A_270 = arith.constant 0 : i32
      %dma_wait3A_271 = tpu.memref_slice %arg19[%add3A_20, %dma_wait3A_270] : memref<10240x128xf32, #tpu.memory_space<vmem_shared>> -> memref<32x128xf32, #tpu.memory_space<vmem_shared>>
      tpu.wait_dma2 semaphore(%run_scoped3A_263 : memref<!tpu.dma_semaphore, #tpu.memory_space<semaphore_mem>>) src(%arg18 : memref<32x128xf32, #tpu.memory_space<vmem>>) dst(%dma_wait3A_271 : memref<32x128xf32, #tpu.memory_space<vmem_shared>>)
      tpu.yield
    }) : () -> ()
    %mul3A_21 = arith.constant 640 : i32
    %mul3A_22 = arith.muli %arg1, %mul3A_21 : i32
    %add3A_23 = arith.constant 96 : i32
    %add3A_24 = arith.addi %mul3A_22, %add3A_23 : i32
    "tpu.region"() ({
      %run_scoped3A_263 = tpu.sem_alloc : memref<!tpu.dma_semaphore, #tpu.memory_space<semaphore_mem>>
      %dma_start3A_264 = arith.constant 0 : i32
      %dma_start3A_265 = tpu.memref_slice %arg19[%add3A_24, %dma_start3A_264] : memref<10240x128xf32, #tpu.memory_space<vmem_shared>> -> memref<32x128xf32, #tpu.memory_space<vmem_shared>>
      %dma_start3A_266 = arith.constant 0 : i32
      %dma_start3A_267 = tpu.memref_slice %arg19[%add3A_24, %dma_start3A_266] : memref<10240x128xf32, #tpu.memory_space<vmem_shared>> -> memref<32x128xf32, #tpu.memory_space<vmem_shared>>
      tpu.enqueue_dma source(%arg18 : memref<32x128xf32, #tpu.memory_space<vmem>>) target(%dma_start3A_267 : memref<32x128xf32, #tpu.memory_space<vmem_shared>>) target_semaphore(%run_scoped3A_263 : memref<!tpu.dma_semaphore, #tpu.memory_space<semaphore_mem>>)
      %dma_wait3A_268 = arith.constant 0 : i32
      %dma_wait3A_269 = tpu.memref_slice %arg19[%add3A_24, %dma_wait3A_268] : memref<10240x128xf32, #tpu.memory_space<vmem_shared>> -> memref<32x128xf32, #tpu.memory_space<vmem_shared>>
      %dma_wait3A_270 = arith.constant 0 : i32
      %dma_wait3A_271 = tpu.memref_slice %arg19[%add3A_24, %dma_wait3A_270] : memref<10240x128xf32, #tpu.memory_space<vmem_shared>> -> memref<32x128xf32, #tpu.memory_space<vmem_shared>>
      tpu.wait_dma2 semaphore(%run_scoped3A_263 : memref<!tpu.dma_semaphore, #tpu.memory_space<semaphore_mem>>) src(%arg18 : memref<32x128xf32, #tpu.memory_space<vmem>>) dst(%dma_wait3A_271 : memref<32x128xf32, #tpu.memory_space<vmem_shared>>)
      tpu.yield
    }) : () -> ()
    %mul3A_25 = arith.constant 640 : i32
    %mul3A_26 = arith.muli %arg1, %mul3A_25 : i32
    %add3A_27 = arith.constant 128 : i32
    %add3A_28 = arith.addi %mul3A_26, %add3A_27 : i32
    "tpu.region"() ({
      %run_scoped3A_263 = tpu.sem_alloc : memref<!tpu.dma_semaphore, #tpu.memory_space<semaphore_mem>>
      %dma_start3A_264 = arith.constant 0 : i32
      %dma_start3A_265 = tpu.memref_slice %arg19[%add3A_28, %dma_start3A_264] : memref<10240x128xf32, #tpu.memory_space<vmem_shared>> -> memref<32x128xf32, #tpu.memory_space<vmem_shared>>
      %dma_start3A_266 = arith.constant 0 : i32
      %dma_start3A_267 = tpu.memref_slice %arg19[%add3A_28, %dma_start3A_266] : memref<10240x128xf32, #tpu.memory_space<vmem_shared>> -> memref<32x128xf32, #tpu.memory_space<vmem_shared>>
      tpu.enqueue_dma source(%arg18 : memref<32x128xf32, #tpu.memory_space<vmem>>) target(%dma_start3A_267 : memref<32x128xf32, #tpu.memory_space<vmem_shared>>) target_semaphore(%run_scoped3A_263 : memref<!tpu.dma_semaphore, #tpu.memory_space<semaphore_mem>>)
      %dma_wait3A_268 = arith.constant 0 : i32
      %dma_wait3A_269 = tpu.memref_slice %arg19[%add3A_28, %dma_wait3A_268] : memref<10240x128xf32, #tpu.memory_space<vmem_shared>> -> memref<32x128xf32, #tpu.memory_space<vmem_shared>>
      %dma_wait3A_270 = arith.constant 0 : i32
      %dma_wait3A_271 = tpu.memref_slice %arg19[%add3A_28, %dma_wait3A_270] : memref<10240x128xf32, #tpu.memory_space<vmem_shared>> -> memref<32x128xf32, #tpu.memory_space<vmem_shared>>
      tpu.wait_dma2 semaphore(%run_scoped3A_263 : memref<!tpu.dma_semaphore, #tpu.memory_space<semaphore_mem>>) src(%arg18 : memref<32x128xf32, #tpu.memory_space<vmem>>) dst(%dma_wait3A_271 : memref<32x128xf32, #tpu.memory_space<vmem_shared>>)
      tpu.yield
    }) : () -> ()
    %mul3A_29 = arith.constant 640 : i32
    %mul3A_30 = arith.muli %arg1, %mul3A_29 : i32
    %add3A_31 = arith.constant 160 : i32
    %add3A_32 = arith.addi %mul3A_30, %add3A_31 : i32
    "tpu.region"() ({
      %run_scoped3A_263 = tpu.sem_alloc : memref<!tpu.dma_semaphore, #tpu.memory_space<semaphore_mem>>
      %dma_start3A_264 = arith.constant 0 : i32
      %dma_start3A_265 = tpu.memref_slice %arg19[%add3A_32, %dma_start3A_264] : memref<10240x128xf32, #tpu.memory_space<vmem_shared>> -> memref<32x128xf32, #tpu.memory_space<vmem_shared>>
      %dma_start3A_266 = arith.constant 0 : i32
      %dma_start3A_267 = tpu.memref_slice %arg19[%add3A_32, %dma_start3A_266] : memref<10240x128xf32, #tpu.memory_space<vmem_shared>> -> memref<32x128xf32, #tpu.memory_space<vmem_shared>>
      tpu.enqueue_dma source(%arg18 : memref<32x128xf32, #tpu.memory_space<vmem>>) target(%dma_start3A_267 : memref<32x128xf32, #tpu.memory_space<vmem_shared>>) target_semaphore(%run_scoped3A_263 : memref<!tpu.dma_semaphore, #tpu.memory_space<semaphore_mem>>)
      %dma_wait3A_268 = arith.constant 0 : i32
      %dma_wait3A_269 = tpu.memref_slice %arg19[%add3A_32, %dma_wait3A_268] : memref<10240x128xf32, #tpu.memory_space<vmem_shared>> -> memref<32x128xf32, #tpu.memory_space<vmem_shared>>
      %dma_wait3A_270 = arith.constant 0 : i32
      %dma_wait3A_271 = tpu.memref_slice %arg19[%add3A_32, %dma_wait3A_270] : memref<10240x128xf32, #tpu.memory_space<vmem_shared>> -> memref<32x128xf32, #tpu.memory_space<vmem_shared>>
      tpu.wait_dma2 semaphore(%run_scoped3A_263 : memref<!tpu.dma_semaphore, #tpu.memory_space<semaphore_mem>>) src(%arg18 : memref<32x128xf32, #tpu.memory_space<vmem>>) dst(%dma_wait3A_271 : memref<32x128xf32, #tpu.memory_space<vmem_shared>>)
      tpu.yield
    }) : () -> ()
    %mul3A_33 = arith.constant 640 : i32
    %mul3A_34 = arith.muli %arg1, %mul3A_33 : i32
    %add3A_35 = arith.constant 192 : i32
    %add3A_36 = arith.addi %mul3A_34, %add3A_35 : i32
    "tpu.region"() ({
      %run_scoped3A_263 = tpu.sem_alloc : memref<!tpu.dma_semaphore, #tpu.memory_space<semaphore_mem>>
      %dma_start3A_264 = arith.constant 0 : i32
      %dma_start3A_265 = tpu.memref_slice %arg19[%add3A_36, %dma_start3A_264] : memref<10240x128xf32, #tpu.memory_space<vmem_shared>> -> memref<32x128xf32, #tpu.memory_space<vmem_shared>>
      %dma_start3A_266 = arith.constant 0 : i32
      %dma_start3A_267 = tpu.memref_slice %arg19[%add3A_36, %dma_start3A_266] : memref<10240x128xf32, #tpu.memory_space<vmem_shared>> -> memref<32x128xf32, #tpu.memory_space<vmem_shared>>
      tpu.enqueue_dma source(%arg18 : memref<32x128xf32, #tpu.memory_space<vmem>>) target(%dma_start3A_267 : memref<32x128xf32, #tpu.memory_space<vmem_shared>>) target_semaphore(%run_scoped3A_263 : memref<!tpu.dma_semaphore, #tpu.memory_space<semaphore_mem>>)
      %dma_wait3A_268 = arith.constant 0 : i32
      %dma_wait3A_269 = tpu.memref_slice %arg19[%add3A_36, %dma_wait3A_268] : memref<10240x128xf32, #tpu.memory_space<vmem_shared>> -> memref<32x128xf32, #tpu.memory_space<vmem_shared>>
      %dma_wait3A_270 = arith.constant 0 : i32
      %dma_wait3A_271 = tpu.memref_slice %arg19[%add3A_36, %dma_wait3A_270] : memref<10240x128xf32, #tpu.memory_space<vmem_shared>> -> memref<32x128xf32, #tpu.memory_space<vmem_shared>>
      tpu.wait_dma2 semaphore(%run_scoped3A_263 : memref<!tpu.dma_semaphore, #tpu.memory_space<semaphore_mem>>) src(%arg18 : memref<32x128xf32, #tpu.memory_space<vmem>>) dst(%dma_wait3A_271 : memref<32x128xf32, #tpu.memory_space<vmem_shared>>)
      tpu.yield
    }) : () -> ()
    %mul3A_37 = arith.constant 640 : i32
    %mul3A_38 = arith.muli %arg1, %mul3A_37 : i32
    %add3A_39 = arith.constant 224 : i32
    %add3A_40 = arith.addi %mul3A_38, %add3A_39 : i32
    "tpu.region"() ({
      %run_scoped3A_263 = tpu.sem_alloc : memref<!tpu.dma_semaphore, #tpu.memory_space<semaphore_mem>>
      %dma_start3A_264 = arith.constant 0 : i32
      %dma_start3A_265 = tpu.memref_slice %arg19[%add3A_40, %dma_start3A_264] : memref<10240x128xf32, #tpu.memory_space<vmem_shared>> -> memref<32x128xf32, #tpu.memory_space<vmem_shared>>
      %dma_start3A_266 = arith.constant 0 : i32
      %dma_start3A_267 = tpu.memref_slice %arg19[%add3A_40, %dma_start3A_266] : memref<10240x128xf32, #tpu.memory_space<vmem_shared>> -> memref<32x128xf32, #tpu.memory_space<vmem_shared>>
      tpu.enqueue_dma source(%arg18 : memref<32x128xf32, #tpu.memory_space<vmem>>) target(%dma_start3A_267 : memref<32x128xf32, #tpu.memory_space<vmem_shared>>) target_semaphore(%run_scoped3A_263 : memref<!tpu.dma_semaphore, #tpu.memory_space<semaphore_mem>>)
      %dma_wait3A_268 = arith.constant 0 : i32
      %dma_wait3A_269 = tpu.memref_slice %arg19[%add3A_40, %dma_wait3A_268] : memref<10240x128xf32, #tpu.memory_space<vmem_shared>> -> memref<32x128xf32, #tpu.memory_space<vmem_shared>>
      %dma_wait3A_270 = arith.constant 0 : i32
      %dma_wait3A_271 = tpu.memref_slice %arg19[%add3A_40, %dma_wait3A_270] : memref<10240x128xf32, #tpu.memory_space<vmem_shared>> -> memref<32x128xf32, #tpu.memory_space<vmem_shared>>
      tpu.wait_dma2 semaphore(%run_scoped3A_263 : memref<!tpu.dma_semaphore, #tpu.memory_space<semaphore_mem>>) src(%arg18 : memref<32x128xf32, #tpu.memory_space<vmem>>) dst(%dma_wait3A_271 : memref<32x128xf32, #tpu.memory_space<vmem_shared>>)
      tpu.yield
    }) : () -> ()
    %mul3A_41 = arith.constant 640 : i32
    %mul3A_42 = arith.muli %arg1, %mul3A_41 : i32
    %add3A_43 = arith.constant 256 : i32
    %add3A_44 = arith.addi %mul3A_42, %add3A_43 : i32
    "tpu.region"() ({
      %run_scoped3A_263 = tpu.sem_alloc : memref<!tpu.dma_semaphore, #tpu.memory_space<semaphore_mem>>
      %dma_start3A_264 = arith.constant 0 : i32
      %dma_start3A_265 = tpu.memref_slice %arg19[%add3A_44, %dma_start3A_264] : memref<10240x128xf32, #tpu.memory_space<vmem_shared>> -> memref<32x128xf32, #tpu.memory_space<vmem_shared>>
      %dma_start3A_266 = arith.constant 0 : i32
      %dma_start3A_267 = tpu.memref_slice %arg19[%add3A_44, %dma_start3A_266] : memref<10240x128xf32, #tpu.memory_space<vmem_shared>> -> memref<32x128xf32, #tpu.memory_space<vmem_shared>>
      tpu.enqueue_dma source(%arg18 : memref<32x128xf32, #tpu.memory_space<vmem>>) target(%dma_start3A_267 : memref<32x128xf32, #tpu.memory_space<vmem_shared>>) target_semaphore(%run_scoped3A_263 : memref<!tpu.dma_semaphore, #tpu.memory_space<semaphore_mem>>)
      %dma_wait3A_268 = arith.constant 0 : i32
      %dma_wait3A_269 = tpu.memref_slice %arg19[%add3A_44, %dma_wait3A_268] : memref<10240x128xf32, #tpu.memory_space<vmem_shared>> -> memref<32x128xf32, #tpu.memory_space<vmem_shared>>
      %dma_wait3A_270 = arith.constant 0 : i32
      %dma_wait3A_271 = tpu.memref_slice %arg19[%add3A_44, %dma_wait3A_270] : memref<10240x128xf32, #tpu.memory_space<vmem_shared>> -> memref<32x128xf32, #tpu.memory_space<vmem_shared>>
      tpu.wait_dma2 semaphore(%run_scoped3A_263 : memref<!tpu.dma_semaphore, #tpu.memory_space<semaphore_mem>>) src(%arg18 : memref<32x128xf32, #tpu.memory_space<vmem>>) dst(%dma_wait3A_271 : memref<32x128xf32, #tpu.memory_space<vmem_shared>>)
      tpu.yield
    }) : () -> ()
    %mul3A_45 = arith.constant 640 : i32
    %mul3A_46 = arith.muli %arg1, %mul3A_45 : i32
    %add3A_47 = arith.constant 288 : i32
    %add3A_48 = arith.addi %mul3A_46, %add3A_47 : i32
    "tpu.region"() ({
      %run_scoped3A_263 = tpu.sem_alloc : memref<!tpu.dma_semaphore, #tpu.memory_space<semaphore_mem>>
      %dma_start3A_264 = arith.constant 0 : i32
      %dma_start3A_265 = tpu.memref_slice %arg19[%add3A_48, %dma_start3A_264] : memref<10240x128xf32, #tpu.memory_space<vmem_shared>> -> memref<32x128xf32, #tpu.memory_space<vmem_shared>>
      %dma_start3A_266 = arith.constant 0 : i32
      %dma_start3A_267 = tpu.memref_slice %arg19[%add3A_48, %dma_start3A_266] : memref<10240x128xf32, #tpu.memory_space<vmem_shared>> -> memref<32x128xf32, #tpu.memory_space<vmem_shared>>
      tpu.enqueue_dma source(%arg18 : memref<32x128xf32, #tpu.memory_space<vmem>>) target(%dma_start3A_267 : memref<32x128xf32, #tpu.memory_space<vmem_shared>>) target_semaphore(%run_scoped3A_263 : memref<!tpu.dma_semaphore, #tpu.memory_space<semaphore_mem>>)
      %dma_wait3A_268 = arith.constant 0 : i32
      %dma_wait3A_269 = tpu.memref_slice %arg19[%add3A_48, %dma_wait3A_268] : memref<10240x128xf32, #tpu.memory_space<vmem_shared>> -> memref<32x128xf32, #tpu.memory_space<vmem_shared>>
      %dma_wait3A_270 = arith.constant 0 : i32
      %dma_wait3A_271 = tpu.memref_slice %arg19[%add3A_48, %dma_wait3A_270] : memref<10240x128xf32, #tpu.memory_space<vmem_shared>> -> memref<32x128xf32, #tpu.memory_space<vmem_shared>>
      tpu.wait_dma2 semaphore(%run_scoped3A_263 : memref<!tpu.dma_semaphore, #tpu.memory_space<semaphore_mem>>) src(%arg18 : memref<32x128xf32, #tpu.memory_space<vmem>>) dst(%dma_wait3A_271 : memref<32x128xf32, #tpu.memory_space<vmem_shared>>)
      tpu.yield
    }) : () -> ()
    %mul3A_49 = arith.constant 640 : i32
    %mul3A_50 = arith.muli %arg1, %mul3A_49 : i32
    %add3A_51 = arith.constant 320 : i32
    %add3A_52 = arith.addi %mul3A_50, %add3A_51 : i32
    "tpu.region"() ({
      %run_scoped3A_263 = tpu.sem_alloc : memref<!tpu.dma_semaphore, #tpu.memory_space<semaphore_mem>>
      %dma_start3A_264 = arith.constant 0 : i32
      %dma_start3A_265 = tpu.memref_slice %arg19[%add3A_52, %dma_start3A_264] : memref<10240x128xf32, #tpu.memory_space<vmem_shared>> -> memref<32x128xf32, #tpu.memory_space<vmem_shared>>
      %dma_start3A_266 = arith.constant 0 : i32
      %dma_start3A_267 = tpu.memref_slice %arg19[%add3A_52, %dma_start3A_266] : memref<10240x128xf32, #tpu.memory_space<vmem_shared>> -> memref<32x128xf32, #tpu.memory_space<vmem_shared>>
      tpu.enqueue_dma source(%arg18 : memref<32x128xf32, #tpu.memory_space<vmem>>) target(%dma_start3A_267 : memref<32x128xf32, #tpu.memory_space<vmem_shared>>) target_semaphore(%run_scoped3A_263 : memref<!tpu.dma_semaphore, #tpu.memory_space<semaphore_mem>>)
      %dma_wait3A_268 = arith.constant 0 : i32
      %dma_wait3A_269 = tpu.memref_slice %arg19[%add3A_52, %dma_wait3A_268] : memref<10240x128xf32, #tpu.memory_space<vmem_shared>> -> memref<32x128xf32, #tpu.memory_space<vmem_shared>>
      %dma_wait3A_270 = arith.constant 0 : i32
      %dma_wait3A_271 = tpu.memref_slice %arg19[%add3A_52, %dma_wait3A_270] : memref<10240x128xf32, #tpu.memory_space<vmem_shared>> -> memref<32x128xf32, #tpu.memory_space<vmem_shared>>
      tpu.wait_dma2 semaphore(%run_scoped3A_263 : memref<!tpu.dma_semaphore, #tpu.memory_space<semaphore_mem>>) src(%arg18 : memref<32x128xf32, #tpu.memory_space<vmem>>) dst(%dma_wait3A_271 : memref<32x128xf32, #tpu.memory_space<vmem_shared>>)
      tpu.yield
    }) : () -> ()
    %mul3A_53 = arith.constant 640 : i32
    %mul3A_54 = arith.muli %arg1, %mul3A_53 : i32
    %add3A_55 = arith.constant 352 : i32
    %add3A_56 = arith.addi %mul3A_54, %add3A_55 : i32
    "tpu.region"() ({
      %run_scoped3A_263 = tpu.sem_alloc : memref<!tpu.dma_semaphore, #tpu.memory_space<semaphore_mem>>
      %dma_start3A_264 = arith.constant 0 : i32
      %dma_start3A_265 = tpu.memref_slice %arg19[%add3A_56, %dma_start3A_264] : memref<10240x128xf32, #tpu.memory_space<vmem_shared>> -> memref<32x128xf32, #tpu.memory_space<vmem_shared>>
      %dma_start3A_266 = arith.constant 0 : i32
      %dma_start3A_267 = tpu.memref_slice %arg19[%add3A_56, %dma_start3A_266] : memref<10240x128xf32, #tpu.memory_space<vmem_shared>> -> memref<32x128xf32, #tpu.memory_space<vmem_shared>>
      tpu.enqueue_dma source(%arg18 : memref<32x128xf32, #tpu.memory_space<vmem>>) target(%dma_start3A_267 : memref<32x128xf32, #tpu.memory_space<vmem_shared>>) target_semaphore(%run_scoped3A_263 : memref<!tpu.dma_semaphore, #tpu.memory_space<semaphore_mem>>)
      %dma_wait3A_268 = arith.constant 0 : i32
      %dma_wait3A_269 = tpu.memref_slice %arg19[%add3A_56, %dma_wait3A_268] : memref<10240x128xf32, #tpu.memory_space<vmem_shared>> -> memref<32x128xf32, #tpu.memory_space<vmem_shared>>
      %dma_wait3A_270 = arith.constant 0 : i32
      %dma_wait3A_271 = tpu.memref_slice %arg19[%add3A_56, %dma_wait3A_270] : memref<10240x128xf32, #tpu.memory_space<vmem_shared>> -> memref<32x128xf32, #tpu.memory_space<vmem_shared>>
      tpu.wait_dma2 semaphore(%run_scoped3A_263 : memref<!tpu.dma_semaphore, #tpu.memory_space<semaphore_mem>>) src(%arg18 : memref<32x128xf32, #tpu.memory_space<vmem>>) dst(%dma_wait3A_271 : memref<32x128xf32, #tpu.memory_space<vmem_shared>>)
      tpu.yield
    }) : () -> ()
    %mul3A_57 = arith.constant 640 : i32
    %mul3A_58 = arith.muli %arg1, %mul3A_57 : i32
    %add3A_59 = arith.constant 384 : i32
    %add3A_60 = arith.addi %mul3A_58, %add3A_59 : i32
    "tpu.region"() ({
      %run_scoped3A_263 = tpu.sem_alloc : memref<!tpu.dma_semaphore, #tpu.memory_space<semaphore_mem>>
      %dma_start3A_264 = arith.constant 0 : i32
      %dma_start3A_265 = tpu.memref_slice %arg19[%add3A_60, %dma_start3A_264] : memref<10240x128xf32, #tpu.memory_space<vmem_shared>> -> memref<32x128xf32, #tpu.memory_space<vmem_shared>>
      %dma_start3A_266 = arith.constant 0 : i32
      %dma_start3A_267 = tpu.memref_slice %arg19[%add3A_60, %dma_start3A_266] : memref<10240x128xf32, #tpu.memory_space<vmem_shared>> -> memref<32x128xf32, #tpu.memory_space<vmem_shared>>
      tpu.enqueue_dma source(%arg18 : memref<32x128xf32, #tpu.memory_space<vmem>>) target(%dma_start3A_267 : memref<32x128xf32, #tpu.memory_space<vmem_shared>>) target_semaphore(%run_scoped3A_263 : memref<!tpu.dma_semaphore, #tpu.memory_space<semaphore_mem>>)
      %dma_wait3A_268 = arith.constant 0 : i32
      %dma_wait3A_269 = tpu.memref_slice %arg19[%add3A_60, %dma_wait3A_268] : memref<10240x128xf32, #tpu.memory_space<vmem_shared>> -> memref<32x128xf32, #tpu.memory_space<vmem_shared>>
      %dma_wait3A_270 = arith.constant 0 : i32
      %dma_wait3A_271 = tpu.memref_slice %arg19[%add3A_60, %dma_wait3A_270] : memref<10240x128xf32, #tpu.memory_space<vmem_shared>> -> memref<32x128xf32, #tpu.memory_space<vmem_shared>>
      tpu.wait_dma2 semaphore(%run_scoped3A_263 : memref<!tpu.dma_semaphore, #tpu.memory_space<semaphore_mem>>) src(%arg18 : memref<32x128xf32, #tpu.memory_space<vmem>>) dst(%dma_wait3A_271 : memref<32x128xf32, #tpu.memory_space<vmem_shared>>)
      tpu.yield
    }) : () -> ()
    %mul3A_61 = arith.constant 640 : i32
    %mul3A_62 = arith.muli %arg1, %mul3A_61 : i32
    %add3A_63 = arith.constant 416 : i32
    %add3A_64 = arith.addi %mul3A_62, %add3A_63 : i32
    "tpu.region"() ({
      %run_scoped3A_263 = tpu.sem_alloc : memref<!tpu.dma_semaphore, #tpu.memory_space<semaphore_mem>>
      %dma_start3A_264 = arith.constant 0 : i32
      %dma_start3A_265 = tpu.memref_slice %arg19[%add3A_64, %dma_start3A_264] : memref<10240x128xf32, #tpu.memory_space<vmem_shared>> -> memref<32x128xf32, #tpu.memory_space<vmem_shared>>
      %dma_start3A_266 = arith.constant 0 : i32
      %dma_start3A_267 = tpu.memref_slice %arg19[%add3A_64, %dma_start3A_266] : memref<10240x128xf32, #tpu.memory_space<vmem_shared>> -> memref<32x128xf32, #tpu.memory_space<vmem_shared>>
      tpu.enqueue_dma source(%arg18 : memref<32x128xf32, #tpu.memory_space<vmem>>) target(%dma_start3A_267 : memref<32x128xf32, #tpu.memory_space<vmem_shared>>) target_semaphore(%run_scoped3A_263 : memref<!tpu.dma_semaphore, #tpu.memory_space<semaphore_mem>>)
      %dma_wait3A_268 = arith.constant 0 : i32
      %dma_wait3A_269 = tpu.memref_slice %arg19[%add3A_64, %dma_wait3A_268] : memref<10240x128xf32, #tpu.memory_space<vmem_shared>> -> memref<32x128xf32, #tpu.memory_space<vmem_shared>>
      %dma_wait3A_270 = arith.constant 0 : i32
      %dma_wait3A_271 = tpu.memref_slice %arg19[%add3A_64, %dma_wait3A_270] : memref<10240x128xf32, #tpu.memory_space<vmem_shared>> -> memref<32x128xf32, #tpu.memory_space<vmem_shared>>
      tpu.wait_dma2 semaphore(%run_scoped3A_263 : memref<!tpu.dma_semaphore, #tpu.memory_space<semaphore_mem>>) src(%arg18 : memref<32x128xf32, #tpu.memory_space<vmem>>) dst(%dma_wait3A_271 : memref<32x128xf32, #tpu.memory_space<vmem_shared>>)
      tpu.yield
    }) : () -> ()
    %mul3A_65 = arith.constant 640 : i32
    %mul3A_66 = arith.muli %arg1, %mul3A_65 : i32
    %add3A_67 = arith.constant 448 : i32
    %add3A_68 = arith.addi %mul3A_66, %add3A_67 : i32
    "tpu.region"() ({
      %run_scoped3A_263 = tpu.sem_alloc : memref<!tpu.dma_semaphore, #tpu.memory_space<semaphore_mem>>
      %dma_start3A_264 = arith.constant 0 : i32
      %dma_start3A_265 = tpu.memref_slice %arg19[%add3A_68, %dma_start3A_264] : memref<10240x128xf32, #tpu.memory_space<vmem_shared>> -> memref<32x128xf32, #tpu.memory_space<vmem_shared>>
      %dma_start3A_266 = arith.constant 0 : i32
      %dma_start3A_267 = tpu.memref_slice %arg19[%add3A_68, %dma_start3A_266] : memref<10240x128xf32, #tpu.memory_space<vmem_shared>> -> memref<32x128xf32, #tpu.memory_space<vmem_shared>>
      tpu.enqueue_dma source(%arg18 : memref<32x128xf32, #tpu.memory_space<vmem>>) target(%dma_start3A_267 : memref<32x128xf32, #tpu.memory_space<vmem_shared>>) target_semaphore(%run_scoped3A_263 : memref<!tpu.dma_semaphore, #tpu.memory_space<semaphore_mem>>)
      %dma_wait3A_268 = arith.constant 0 : i32
      %dma_wait3A_269 = tpu.memref_slice %arg19[%add3A_68, %dma_wait3A_268] : memref<10240x128xf32, #tpu.memory_space<vmem_shared>> -> memref<32x128xf32, #tpu.memory_space<vmem_shared>>
      %dma_wait3A_270 = arith.constant 0 : i32
      %dma_wait3A_271 = tpu.memref_slice %arg19[%add3A_68, %dma_wait3A_270] : memref<10240x128xf32, #tpu.memory_space<vmem_shared>> -> memref<32x128xf32, #tpu.memory_space<vmem_shared>>
      tpu.wait_dma2 semaphore(%run_scoped3A_263 : memref<!tpu.dma_semaphore, #tpu.memory_space<semaphore_mem>>) src(%arg18 : memref<32x128xf32, #tpu.memory_space<vmem>>) dst(%dma_wait3A_271 : memref<32x128xf32, #tpu.memory_space<vmem_shared>>)
      tpu.yield
    }) : () -> ()
    %mul3A_69 = arith.constant 640 : i32
    %mul3A_70 = arith.muli %arg1, %mul3A_69 : i32
    %add3A_71 = arith.constant 480 : i32
    %add3A_72 = arith.addi %mul3A_70, %add3A_71 : i32
    "tpu.region"() ({
      %run_scoped3A_263 = tpu.sem_alloc : memref<!tpu.dma_semaphore, #tpu.memory_space<semaphore_mem>>
      %dma_start3A_264 = arith.constant 0 : i32
      %dma_start3A_265 = tpu.memref_slice %arg19[%add3A_72, %dma_start3A_264] : memref<10240x128xf32, #tpu.memory_space<vmem_shared>> -> memref<32x128xf32, #tpu.memory_space<vmem_shared>>
      %dma_start3A_266 = arith.constant 0 : i32
      %dma_start3A_267 = tpu.memref_slice %arg19[%add3A_72, %dma_start3A_266] : memref<10240x128xf32, #tpu.memory_space<vmem_shared>> -> memref<32x128xf32, #tpu.memory_space<vmem_shared>>
      tpu.enqueue_dma source(%arg18 : memref<32x128xf32, #tpu.memory_space<vmem>>) target(%dma_start3A_267 : memref<32x128xf32, #tpu.memory_space<vmem_shared>>) target_semaphore(%run_scoped3A_263 : memref<!tpu.dma_semaphore, #tpu.memory_space<semaphore_mem>>)
      %dma_wait3A_268 = arith.constant 0 : i32
      %dma_wait3A_269 = tpu.memref_slice %arg19[%add3A_72, %dma_wait3A_268] : memref<10240x128xf32, #tpu.memory_space<vmem_shared>> -> memref<32x128xf32, #tpu.memory_space<vmem_shared>>
      %dma_wait3A_270 = arith.constant 0 : i32
      %dma_wait3A_271 = tpu.memref_slice %arg19[%add3A_72, %dma_wait3A_270] : memref<10240x128xf32, #tpu.memory_space<vmem_shared>> -> memref<32x128xf32, #tpu.memory_space<vmem_shared>>
      tpu.wait_dma2 semaphore(%run_scoped3A_263 : memref<!tpu.dma_semaphore, #tpu.memory_space<semaphore_mem>>) src(%arg18 : memref<32x128xf32, #tpu.memory_space<vmem>>) dst(%dma_wait3A_271 : memref<32x128xf32, #tpu.memory_space<vmem_shared>>)
      tpu.yield
    }) : () -> ()
    %mul3A_73 = arith.constant 640 : i32
    %mul3A_74 = arith.muli %arg1, %mul3A_73 : i32
    %add3A_75 = arith.constant 512 : i32
    %add3A_76 = arith.addi %mul3A_74, %add3A_75 : i32
    "tpu.region"() ({
      %run_scoped3A_263 = tpu.sem_alloc : memref<!tpu.dma_semaphore, #tpu.memory_space<semaphore_mem>>
      %dma_start3A_264 = arith.constant 0 : i32
      %dma_start3A_265 = tpu.memref_slice %arg19[%add3A_76, %dma_start3A_264] : memref<10240x128xf32, #tpu.memory_space<vmem_shared>> -> memref<32x128xf32, #tpu.memory_space<vmem_shared>>
      %dma_start3A_266 = arith.constant 0 : i32
      %dma_start3A_267 = tpu.memref_slice %arg19[%add3A_76, %dma_start3A_266] : memref<10240x128xf32, #tpu.memory_space<vmem_shared>> -> memref<32x128xf32, #tpu.memory_space<vmem_shared>>
      tpu.enqueue_dma source(%arg18 : memref<32x128xf32, #tpu.memory_space<vmem>>) target(%dma_start3A_267 : memref<32x128xf32, #tpu.memory_space<vmem_shared>>) target_semaphore(%run_scoped3A_263 : memref<!tpu.dma_semaphore, #tpu.memory_space<semaphore_mem>>)
      %dma_wait3A_268 = arith.constant 0 : i32
      %dma_wait3A_269 = tpu.memref_slice %arg19[%add3A_76, %dma_wait3A_268] : memref<10240x128xf32, #tpu.memory_space<vmem_shared>> -> memref<32x128xf32, #tpu.memory_space<vmem_shared>>
      %dma_wait3A_270 = arith.constant 0 : i32
      %dma_wait3A_271 = tpu.memref_slice %arg19[%add3A_76, %dma_wait3A_270] : memref<10240x128xf32, #tpu.memory_space<vmem_shared>> -> memref<32x128xf32, #tpu.memory_space<vmem_shared>>
      tpu.wait_dma2 semaphore(%run_scoped3A_263 : memref<!tpu.dma_semaphore, #tpu.memory_space<semaphore_mem>>) src(%arg18 : memref<32x128xf32, #tpu.memory_space<vmem>>) dst(%dma_wait3A_271 : memref<32x128xf32, #tpu.memory_space<vmem_shared>>)
      tpu.yield
    }) : () -> ()
    %mul3A_77 = arith.constant 640 : i32
    %mul3A_78 = arith.muli %arg1, %mul3A_77 : i32
    %add3A_79 = arith.constant 544 : i32
    %add3A_80 = arith.addi %mul3A_78, %add3A_79 : i32
    "tpu.region"() ({
      %run_scoped3A_263 = tpu.sem_alloc : memref<!tpu.dma_semaphore, #tpu.memory_space<semaphore_mem>>
      %dma_start3A_264 = arith.constant 0 : i32
      %dma_start3A_265 = tpu.memref_slice %arg19[%add3A_80, %dma_start3A_264] : memref<10240x128xf32, #tpu.memory_space<vmem_shared>> -> memref<32x128xf32, #tpu.memory_space<vmem_shared>>
      %dma_start3A_266 = arith.constant 0 : i32
      %dma_start3A_267 = tpu.memref_slice %arg19[%add3A_80, %dma_start3A_266] : memref<10240x128xf32, #tpu.memory_space<vmem_shared>> -> memref<32x128xf32, #tpu.memory_space<vmem_shared>>
      tpu.enqueue_dma source(%arg18 : memref<32x128xf32, #tpu.memory_space<vmem>>) target(%dma_start3A_267 : memref<32x128xf32, #tpu.memory_space<vmem_shared>>) target_semaphore(%run_scoped3A_263 : memref<!tpu.dma_semaphore, #tpu.memory_space<semaphore_mem>>)
      %dma_wait3A_268 = arith.constant 0 : i32
      %dma_wait3A_269 = tpu.memref_slice %arg19[%add3A_80, %dma_wait3A_268] : memref<10240x128xf32, #tpu.memory_space<vmem_shared>> -> memref<32x128xf32, #tpu.memory_space<vmem_shared>>
      %dma_wait3A_270 = arith.constant 0 : i32
      %dma_wait3A_271 = tpu.memref_slice %arg19[%add3A_80, %dma_wait3A_270] : memref<10240x128xf32, #tpu.memory_space<vmem_shared>> -> memref<32x128xf32, #tpu.memory_space<vmem_shared>>
      tpu.wait_dma2 semaphore(%run_scoped3A_263 : memref<!tpu.dma_semaphore, #tpu.memory_space<semaphore_mem>>) src(%arg18 : memref<32x128xf32, #tpu.memory_space<vmem>>) dst(%dma_wait3A_271 : memref<32x128xf32, #tpu.memory_space<vmem_shared>>)
      tpu.yield
    }) : () -> ()
    %mul3A_81 = arith.constant 640 : i32
    %mul3A_82 = arith.muli %arg1, %mul3A_81 : i32
    %add3A_83 = arith.constant 576 : i32
    %add3A_84 = arith.addi %mul3A_82, %add3A_83 : i32
    "tpu.region"() ({
      %run_scoped3A_263 = tpu.sem_alloc : memref<!tpu.dma_semaphore, #tpu.memory_space<semaphore_mem>>
      %dma_start3A_264 = arith.constant 0 : i32
      %dma_start3A_265 = tpu.memref_slice %arg19[%add3A_84, %dma_start3A_264] : memref<10240x128xf32, #tpu.memory_space<vmem_shared>> -> memref<32x128xf32, #tpu.memory_space<vmem_shared>>
      %dma_start3A_266 = arith.constant 0 : i32
      %dma_start3A_267 = tpu.memref_slice %arg19[%add3A_84, %dma_start3A_266] : memref<10240x128xf32, #tpu.memory_space<vmem_shared>> -> memref<32x128xf32, #tpu.memory_space<vmem_shared>>
      tpu.enqueue_dma source(%arg18 : memref<32x128xf32, #tpu.memory_space<vmem>>) target(%dma_start3A_267 : memref<32x128xf32, #tpu.memory_space<vmem_shared>>) target_semaphore(%run_scoped3A_263 : memref<!tpu.dma_semaphore, #tpu.memory_space<semaphore_mem>>)
      %dma_wait3A_268 = arith.constant 0 : i32
      %dma_wait3A_269 = tpu.memref_slice %arg19[%add3A_84, %dma_wait3A_268] : memref<10240x128xf32, #tpu.memory_space<vmem_shared>> -> memref<32x128xf32, #tpu.memory_space<vmem_shared>>
      %dma_wait3A_270 = arith.constant 0 : i32
      %dma_wait3A_271 = tpu.memref_slice %arg19[%add3A_84, %dma_wait3A_270] : memref<10240x128xf32, #tpu.memory_space<vmem_shared>> -> memref<32x128xf32, #tpu.memory_space<vmem_shared>>
      tpu.wait_dma2 semaphore(%run_scoped3A_263 : memref<!tpu.dma_semaphore, #tpu.memory_space<semaphore_mem>>) src(%arg18 : memref<32x128xf32, #tpu.memory_space<vmem>>) dst(%dma_wait3A_271 : memref<32x128xf32, #tpu.memory_space<vmem_shared>>)
      tpu.yield
    }) : () -> ()
    %mul3A_85 = arith.constant 640 : i32
    %mul3A_86 = arith.muli %arg1, %mul3A_85 : i32
    %add3A_87 = arith.constant 608 : i32
    %add3A_88 = arith.addi %mul3A_86, %add3A_87 : i32
    "tpu.region"() ({
      %run_scoped3A_263 = tpu.sem_alloc : memref<!tpu.dma_semaphore, #tpu.memory_space<semaphore_mem>>
      %dma_start3A_264 = arith.constant 0 : i32
      %dma_start3A_265 = tpu.memref_slice %arg19[%add3A_88, %dma_start3A_264] : memref<10240x128xf32, #tpu.memory_space<vmem_shared>> -> memref<32x128xf32, #tpu.memory_space<vmem_shared>>
      %dma_start3A_266 = arith.constant 0 : i32
      %dma_start3A_267 = tpu.memref_slice %arg19[%add3A_88, %dma_start3A_266] : memref<10240x128xf32, #tpu.memory_space<vmem_shared>> -> memref<32x128xf32, #tpu.memory_space<vmem_shared>>
      tpu.enqueue_dma source(%arg18 : memref<32x128xf32, #tpu.memory_space<vmem>>) target(%dma_start3A_267 : memref<32x128xf32, #tpu.memory_space<vmem_shared>>) target_semaphore(%run_scoped3A_263 : memref<!tpu.dma_semaphore, #tpu.memory_space<semaphore_mem>>)
      %dma_wait3A_268 = arith.constant 0 : i32
      %dma_wait3A_269 = tpu.memref_slice %arg19[%add3A_88, %dma_wait3A_268] : memref<10240x128xf32, #tpu.memory_space<vmem_shared>> -> memref<32x128xf32, #tpu.memory_space<vmem_shared>>
      %dma_wait3A_270 = arith.constant 0 : i32
      %dma_wait3A_271 = tpu.memref_slice %arg19[%add3A_88, %dma_wait3A_270] : memref<10240x128xf32, #tpu.memory_space<vmem_shared>> -> memref<32x128xf32, #tpu.memory_space<vmem_shared>>
      tpu.wait_dma2 semaphore(%run_scoped3A_263 : memref<!tpu.dma_semaphore, #tpu.memory_space<semaphore_mem>>) src(%arg18 : memref<32x128xf32, #tpu.memory_space<vmem>>) dst(%dma_wait3A_271 : memref<32x128xf32, #tpu.memory_space<vmem_shared>>)
      tpu.yield
    }) : () -> ()
    %barrier3A = arith.constant 0 : index
    tpu.barrier barrier_id(%barrier3A)
    %add3A_89 = arith.constant 0 : i32
    %add3A_90 = arith.addi %mul3A_2, %add3A_89 : i32
    %dma_start3A = arith.constant 0 : i32
    %dma_start3A_91 = arith.constant 0 : i32
    %dma_start3A_92 = tpu.memref_slice %arg3[%add3A_90, %dma_start3A, %dma_start3A_91] : memref<4000x1x80xi32, #tpu.memory_space<hbm>> -> memref<1x1x80xi32, #tpu.memory_space<hbm>>
    %dma_start3A_93 = tpu.memref_squeeze %dma_start3A_92 : memref<1x1x80xi32, #tpu.memory_space<hbm>> -> memref<1x80xi32, #tpu.memory_space<hbm>>
    %dma_start3A_94 = arith.constant 0 : i32
    %dma_start3A_95 = arith.constant 0 : i32
    %dma_start3A_96 = tpu.memref_slice %arg3[%add3A_90, %dma_start3A_94, %dma_start3A_95] : memref<4000x1x80xi32, #tpu.memory_space<hbm>> -> memref<1x1x80xi32, #tpu.memory_space<hbm>>
    %dma_start3A_97 = tpu.memref_squeeze %dma_start3A_96 : memref<1x1x80xi32, #tpu.memory_space<hbm>> -> memref<1x80xi32, #tpu.memory_space<hbm>>
    tpu.enqueue_dma source(%dma_start3A_97 : memref<1x80xi32, #tpu.memory_space<hbm>>) target(%arg6 : memref<1x80xi32, #tpu.memory_space<vmem>>) target_semaphore(%arg24 : memref<!tpu.dma_semaphore, #tpu.memory_space<semaphore_mem>>)
    %add3A_98 = arith.constant 0 : i32
    %add3A_99 = arith.addi %mul3A_2, %add3A_98 : i32
    %dma_start3A_100 = arith.constant 0 : i32
    %dma_start3A_101 = arith.constant 0 : i32
    %dma_start3A_102 = tpu.memref_slice %arg4[%add3A_99, %dma_start3A_100, %dma_start3A_101] : memref<4000x1x80xi32, #tpu.memory_space<hbm>> -> memref<1x1x80xi32, #tpu.memory_space<hbm>>
    %dma_start3A_103 = tpu.memref_squeeze %dma_start3A_102 : memref<1x1x80xi32, #tpu.memory_space<hbm>> -> memref<1x80xi32, #tpu.memory_space<hbm>>
    %dma_start3A_104 = arith.constant 0 : i32
    %dma_start3A_105 = arith.constant 0 : i32
    %dma_start3A_106 = tpu.memref_slice %arg4[%add3A_99, %dma_start3A_104, %dma_start3A_105] : memref<4000x1x80xi32, #tpu.memory_space<hbm>> -> memref<1x1x80xi32, #tpu.memory_space<hbm>>
    %dma_start3A_107 = tpu.memref_squeeze %dma_start3A_106 : memref<1x1x80xi32, #tpu.memory_space<hbm>> -> memref<1x80xi32, #tpu.memory_space<hbm>>
    tpu.enqueue_dma source(%dma_start3A_107 : memref<1x80xi32, #tpu.memory_space<hbm>>) target(%arg10 : memref<1x80xi32, #tpu.memory_space<vmem>>) target_semaphore(%arg28 : memref<!tpu.dma_semaphore, #tpu.memory_space<semaphore_mem>>)
    %add3A_108 = arith.constant 1 : i32
    %add3A_109 = arith.addi %mul3A_2, %add3A_108 : i32
    %dma_start3A_110 = arith.constant 0 : i32
    %dma_start3A_111 = arith.constant 0 : i32
    %dma_start3A_112 = tpu.memref_slice %arg3[%add3A_109, %dma_start3A_110, %dma_start3A_111] : memref<4000x1x80xi32, #tpu.memory_space<hbm>> -> memref<1x1x80xi32, #tpu.memory_space<hbm>>
    %dma_start3A_113 = tpu.memref_squeeze %dma_start3A_112 : memref<1x1x80xi32, #tpu.memory_space<hbm>> -> memref<1x80xi32, #tpu.memory_space<hbm>>
    %dma_start3A_114 = arith.constant 0 : i32
    %dma_start3A_115 = arith.constant 0 : i32
    %dma_start3A_116 = tpu.memref_slice %arg3[%add3A_109, %dma_start3A_114, %dma_start3A_115] : memref<4000x1x80xi32, #tpu.memory_space<hbm>> -> memref<1x1x80xi32, #tpu.memory_space<hbm>>
    %dma_start3A_117 = tpu.memref_squeeze %dma_start3A_116 : memref<1x1x80xi32, #tpu.memory_space<hbm>> -> memref<1x80xi32, #tpu.memory_space<hbm>>
    tpu.enqueue_dma source(%dma_start3A_117 : memref<1x80xi32, #tpu.memory_space<hbm>>) target(%arg7 : memref<1x80xi32, #tpu.memory_space<vmem>>) target_semaphore(%arg25 : memref<!tpu.dma_semaphore, #tpu.memory_space<semaphore_mem>>)
    %add3A_118 = arith.constant 1 : i32
    %add3A_119 = arith.addi %mul3A_2, %add3A_118 : i32
    %dma_start3A_120 = arith.constant 0 : i32
    %dma_start3A_121 = arith.constant 0 : i32
    %dma_start3A_122 = tpu.memref_slice %arg4[%add3A_119, %dma_start3A_120, %dma_start3A_121] : memref<4000x1x80xi32, #tpu.memory_space<hbm>> -> memref<1x1x80xi32, #tpu.memory_space<hbm>>
    %dma_start3A_123 = tpu.memref_squeeze %dma_start3A_122 : memref<1x1x80xi32, #tpu.memory_space<hbm>> -> memref<1x80xi32, #tpu.memory_space<hbm>>
    %dma_start3A_124 = arith.constant 0 : i32
    %dma_start3A_125 = arith.constant 0 : i32
    %dma_start3A_126 = tpu.memref_slice %arg4[%add3A_119, %dma_start3A_124, %dma_start3A_125] : memref<4000x1x80xi32, #tpu.memory_space<hbm>> -> memref<1x1x80xi32, #tpu.memory_space<hbm>>
    %dma_start3A_127 = tpu.memref_squeeze %dma_start3A_126 : memref<1x1x80xi32, #tpu.memory_space<hbm>> -> memref<1x80xi32, #tpu.memory_space<hbm>>
    tpu.enqueue_dma source(%dma_start3A_127 : memref<1x80xi32, #tpu.memory_space<hbm>>) target(%arg11 : memref<1x80xi32, #tpu.memory_space<vmem>>) target_semaphore(%arg29 : memref<!tpu.dma_semaphore, #tpu.memory_space<semaphore_mem>>)
    %add3A_128 = arith.constant 2 : i32
    %add3A_129 = arith.addi %mul3A_2, %add3A_128 : i32
    %dma_start3A_130 = arith.constant 0 : i32
    %dma_start3A_131 = arith.constant 0 : i32
    %dma_start3A_132 = tpu.memref_slice %arg3[%add3A_129, %dma_start3A_130, %dma_start3A_131] : memref<4000x1x80xi32, #tpu.memory_space<hbm>> -> memref<1x1x80xi32, #tpu.memory_space<hbm>>
    %dma_start3A_133 = tpu.memref_squeeze %dma_start3A_132 : memref<1x1x80xi32, #tpu.memory_space<hbm>> -> memref<1x80xi32, #tpu.memory_space<hbm>>
    %dma_start3A_134 = arith.constant 0 : i32
    %dma_start3A_135 = arith.constant 0 : i32
    %dma_start3A_136 = tpu.memref_slice %arg3[%add3A_129, %dma_start3A_134, %dma_start3A_135] : memref<4000x1x80xi32, #tpu.memory_space<hbm>> -> memref<1x1x80xi32, #tpu.memory_space<hbm>>
    %dma_start3A_137 = tpu.memref_squeeze %dma_start3A_136 : memref<1x1x80xi32, #tpu.memory_space<hbm>> -> memref<1x80xi32, #tpu.memory_space<hbm>>
    tpu.enqueue_dma source(%dma_start3A_137 : memref<1x80xi32, #tpu.memory_space<hbm>>) target(%arg8 : memref<1x80xi32, #tpu.memory_space<vmem>>) target_semaphore(%arg26 : memref<!tpu.dma_semaphore, #tpu.memory_space<semaphore_mem>>)
    %add3A_138 = arith.constant 2 : i32
    %add3A_139 = arith.addi %mul3A_2, %add3A_138 : i32
    %dma_start3A_140 = arith.constant 0 : i32
    %dma_start3A_141 = arith.constant 0 : i32
    %dma_start3A_142 = tpu.memref_slice %arg4[%add3A_139, %dma_start3A_140, %dma_start3A_141] : memref<4000x1x80xi32, #tpu.memory_space<hbm>> -> memref<1x1x80xi32, #tpu.memory_space<hbm>>
    %dma_start3A_143 = tpu.memref_squeeze %dma_start3A_142 : memref<1x1x80xi32, #tpu.memory_space<hbm>> -> memref<1x80xi32, #tpu.memory_space<hbm>>
    %dma_start3A_144 = arith.constant 0 : i32
    %dma_start3A_145 = arith.constant 0 : i32
    %dma_start3A_146 = tpu.memref_slice %arg4[%add3A_139, %dma_start3A_144, %dma_start3A_145] : memref<4000x1x80xi32, #tpu.memory_space<hbm>> -> memref<1x1x80xi32, #tpu.memory_space<hbm>>
    %dma_start3A_147 = tpu.memref_squeeze %dma_start3A_146 : memref<1x1x80xi32, #tpu.memory_space<hbm>> -> memref<1x80xi32, #tpu.memory_space<hbm>>
    tpu.enqueue_dma source(%dma_start3A_147 : memref<1x80xi32, #tpu.memory_space<hbm>>) target(%arg12 : memref<1x80xi32, #tpu.memory_space<vmem>>) target_semaphore(%arg30 : memref<!tpu.dma_semaphore, #tpu.memory_space<semaphore_mem>>)
    %add3A_148 = arith.constant 3 : i32
    %add3A_149 = arith.addi %mul3A_2, %add3A_148 : i32
    %dma_start3A_150 = arith.constant 0 : i32
    %dma_start3A_151 = arith.constant 0 : i32
    %dma_start3A_152 = tpu.memref_slice %arg3[%add3A_149, %dma_start3A_150, %dma_start3A_151] : memref<4000x1x80xi32, #tpu.memory_space<hbm>> -> memref<1x1x80xi32, #tpu.memory_space<hbm>>
    %dma_start3A_153 = tpu.memref_squeeze %dma_start3A_152 : memref<1x1x80xi32, #tpu.memory_space<hbm>> -> memref<1x80xi32, #tpu.memory_space<hbm>>
    %dma_start3A_154 = arith.constant 0 : i32
    %dma_start3A_155 = arith.constant 0 : i32
    %dma_start3A_156 = tpu.memref_slice %arg3[%add3A_149, %dma_start3A_154, %dma_start3A_155] : memref<4000x1x80xi32, #tpu.memory_space<hbm>> -> memref<1x1x80xi32, #tpu.memory_space<hbm>>
    %dma_start3A_157 = tpu.memref_squeeze %dma_start3A_156 : memref<1x1x80xi32, #tpu.memory_space<hbm>> -> memref<1x80xi32, #tpu.memory_space<hbm>>
    tpu.enqueue_dma source(%dma_start3A_157 : memref<1x80xi32, #tpu.memory_space<hbm>>) target(%arg9 : memref<1x80xi32, #tpu.memory_space<vmem>>) target_semaphore(%arg27 : memref<!tpu.dma_semaphore, #tpu.memory_space<semaphore_mem>>)
    %add3A_158 = arith.constant 3 : i32
    %add3A_159 = arith.addi %mul3A_2, %add3A_158 : i32
    %dma_start3A_160 = arith.constant 0 : i32
    %dma_start3A_161 = arith.constant 0 : i32
    %dma_start3A_162 = tpu.memref_slice %arg4[%add3A_159, %dma_start3A_160, %dma_start3A_161] : memref<4000x1x80xi32, #tpu.memory_space<hbm>> -> memref<1x1x80xi32, #tpu.memory_space<hbm>>
    %dma_start3A_163 = tpu.memref_squeeze %dma_start3A_162 : memref<1x1x80xi32, #tpu.memory_space<hbm>> -> memref<1x80xi32, #tpu.memory_space<hbm>>
    %dma_start3A_164 = arith.constant 0 : i32
    %dma_start3A_165 = arith.constant 0 : i32
    %dma_start3A_166 = tpu.memref_slice %arg4[%add3A_159, %dma_start3A_164, %dma_start3A_165] : memref<4000x1x80xi32, #tpu.memory_space<hbm>> -> memref<1x1x80xi32, #tpu.memory_space<hbm>>
    %dma_start3A_167 = tpu.memref_squeeze %dma_start3A_166 : memref<1x1x80xi32, #tpu.memory_space<hbm>> -> memref<1x80xi32, #tpu.memory_space<hbm>>
    tpu.enqueue_dma source(%dma_start3A_167 : memref<1x80xi32, #tpu.memory_space<hbm>>) target(%arg13 : memref<1x80xi32, #tpu.memory_space<vmem>>) target_semaphore(%arg31 : memref<!tpu.dma_semaphore, #tpu.memory_space<semaphore_mem>>)
    %add3A_168 = arith.constant 0 : i32
    %add3A_169 = arith.addi %mul3A_2, %add3A_168 : i32
    %dma_wait3A = arith.constant 0 : i32
    %dma_wait3A_170 = arith.constant 0 : i32
    %dma_wait3A_171 = tpu.memref_slice %arg3[%add3A_169, %dma_wait3A, %dma_wait3A_170] : memref<4000x1x80xi32, #tpu.memory_space<hbm>> -> memref<1x1x80xi32, #tpu.memory_space<hbm>>
    %dma_wait3A_172 = tpu.memref_squeeze %dma_wait3A_171 : memref<1x1x80xi32, #tpu.memory_space<hbm>> -> memref<1x80xi32, #tpu.memory_space<hbm>>
    %dma_wait3A_173 = arith.constant 0 : i32
    %dma_wait3A_174 = arith.constant 0 : i32
    %dma_wait3A_175 = tpu.memref_slice %arg3[%add3A_169, %dma_wait3A_173, %dma_wait3A_174] : memref<4000x1x80xi32, #tpu.memory_space<hbm>> -> memref<1x1x80xi32, #tpu.memory_space<hbm>>
    %dma_wait3A_176 = tpu.memref_squeeze %dma_wait3A_175 : memref<1x1x80xi32, #tpu.memory_space<hbm>> -> memref<1x80xi32, #tpu.memory_space<hbm>>
    tpu.wait_dma2 semaphore(%arg24 : memref<!tpu.dma_semaphore, #tpu.memory_space<semaphore_mem>>) src(%dma_wait3A_176 : memref<1x80xi32, #tpu.memory_space<hbm>>) dst(%arg6 : memref<1x80xi32, #tpu.memory_space<vmem>>)
    %dma_start3A_177 = arith.constant 0 : i32
    %dma_start3A_178 = arith.constant 0 : i32
    %dma_start3A_179 = tpu.memref_slice %arg6[%dma_start3A_177, %dma_start3A_178] : memref<1x80xi32, #tpu.memory_space<vmem>> -> memref<1x80xi32, #tpu.memory_space<vmem>>
    %dma_start3A_180 = tpu.memref_squeeze %dma_start3A_179 : memref<1x80xi32, #tpu.memory_space<vmem>> -> memref<80xi32, #tpu.memory_space<vmem>>
    %dma_start3A_181 = arith.constant 0 : i32
    %dma_start3A_182 = arith.constant 0 : i32
    %dma_start3A_183 = tpu.memref_slice %arg2[%dma_start3A_181, %dma_start3A_182] : memref<10000x128xf32, #tpu.memory_space<hbm>> -> memref<10000x128xf32, #tpu.memory_space<hbm>>
    tpu.enqueue_indirect_dma source(%dma_start3A_183 : memref<10000x128xf32, #tpu.memory_space<hbm>>) target(%arg14 : memref<80x128xf32, #tpu.memory_space<vmem>>) offsets(%dma_start3A_180 : memref<80xi32, #tpu.memory_space<vmem>>) semaphore(%arg20 : memref<!tpu.dma_semaphore, #tpu.memory_space<semaphore_mem>>)
    %add3A_184 = arith.constant 1 : i32
    %add3A_185 = arith.addi %mul3A_2, %add3A_184 : i32
    %dma_wait3A_186 = arith.constant 0 : i32
    %dma_wait3A_187 = arith.constant 0 : i32
    %dma_wait3A_188 = tpu.memref_slice %arg3[%add3A_185, %dma_wait3A_186, %dma_wait3A_187] : memref<4000x1x80xi32, #tpu.memory_space<hbm>> -> memref<1x1x80xi32, #tpu.memory_space<hbm>>
    %dma_wait3A_189 = tpu.memref_squeeze %dma_wait3A_188 : memref<1x1x80xi32, #tpu.memory_space<hbm>> -> memref<1x80xi32, #tpu.memory_space<hbm>>
    %dma_wait3A_190 = arith.constant 0 : i32
    %dma_wait3A_191 = arith.constant 0 : i32
    %dma_wait3A_192 = tpu.memref_slice %arg3[%add3A_185, %dma_wait3A_190, %dma_wait3A_191] : memref<4000x1x80xi32, #tpu.memory_space<hbm>> -> memref<1x1x80xi32, #tpu.memory_space<hbm>>
    %dma_wait3A_193 = tpu.memref_squeeze %dma_wait3A_192 : memref<1x1x80xi32, #tpu.memory_space<hbm>> -> memref<1x80xi32, #tpu.memory_space<hbm>>
    tpu.wait_dma2 semaphore(%arg25 : memref<!tpu.dma_semaphore, #tpu.memory_space<semaphore_mem>>) src(%dma_wait3A_193 : memref<1x80xi32, #tpu.memory_space<hbm>>) dst(%arg7 : memref<1x80xi32, #tpu.memory_space<vmem>>)
    %dma_start3A_194 = arith.constant 0 : i32
    %dma_start3A_195 = arith.constant 0 : i32
    %dma_start3A_196 = tpu.memref_slice %arg7[%dma_start3A_194, %dma_start3A_195] : memref<1x80xi32, #tpu.memory_space<vmem>> -> memref<1x80xi32, #tpu.memory_space<vmem>>
    %dma_start3A_197 = tpu.memref_squeeze %dma_start3A_196 : memref<1x80xi32, #tpu.memory_space<vmem>> -> memref<80xi32, #tpu.memory_space<vmem>>
    %dma_start3A_198 = arith.constant 0 : i32
    %dma_start3A_199 = arith.constant 0 : i32
    %dma_start3A_200 = tpu.memref_slice %arg2[%dma_start3A_198, %dma_start3A_199] : memref<10000x128xf32, #tpu.memory_space<hbm>> -> memref<10000x128xf32, #tpu.memory_space<hbm>>
    tpu.enqueue_indirect_dma source(%dma_start3A_200 : memref<10000x128xf32, #tpu.memory_space<hbm>>) target(%arg15 : memref<80x128xf32, #tpu.memory_space<vmem>>) offsets(%dma_start3A_197 : memref<80xi32, #tpu.memory_space<vmem>>) semaphore(%arg21 : memref<!tpu.dma_semaphore, #tpu.memory_space<semaphore_mem>>)
    %add3A_201 = arith.constant 2 : i32
    %add3A_202 = arith.addi %mul3A_2, %add3A_201 : i32
    %dma_wait3A_203 = arith.constant 0 : i32
    %dma_wait3A_204 = arith.constant 0 : i32
    %dma_wait3A_205 = tpu.memref_slice %arg3[%add3A_202, %dma_wait3A_203, %dma_wait3A_204] : memref<4000x1x80xi32, #tpu.memory_space<hbm>> -> memref<1x1x80xi32, #tpu.memory_space<hbm>>
    %dma_wait3A_206 = tpu.memref_squeeze %dma_wait3A_205 : memref<1x1x80xi32, #tpu.memory_space<hbm>> -> memref<1x80xi32, #tpu.memory_space<hbm>>
    %dma_wait3A_207 = arith.constant 0 : i32
    %dma_wait3A_208 = arith.constant 0 : i32
    %dma_wait3A_209 = tpu.memref_slice %arg3[%add3A_202, %dma_wait3A_207, %dma_wait3A_208] : memref<4000x1x80xi32, #tpu.memory_space<hbm>> -> memref<1x1x80xi32, #tpu.memory_space<hbm>>
    %dma_wait3A_210 = tpu.memref_squeeze %dma_wait3A_209 : memref<1x1x80xi32, #tpu.memory_space<hbm>> -> memref<1x80xi32, #tpu.memory_space<hbm>>
    tpu.wait_dma2 semaphore(%arg26 : memref<!tpu.dma_semaphore, #tpu.memory_space<semaphore_mem>>) src(%dma_wait3A_210 : memref<1x80xi32, #tpu.memory_space<hbm>>) dst(%arg8 : memref<1x80xi32, #tpu.memory_space<vmem>>)
    %dma_start3A_211 = arith.constant 0 : i32
    %dma_start3A_212 = arith.constant 0 : i32
    %dma_start3A_213 = tpu.memref_slice %arg8[%dma_start3A_211, %dma_start3A_212] : memref<1x80xi32, #tpu.memory_space<vmem>> -> memref<1x80xi32, #tpu.memory_space<vmem>>
    %dma_start3A_214 = tpu.memref_squeeze %dma_start3A_213 : memref<1x80xi32, #tpu.memory_space<vmem>> -> memref<80xi32, #tpu.memory_space<vmem>>
    %dma_start3A_215 = arith.constant 0 : i32
    %dma_start3A_216 = arith.constant 0 : i32
    %dma_start3A_217 = tpu.memref_slice %arg2[%dma_start3A_215, %dma_start3A_216] : memref<10000x128xf32, #tpu.memory_space<hbm>> -> memref<10000x128xf32, #tpu.memory_space<hbm>>
    tpu.enqueue_indirect_dma source(%dma_start3A_217 : memref<10000x128xf32, #tpu.memory_space<hbm>>) target(%arg16 : memref<80x128xf32, #tpu.memory_space<vmem>>) offsets(%dma_start3A_214 : memref<80xi32, #tpu.memory_space<vmem>>) semaphore(%arg22 : memref<!tpu.dma_semaphore, #tpu.memory_space<semaphore_mem>>)
    %add3A_218 = arith.constant 3 : i32
    %add3A_219 = arith.addi %mul3A_2, %add3A_218 : i32
    %dma_wait3A_220 = arith.constant 0 : i32
    %dma_wait3A_221 = arith.constant 0 : i32
    %dma_wait3A_222 = tpu.memref_slice %arg3[%add3A_219, %dma_wait3A_220, %dma_wait3A_221] : memref<4000x1x80xi32, #tpu.memory_space<hbm>> -> memref<1x1x80xi32, #tpu.memory_space<hbm>>
    %dma_wait3A_223 = tpu.memref_squeeze %dma_wait3A_222 : memref<1x1x80xi32, #tpu.memory_space<hbm>> -> memref<1x80xi32, #tpu.memory_space<hbm>>
    %dma_wait3A_224 = arith.constant 0 : i32
    %dma_wait3A_225 = arith.constant 0 : i32
    %dma_wait3A_226 = tpu.memref_slice %arg3[%add3A_219, %dma_wait3A_224, %dma_wait3A_225] : memref<4000x1x80xi32, #tpu.memory_space<hbm>> -> memref<1x1x80xi32, #tpu.memory_space<hbm>>
    %dma_wait3A_227 = tpu.memref_squeeze %dma_wait3A_226 : memref<1x1x80xi32, #tpu.memory_space<hbm>> -> memref<1x80xi32, #tpu.memory_space<hbm>>
    tpu.wait_dma2 semaphore(%arg27 : memref<!tpu.dma_semaphore, #tpu.memory_space<semaphore_mem>>) src(%dma_wait3A_227 : memref<1x80xi32, #tpu.memory_space<hbm>>) dst(%arg9 : memref<1x80xi32, #tpu.memory_space<vmem>>)
    %dma_start3A_228 = arith.constant 0 : i32
    %dma_start3A_229 = arith.constant 0 : i32
    %dma_start3A_230 = tpu.memref_slice %arg9[%dma_start3A_228, %dma_start3A_229] : memref<1x80xi32, #tpu.memory_space<vmem>> -> memref<1x80xi32, #tpu.memory_space<vmem>>
    %dma_start3A_231 = tpu.memref_squeeze %dma_start3A_230 : memref<1x80xi32, #tpu.memory_space<vmem>> -> memref<80xi32, #tpu.memory_space<vmem>>
    %dma_start3A_232 = arith.constant 0 : i32
    %dma_start3A_233 = arith.constant 0 : i32
    %dma_start3A_234 = tpu.memref_slice %arg2[%dma_start3A_232, %dma_start3A_233] : memref<10000x128xf32, #tpu.memory_space<hbm>> -> memref<10000x128xf32, #tpu.memory_space<hbm>>
    tpu.enqueue_indirect_dma source(%dma_start3A_234 : memref<10000x128xf32, #tpu.memory_space<hbm>>) target(%arg17 : memref<80x128xf32, #tpu.memory_space<vmem>>) offsets(%dma_start3A_231 : memref<80xi32, #tpu.memory_space<vmem>>) semaphore(%arg23 : memref<!tpu.dma_semaphore, #tpu.memory_space<semaphore_mem>>)
    %scan3A_235 = arith.constant 0 : i32
    %scan3A_236 = arith.constant 0 : i32
    %scan3A_237 = arith.constant 31 : i32
    %scan3A_238 = arith.addi %scan3A_236, %scan3A_237 : i32
    %scan3A_239 = arith.constant 1 : i32
    scf.for %scan3A_263 = %scan3A_236 to %scan3A_238 step %scan3A_239  : i32 {
      %mul3A_264 = arith.constant 4 : i32
      %mul3A_265 = arith.muli %mul3A_264, %scan3A_263 : i32
      %add3A_266 = arith.constant 0 : i32
      %add3A_267 = arith.addi %mul3A_265, %add3A_266 : i32
      %dma_wait3A_268 = arith.constant 0 : i32
      %dma_wait3A_269 = arith.constant 0 : i32
      %dma_wait3A_270 = tpu.memref_slice %arg6[%dma_wait3A_268, %dma_wait3A_269] : memref<1x80xi32, #tpu.memory_space<vmem>> -> memref<1x80xi32, #tpu.memory_space<vmem>>
      %dma_wait3A_271 = tpu.memref_squeeze %dma_wait3A_270 : memref<1x80xi32, #tpu.memory_space<vmem>> -> memref<80xi32, #tpu.memory_space<vmem>>
      %dma_wait3A_272 = arith.constant 0 : i32
      %dma_wait3A_273 = arith.constant 0 : i32
      %dma_wait3A_274 = tpu.memref_slice %arg2[%dma_wait3A_272, %dma_wait3A_273] : memref<10000x128xf32, #tpu.memory_space<hbm>> -> memref<10000x128xf32, #tpu.memory_space<hbm>>
      tpu.wait_indirect_dma semaphore(%arg20 : memref<!tpu.dma_semaphore, #tpu.memory_space<semaphore_mem>>) src(%dma_wait3A_274 : memref<10000x128xf32, #tpu.memory_space<hbm>>) dst(%arg14 : memref<80x128xf32, #tpu.memory_space<vmem>>)
      %add3A_275 = arith.constant 4 : i32
      %add3A_276 = arith.addi %add3A_267, %add3A_275 : i32
      %lt3A = arith.constant 125 : i32
      %lt3A_277 = arith.cmpi slt, %add3A_276, %lt3A : i32
      %convert_element_type3A = arith.extui %lt3A_277 : i1 to i32
      %cond3A = arith.constant 0 : i32
      %cond3A_278 = arith.cmpi ne, %convert_element_type3A, %cond3A : i32
      scf.if %cond3A_278 {
        %add3A_401 = arith.addi %mul3A_2, %add3A_267 : i32
        %add3A_402 = arith.constant 4 : i32
        %add3A_403 = arith.addi %add3A_401, %add3A_402 : i32
        %dma_start3A_404 = arith.constant 0 : i32
        %dma_start3A_405 = arith.constant 0 : i32
        %dma_start3A_406 = tpu.memref_slice %arg3[%add3A_403, %dma_start3A_404, %dma_start3A_405] : memref<4000x1x80xi32, #tpu.memory_space<hbm>> -> memref<1x1x80xi32, #tpu.memory_space<hbm>>
        %dma_start3A_407 = tpu.memref_squeeze %dma_start3A_406 : memref<1x1x80xi32, #tpu.memory_space<hbm>> -> memref<1x80xi32, #tpu.memory_space<hbm>>
        %dma_start3A_408 = arith.constant 0 : i32
        %dma_start3A_409 = arith.constant 0 : i32
        %dma_start3A_410 = tpu.memref_slice %arg3[%add3A_403, %dma_start3A_408, %dma_start3A_409] : memref<4000x1x80xi32, #tpu.memory_space<hbm>> -> memref<1x1x80xi32, #tpu.memory_space<hbm>>
        %dma_start3A_411 = tpu.memref_squeeze %dma_start3A_410 : memref<1x1x80xi32, #tpu.memory_space<hbm>> -> memref<1x80xi32, #tpu.memory_space<hbm>>
        tpu.enqueue_dma source(%dma_start3A_411 : memref<1x80xi32, #tpu.memory_space<hbm>>) target(%arg6 : memref<1x80xi32, #tpu.memory_space<vmem>>) target_semaphore(%arg24 : memref<!tpu.dma_semaphore, #tpu.memory_space<semaphore_mem>>)
      } else {
      }
      %add3A_279 = arith.addi %mul3A_2, %add3A_267 : i32
      %dma_wait3A_280 = arith.constant 0 : i32
      %dma_wait3A_281 = arith.constant 0 : i32
      %dma_wait3A_282 = tpu.memref_slice %arg4[%add3A_279, %dma_wait3A_280, %dma_wait3A_281] : memref<4000x1x80xi32, #tpu.memory_space<hbm>> -> memref<1x1x80xi32, #tpu.memory_space<hbm>>
      %dma_wait3A_283 = tpu.memref_squeeze %dma_wait3A_282 : memref<1x1x80xi32, #tpu.memory_space<hbm>> -> memref<1x80xi32, #tpu.memory_space<hbm>>
      %dma_wait3A_284 = arith.constant 0 : i32
      %dma_wait3A_285 = arith.constant 0 : i32
      %dma_wait3A_286 = tpu.memref_slice %arg4[%add3A_279, %dma_wait3A_284, %dma_wait3A_285] : memref<4000x1x80xi32, #tpu.memory_space<hbm>> -> memref<1x1x80xi32, #tpu.memory_space<hbm>>
      %dma_wait3A_287 = tpu.memref_squeeze %dma_wait3A_286 : memref<1x1x80xi32, #tpu.memory_space<hbm>> -> memref<1x80xi32, #tpu.memory_space<hbm>>
      tpu.wait_dma2 semaphore(%arg28 : memref<!tpu.dma_semaphore, #tpu.memory_space<semaphore_mem>>) src(%dma_wait3A_287 : memref<1x80xi32, #tpu.memory_space<hbm>>) dst(%arg10 : memref<1x80xi32, #tpu.memory_space<vmem>>)
      %run_scoped3A_288 = arith.constant 0 : i32
      "tpu.region"() ({
        %run_scoped3A_401 = tpu.sem_alloc : memref<!tpu.dma_semaphore, #tpu.memory_space<semaphore_mem>>
        %dma_start3A_402 = arith.constant 0 : i32
        %dma_start3A_403 = tpu.memref_slice %arg10[%run_scoped3A_288, %dma_start3A_402] : memref<1x80xi32, #tpu.memory_space<vmem>> -> memref<1x80xi32, #tpu.memory_space<vmem>>
        %dma_start3A_404 = tpu.memref_squeeze %dma_start3A_403 : memref<1x80xi32, #tpu.memory_space<vmem>> -> memref<80xi32, #tpu.memory_space<vmem>>
        %dma_start3A_405 = arith.constant 0 : i32
        %dma_start3A_406 = arith.constant 0 : i32
        %dma_start3A_407 = tpu.memref_slice %arg19[%dma_start3A_405, %dma_start3A_406] : memref<10240x128xf32, #tpu.memory_space<vmem_shared>> -> memref<10240x128xf32, #tpu.memory_space<vmem_shared>>
        tpu.enqueue_indirect_dma source(%arg14 : memref<80x128xf32, #tpu.memory_space<vmem>>) target(%dma_start3A_407 : memref<10240x128xf32, #tpu.memory_space<vmem_shared>>) offsets(%dma_start3A_404 : memref<80xi32, #tpu.memory_space<vmem>>) semaphore(%run_scoped3A_401 : memref<!tpu.dma_semaphore, #tpu.memory_space<semaphore_mem>>) {add = true}
        %dma_wait3A_408 = arith.constant 0 : i32
        %dma_wait3A_409 = tpu.memref_slice %arg10[%run_scoped3A_288, %dma_wait3A_408] : memref<1x80xi32, #tpu.memory_space<vmem>> -> memref<1x80xi32, #tpu.memory_space<vmem>>
        %dma_wait3A_410 = tpu.memref_squeeze %dma_wait3A_409 : memref<1x80xi32, #tpu.memory_space<vmem>> -> memref<80xi32, #tpu.memory_space<vmem>>
        %dma_wait3A_411 = arith.constant 0 : i32
        %dma_wait3A_412 = arith.constant 0 : i32
        %dma_wait3A_413 = tpu.memref_slice %arg19[%dma_wait3A_411, %dma_wait3A_412] : memref<10240x128xf32, #tpu.memory_space<vmem_shared>> -> memref<10240x128xf32, #tpu.memory_space<vmem_shared>>
        tpu.wait_indirect_dma semaphore(%run_scoped3A_401 : memref<!tpu.dma_semaphore, #tpu.memory_space<semaphore_mem>>) src(%arg14 : memref<80x128xf32, #tpu.memory_space<vmem>>) dst(%dma_wait3A_413 : memref<10240x128xf32, #tpu.memory_space<vmem_shared>>)
        tpu.yield
      }) : () -> ()
      %add3A_289 = arith.constant 4 : i32
      %add3A_290 = arith.addi %add3A_267, %add3A_289 : i32
      %lt3A_291 = arith.constant 125 : i32
      %lt3A_292 = arith.cmpi slt, %add3A_290, %lt3A_291 : i32
      %convert_element_type3A_293 = arith.extui %lt3A_292 : i1 to i32
      %cond3A_294 = arith.constant 0 : i32
      %cond3A_295 = arith.cmpi ne, %convert_element_type3A_293, %cond3A_294 : i32
      scf.if %cond3A_295 {
        %add3A_401 = arith.addi %mul3A_2, %add3A_267 : i32
        %add3A_402 = arith.constant 4 : i32
        %add3A_403 = arith.addi %add3A_401, %add3A_402 : i32
        %dma_start3A_404 = arith.constant 0 : i32
        %dma_start3A_405 = arith.constant 0 : i32
        %dma_start3A_406 = tpu.memref_slice %arg4[%add3A_403, %dma_start3A_404, %dma_start3A_405] : memref<4000x1x80xi32, #tpu.memory_space<hbm>> -> memref<1x1x80xi32, #tpu.memory_space<hbm>>
        %dma_start3A_407 = tpu.memref_squeeze %dma_start3A_406 : memref<1x1x80xi32, #tpu.memory_space<hbm>> -> memref<1x80xi32, #tpu.memory_space<hbm>>
        %dma_start3A_408 = arith.constant 0 : i32
        %dma_start3A_409 = arith.constant 0 : i32
        %dma_start3A_410 = tpu.memref_slice %arg4[%add3A_403, %dma_start3A_408, %dma_start3A_409] : memref<4000x1x80xi32, #tpu.memory_space<hbm>> -> memref<1x1x80xi32, #tpu.memory_space<hbm>>
        %dma_start3A_411 = tpu.memref_squeeze %dma_start3A_410 : memref<1x1x80xi32, #tpu.memory_space<hbm>> -> memref<1x80xi32, #tpu.memory_space<hbm>>
        tpu.enqueue_dma source(%dma_start3A_411 : memref<1x80xi32, #tpu.memory_space<hbm>>) target(%arg10 : memref<1x80xi32, #tpu.memory_space<vmem>>) target_semaphore(%arg28 : memref<!tpu.dma_semaphore, #tpu.memory_space<semaphore_mem>>)
        %add3A_412 = arith.addi %mul3A_2, %add3A_267 : i32
        %add3A_413 = arith.constant 4 : i32
        %add3A_414 = arith.addi %add3A_412, %add3A_413 : i32
        %dma_wait3A_415 = arith.constant 0 : i32
        %dma_wait3A_416 = arith.constant 0 : i32
        %dma_wait3A_417 = tpu.memref_slice %arg3[%add3A_414, %dma_wait3A_415, %dma_wait3A_416] : memref<4000x1x80xi32, #tpu.memory_space<hbm>> -> memref<1x1x80xi32, #tpu.memory_space<hbm>>
        %dma_wait3A_418 = tpu.memref_squeeze %dma_wait3A_417 : memref<1x1x80xi32, #tpu.memory_space<hbm>> -> memref<1x80xi32, #tpu.memory_space<hbm>>
        %dma_wait3A_419 = arith.constant 0 : i32
        %dma_wait3A_420 = arith.constant 0 : i32
        %dma_wait3A_421 = tpu.memref_slice %arg3[%add3A_414, %dma_wait3A_419, %dma_wait3A_420] : memref<4000x1x80xi32, #tpu.memory_space<hbm>> -> memref<1x1x80xi32, #tpu.memory_space<hbm>>
        %dma_wait3A_422 = tpu.memref_squeeze %dma_wait3A_421 : memref<1x1x80xi32, #tpu.memory_space<hbm>> -> memref<1x80xi32, #tpu.memory_space<hbm>>
        tpu.wait_dma2 semaphore(%arg24 : memref<!tpu.dma_semaphore, #tpu.memory_space<semaphore_mem>>) src(%dma_wait3A_422 : memref<1x80xi32, #tpu.memory_space<hbm>>) dst(%arg6 : memref<1x80xi32, #tpu.memory_space<vmem>>)
        %dma_start3A_423 = arith.constant 0 : i32
        %dma_start3A_424 = arith.constant 0 : i32
        %dma_start3A_425 = tpu.memref_slice %arg6[%dma_start3A_423, %dma_start3A_424] : memref<1x80xi32, #tpu.memory_space<vmem>> -> memref<1x80xi32, #tpu.memory_space<vmem>>
        %dma_start3A_426 = tpu.memref_squeeze %dma_start3A_425 : memref<1x80xi32, #tpu.memory_space<vmem>> -> memref<80xi32, #tpu.memory_space<vmem>>
        %dma_start3A_427 = arith.constant 0 : i32
        %dma_start3A_428 = arith.constant 0 : i32
        %dma_start3A_429 = tpu.memref_slice %arg2[%dma_start3A_427, %dma_start3A_428] : memref<10000x128xf32, #tpu.memory_space<hbm>> -> memref<10000x128xf32, #tpu.memory_space<hbm>>
        tpu.enqueue_indirect_dma source(%dma_start3A_429 : memref<10000x128xf32, #tpu.memory_space<hbm>>) target(%arg14 : memref<80x128xf32, #tpu.memory_space<vmem>>) offsets(%dma_start3A_426 : memref<80xi32, #tpu.memory_space<vmem>>) semaphore(%arg20 : memref<!tpu.dma_semaphore, #tpu.memory_space<semaphore_mem>>)
      } else {
      }
      %mul3A_296 = arith.constant 4 : i32
      %mul3A_297 = arith.muli %mul3A_296, %scan3A_263 : i32
      %add3A_298 = arith.constant 1 : i32
      %add3A_299 = arith.addi %mul3A_297, %add3A_298 : i32
      %dma_wait3A_300 = arith.constant 0 : i32
      %dma_wait3A_301 = arith.constant 0 : i32
      %dma_wait3A_302 = tpu.memref_slice %arg7[%dma_wait3A_300, %dma_wait3A_301] : memref<1x80xi32, #tpu.memory_space<vmem>> -> memref<1x80xi32, #tpu.memory_space<vmem>>
      %dma_wait3A_303 = tpu.memref_squeeze %dma_wait3A_302 : memref<1x80xi32, #tpu.memory_space<vmem>> -> memref<80xi32, #tpu.memory_space<vmem>>
      %dma_wait3A_304 = arith.constant 0 : i32
      %dma_wait3A_305 = arith.constant 0 : i32
      %dma_wait3A_306 = tpu.memref_slice %arg2[%dma_wait3A_304, %dma_wait3A_305] : memref<10000x128xf32, #tpu.memory_space<hbm>> -> memref<10000x128xf32, #tpu.memory_space<hbm>>
      tpu.wait_indirect_dma semaphore(%arg21 : memref<!tpu.dma_semaphore, #tpu.memory_space<semaphore_mem>>) src(%dma_wait3A_306 : memref<10000x128xf32, #tpu.memory_space<hbm>>) dst(%arg15 : memref<80x128xf32, #tpu.memory_space<vmem>>)
      %add3A_307 = arith.constant 4 : i32
      %add3A_308 = arith.addi %add3A_299, %add3A_307 : i32
      %lt3A_309 = arith.constant 125 : i32
      %lt3A_310 = arith.cmpi slt, %add3A_308, %lt3A_309 : i32
      %convert_element_type3A_311 = arith.extui %lt3A_310 : i1 to i32
      %cond3A_312 = arith.constant 0 : i32
      %cond3A_313 = arith.cmpi ne, %convert_element_type3A_311, %cond3A_312 : i32
      scf.if %cond3A_313 {
        %add3A_401 = arith.addi %mul3A_2, %add3A_299 : i32
        %add3A_402 = arith.constant 4 : i32
        %add3A_403 = arith.addi %add3A_401, %add3A_402 : i32
        %dma_start3A_404 = arith.constant 0 : i32
        %dma_start3A_405 = arith.constant 0 : i32
        %dma_start3A_406 = tpu.memref_slice %arg3[%add3A_403, %dma_start3A_404, %dma_start3A_405] : memref<4000x1x80xi32, #tpu.memory_space<hbm>> -> memref<1x1x80xi32, #tpu.memory_space<hbm>>
        %dma_start3A_407 = tpu.memref_squeeze %dma_start3A_406 : memref<1x1x80xi32, #tpu.memory_space<hbm>> -> memref<1x80xi32, #tpu.memory_space<hbm>>
        %dma_start3A_408 = arith.constant 0 : i32
        %dma_start3A_409 = arith.constant 0 : i32
        %dma_start3A_410 = tpu.memref_slice %arg3[%add3A_403, %dma_start3A_408, %dma_start3A_409] : memref<4000x1x80xi32, #tpu.memory_space<hbm>> -> memref<1x1x80xi32, #tpu.memory_space<hbm>>
        %dma_start3A_411 = tpu.memref_squeeze %dma_start3A_410 : memref<1x1x80xi32, #tpu.memory_space<hbm>> -> memref<1x80xi32, #tpu.memory_space<hbm>>
        tpu.enqueue_dma source(%dma_start3A_411 : memref<1x80xi32, #tpu.memory_space<hbm>>) target(%arg7 : memref<1x80xi32, #tpu.memory_space<vmem>>) target_semaphore(%arg25 : memref<!tpu.dma_semaphore, #tpu.memory_space<semaphore_mem>>)
      } else {
      }
      %add3A_314 = arith.addi %mul3A_2, %add3A_299 : i32
      %dma_wait3A_315 = arith.constant 0 : i32
      %dma_wait3A_316 = arith.constant 0 : i32
      %dma_wait3A_317 = tpu.memref_slice %arg4[%add3A_314, %dma_wait3A_315, %dma_wait3A_316] : memref<4000x1x80xi32, #tpu.memory_space<hbm>> -> memref<1x1x80xi32, #tpu.memory_space<hbm>>
      %dma_wait3A_318 = tpu.memref_squeeze %dma_wait3A_317 : memref<1x1x80xi32, #tpu.memory_space<hbm>> -> memref<1x80xi32, #tpu.memory_space<hbm>>
      %dma_wait3A_319 = arith.constant 0 : i32
      %dma_wait3A_320 = arith.constant 0 : i32
      %dma_wait3A_321 = tpu.memref_slice %arg4[%add3A_314, %dma_wait3A_319, %dma_wait3A_320] : memref<4000x1x80xi32, #tpu.memory_space<hbm>> -> memref<1x1x80xi32, #tpu.memory_space<hbm>>
      %dma_wait3A_322 = tpu.memref_squeeze %dma_wait3A_321 : memref<1x1x80xi32, #tpu.memory_space<hbm>> -> memref<1x80xi32, #tpu.memory_space<hbm>>
      tpu.wait_dma2 semaphore(%arg29 : memref<!tpu.dma_semaphore, #tpu.memory_space<semaphore_mem>>) src(%dma_wait3A_322 : memref<1x80xi32, #tpu.memory_space<hbm>>) dst(%arg11 : memref<1x80xi32, #tpu.memory_space<vmem>>)
      %run_scoped3A_323 = arith.constant 0 : i32
      "tpu.region"() ({
        %run_scoped3A_401 = tpu.sem_alloc : memref<!tpu.dma_semaphore, #tpu.memory_space<semaphore_mem>>
        %dma_start3A_402 = arith.constant 0 : i32
        %dma_start3A_403 = tpu.memref_slice %arg11[%run_scoped3A_323, %dma_start3A_402] : memref<1x80xi32, #tpu.memory_space<vmem>> -> memref<1x80xi32, #tpu.memory_space<vmem>>
        %dma_start3A_404 = tpu.memref_squeeze %dma_start3A_403 : memref<1x80xi32, #tpu.memory_space<vmem>> -> memref<80xi32, #tpu.memory_space<vmem>>
        %dma_start3A_405 = arith.constant 0 : i32
        %dma_start3A_406 = arith.constant 0 : i32
        %dma_start3A_407 = tpu.memref_slice %arg19[%dma_start3A_405, %dma_start3A_406] : memref<10240x128xf32, #tpu.memory_space<vmem_shared>> -> memref<10240x128xf32, #tpu.memory_space<vmem_shared>>
        tpu.enqueue_indirect_dma source(%arg15 : memref<80x128xf32, #tpu.memory_space<vmem>>) target(%dma_start3A_407 : memref<10240x128xf32, #tpu.memory_space<vmem_shared>>) offsets(%dma_start3A_404 : memref<80xi32, #tpu.memory_space<vmem>>) semaphore(%run_scoped3A_401 : memref<!tpu.dma_semaphore, #tpu.memory_space<semaphore_mem>>) {add = true}
        %dma_wait3A_408 = arith.constant 0 : i32
        %dma_wait3A_409 = tpu.memref_slice %arg11[%run_scoped3A_323, %dma_wait3A_408] : memref<1x80xi32, #tpu.memory_space<vmem>> -> memref<1x80xi32, #tpu.memory_space<vmem>>
        %dma_wait3A_410 = tpu.memref_squeeze %dma_wait3A_409 : memref<1x80xi32, #tpu.memory_space<vmem>> -> memref<80xi32, #tpu.memory_space<vmem>>
        %dma_wait3A_411 = arith.constant 0 : i32
        %dma_wait3A_412 = arith.constant 0 : i32
        %dma_wait3A_413 = tpu.memref_slice %arg19[%dma_wait3A_411, %dma_wait3A_412] : memref<10240x128xf32, #tpu.memory_space<vmem_shared>> -> memref<10240x128xf32, #tpu.memory_space<vmem_shared>>
        tpu.wait_indirect_dma semaphore(%run_scoped3A_401 : memref<!tpu.dma_semaphore, #tpu.memory_space<semaphore_mem>>) src(%arg15 : memref<80x128xf32, #tpu.memory_space<vmem>>) dst(%dma_wait3A_413 : memref<10240x128xf32, #tpu.memory_space<vmem_shared>>)
        tpu.yield
      }) : () -> ()
      %add3A_324 = arith.constant 4 : i32
      %add3A_325 = arith.addi %add3A_299, %add3A_324 : i32
      %lt3A_326 = arith.constant 125 : i32
      %lt3A_327 = arith.cmpi slt, %add3A_325, %lt3A_326 : i32
      %convert_element_type3A_328 = arith.extui %lt3A_327 : i1 to i32
      %cond3A_329 = arith.constant 0 : i32
      %cond3A_330 = arith.cmpi ne, %convert_element_type3A_328, %cond3A_329 : i32
      scf.if %cond3A_330 {
        %add3A_401 = arith.addi %mul3A_2, %add3A_299 : i32
        %add3A_402 = arith.constant 4 : i32
        %add3A_403 = arith.addi %add3A_401, %add3A_402 : i32
        %dma_start3A_404 = arith.constant 0 : i32
        %dma_start3A_405 = arith.constant 0 : i32
        %dma_start3A_406 = tpu.memref_slice %arg4[%add3A_403, %dma_start3A_404, %dma_start3A_405] : memref<4000x1x80xi32, #tpu.memory_space<hbm>> -> memref<1x1x80xi32, #tpu.memory_space<hbm>>
        %dma_start3A_407 = tpu.memref_squeeze %dma_start3A_406 : memref<1x1x80xi32, #tpu.memory_space<hbm>> -> memref<1x80xi32, #tpu.memory_space<hbm>>
        %dma_start3A_408 = arith.constant 0 : i32
        %dma_start3A_409 = arith.constant 0 : i32
        %dma_start3A_410 = tpu.memref_slice %arg4[%add3A_403, %dma_start3A_408, %dma_start3A_409] : memref<4000x1x80xi32, #tpu.memory_space<hbm>> -> memref<1x1x80xi32, #tpu.memory_space<hbm>>
        %dma_start3A_411 = tpu.memref_squeeze %dma_start3A_410 : memref<1x1x80xi32, #tpu.memory_space<hbm>> -> memref<1x80xi32, #tpu.memory_space<hbm>>
        tpu.enqueue_dma source(%dma_start3A_411 : memref<1x80xi32, #tpu.memory_space<hbm>>) target(%arg11 : memref<1x80xi32, #tpu.memory_space<vmem>>) target_semaphore(%arg29 : memref<!tpu.dma_semaphore, #tpu.memory_space<semaphore_mem>>)
        %add3A_412 = arith.addi %mul3A_2, %add3A_299 : i32
        %add3A_413 = arith.constant 4 : i32
        %add3A_414 = arith.addi %add3A_412, %add3A_413 : i32
        %dma_wait3A_415 = arith.constant 0 : i32
        %dma_wait3A_416 = arith.constant 0 : i32
        %dma_wait3A_417 = tpu.memref_slice %arg3[%add3A_414, %dma_wait3A_415, %dma_wait3A_416] : memref<4000x1x80xi32, #tpu.memory_space<hbm>> -> memref<1x1x80xi32, #tpu.memory_space<hbm>>
        %dma_wait3A_418 = tpu.memref_squeeze %dma_wait3A_417 : memref<1x1x80xi32, #tpu.memory_space<hbm>> -> memref<1x80xi32, #tpu.memory_space<hbm>>
        %dma_wait3A_419 = arith.constant 0 : i32
        %dma_wait3A_420 = arith.constant 0 : i32
        %dma_wait3A_421 = tpu.memref_slice %arg3[%add3A_414, %dma_wait3A_419, %dma_wait3A_420] : memref<4000x1x80xi32, #tpu.memory_space<hbm>> -> memref<1x1x80xi32, #tpu.memory_space<hbm>>
        %dma_wait3A_422 = tpu.memref_squeeze %dma_wait3A_421 : memref<1x1x80xi32, #tpu.memory_space<hbm>> -> memref<1x80xi32, #tpu.memory_space<hbm>>
        tpu.wait_dma2 semaphore(%arg25 : memref<!tpu.dma_semaphore, #tpu.memory_space<semaphore_mem>>) src(%dma_wait3A_422 : memref<1x80xi32, #tpu.memory_space<hbm>>) dst(%arg7 : memref<1x80xi32, #tpu.memory_space<vmem>>)
        %dma_start3A_423 = arith.constant 0 : i32
        %dma_start3A_424 = arith.constant 0 : i32
        %dma_start3A_425 = tpu.memref_slice %arg7[%dma_start3A_423, %dma_start3A_424] : memref<1x80xi32, #tpu.memory_space<vmem>> -> memref<1x80xi32, #tpu.memory_space<vmem>>
        %dma_start3A_426 = tpu.memref_squeeze %dma_start3A_425 : memref<1x80xi32, #tpu.memory_space<vmem>> -> memref<80xi32, #tpu.memory_space<vmem>>
        %dma_start3A_427 = arith.constant 0 : i32
        %dma_start3A_428 = arith.constant 0 : i32
        %dma_start3A_429 = tpu.memref_slice %arg2[%dma_start3A_427, %dma_start3A_428] : memref<10000x128xf32, #tpu.memory_space<hbm>> -> memref<10000x128xf32, #tpu.memory_space<hbm>>
        tpu.enqueue_indirect_dma source(%dma_start3A_429 : memref<10000x128xf32, #tpu.memory_space<hbm>>) target(%arg15 : memref<80x128xf32, #tpu.memory_space<vmem>>) offsets(%dma_start3A_426 : memref<80xi32, #tpu.memory_space<vmem>>) semaphore(%arg21 : memref<!tpu.dma_semaphore, #tpu.memory_space<semaphore_mem>>)
      } else {
      }
      %mul3A_331 = arith.constant 4 : i32
      %mul3A_332 = arith.muli %mul3A_331, %scan3A_263 : i32
      %add3A_333 = arith.constant 2 : i32
      %add3A_334 = arith.addi %mul3A_332, %add3A_333 : i32
      %dma_wait3A_335 = arith.constant 0 : i32
      %dma_wait3A_336 = arith.constant 0 : i32
      %dma_wait3A_337 = tpu.memref_slice %arg8[%dma_wait3A_335, %dma_wait3A_336] : memref<1x80xi32, #tpu.memory_space<vmem>> -> memref<1x80xi32, #tpu.memory_space<vmem>>
      %dma_wait3A_338 = tpu.memref_squeeze %dma_wait3A_337 : memref<1x80xi32, #tpu.memory_space<vmem>> -> memref<80xi32, #tpu.memory_space<vmem>>
      %dma_wait3A_339 = arith.constant 0 : i32
      %dma_wait3A_340 = arith.constant 0 : i32
      %dma_wait3A_341 = tpu.memref_slice %arg2[%dma_wait3A_339, %dma_wait3A_340] : memref<10000x128xf32, #tpu.memory_space<hbm>> -> memref<10000x128xf32, #tpu.memory_space<hbm>>
      tpu.wait_indirect_dma semaphore(%arg22 : memref<!tpu.dma_semaphore, #tpu.memory_space<semaphore_mem>>) src(%dma_wait3A_341 : memref<10000x128xf32, #tpu.memory_space<hbm>>) dst(%arg16 : memref<80x128xf32, #tpu.memory_space<vmem>>)
      %add3A_342 = arith.constant 4 : i32
      %add3A_343 = arith.addi %add3A_334, %add3A_342 : i32
      %lt3A_344 = arith.constant 125 : i32
      %lt3A_345 = arith.cmpi slt, %add3A_343, %lt3A_344 : i32
      %convert_element_type3A_346 = arith.extui %lt3A_345 : i1 to i32
      %cond3A_347 = arith.constant 0 : i32
      %cond3A_348 = arith.cmpi ne, %convert_element_type3A_346, %cond3A_347 : i32
      scf.if %cond3A_348 {
        %add3A_401 = arith.addi %mul3A_2, %add3A_334 : i32
        %add3A_402 = arith.constant 4 : i32
        %add3A_403 = arith.addi %add3A_401, %add3A_402 : i32
        %dma_start3A_404 = arith.constant 0 : i32
        %dma_start3A_405 = arith.constant 0 : i32
        %dma_start3A_406 = tpu.memref_slice %arg3[%add3A_403, %dma_start3A_404, %dma_start3A_405] : memref<4000x1x80xi32, #tpu.memory_space<hbm>> -> memref<1x1x80xi32, #tpu.memory_space<hbm>>
        %dma_start3A_407 = tpu.memref_squeeze %dma_start3A_406 : memref<1x1x80xi32, #tpu.memory_space<hbm>> -> memref<1x80xi32, #tpu.memory_space<hbm>>
        %dma_start3A_408 = arith.constant 0 : i32
        %dma_start3A_409 = arith.constant 0 : i32
        %dma_start3A_410 = tpu.memref_slice %arg3[%add3A_403, %dma_start3A_408, %dma_start3A_409] : memref<4000x1x80xi32, #tpu.memory_space<hbm>> -> memref<1x1x80xi32, #tpu.memory_space<hbm>>
        %dma_start3A_411 = tpu.memref_squeeze %dma_start3A_410 : memref<1x1x80xi32, #tpu.memory_space<hbm>> -> memref<1x80xi32, #tpu.memory_space<hbm>>
        tpu.enqueue_dma source(%dma_start3A_411 : memref<1x80xi32, #tpu.memory_space<hbm>>) target(%arg8 : memref<1x80xi32, #tpu.memory_space<vmem>>) target_semaphore(%arg26 : memref<!tpu.dma_semaphore, #tpu.memory_space<semaphore_mem>>)
      } else {
      }
      %add3A_349 = arith.addi %mul3A_2, %add3A_334 : i32
      %dma_wait3A_350 = arith.constant 0 : i32
      %dma_wait3A_351 = arith.constant 0 : i32
      %dma_wait3A_352 = tpu.memref_slice %arg4[%add3A_349, %dma_wait3A_350, %dma_wait3A_351] : memref<4000x1x80xi32, #tpu.memory_space<hbm>> -> memref<1x1x80xi32, #tpu.memory_space<hbm>>
      %dma_wait3A_353 = tpu.memref_squeeze %dma_wait3A_352 : memref<1x1x80xi32, #tpu.memory_space<hbm>> -> memref<1x80xi32, #tpu.memory_space<hbm>>
      %dma_wait3A_354 = arith.constant 0 : i32
      %dma_wait3A_355 = arith.constant 0 : i32
      %dma_wait3A_356 = tpu.memref_slice %arg4[%add3A_349, %dma_wait3A_354, %dma_wait3A_355] : memref<4000x1x80xi32, #tpu.memory_space<hbm>> -> memref<1x1x80xi32, #tpu.memory_space<hbm>>
      %dma_wait3A_357 = tpu.memref_squeeze %dma_wait3A_356 : memref<1x1x80xi32, #tpu.memory_space<hbm>> -> memref<1x80xi32, #tpu.memory_space<hbm>>
      tpu.wait_dma2 semaphore(%arg30 : memref<!tpu.dma_semaphore, #tpu.memory_space<semaphore_mem>>) src(%dma_wait3A_357 : memref<1x80xi32, #tpu.memory_space<hbm>>) dst(%arg12 : memref<1x80xi32, #tpu.memory_space<vmem>>)
      %run_scoped3A_358 = arith.constant 0 : i32
      "tpu.region"() ({
        %run_scoped3A_401 = tpu.sem_alloc : memref<!tpu.dma_semaphore, #tpu.memory_space<semaphore_mem>>
        %dma_start3A_402 = arith.constant 0 : i32
        %dma_start3A_403 = tpu.memref_slice %arg12[%run_scoped3A_358, %dma_start3A_402] : memref<1x80xi32, #tpu.memory_space<vmem>> -> memref<1x80xi32, #tpu.memory_space<vmem>>
        %dma_start3A_404 = tpu.memref_squeeze %dma_start3A_403 : memref<1x80xi32, #tpu.memory_space<vmem>> -> memref<80xi32, #tpu.memory_space<vmem>>
        %dma_start3A_405 = arith.constant 0 : i32
        %dma_start3A_406 = arith.constant 0 : i32
        %dma_start3A_407 = tpu.memref_slice %arg19[%dma_start3A_405, %dma_start3A_406] : memref<10240x128xf32, #tpu.memory_space<vmem_shared>> -> memref<10240x128xf32, #tpu.memory_space<vmem_shared>>
        tpu.enqueue_indirect_dma source(%arg16 : memref<80x128xf32, #tpu.memory_space<vmem>>) target(%dma_start3A_407 : memref<10240x128xf32, #tpu.memory_space<vmem_shared>>) offsets(%dma_start3A_404 : memref<80xi32, #tpu.memory_space<vmem>>) semaphore(%run_scoped3A_401 : memref<!tpu.dma_semaphore, #tpu.memory_space<semaphore_mem>>) {add = true}
        %dma_wait3A_408 = arith.constant 0 : i32
        %dma_wait3A_409 = tpu.memref_slice %arg12[%run_scoped3A_358, %dma_wait3A_408] : memref<1x80xi32, #tpu.memory_space<vmem>> -> memref<1x80xi32, #tpu.memory_space<vmem>>
        %dma_wait3A_410 = tpu.memref_squeeze %dma_wait3A_409 : memref<1x80xi32, #tpu.memory_space<vmem>> -> memref<80xi32, #tpu.memory_space<vmem>>
        %dma_wait3A_411 = arith.constant 0 : i32
        %dma_wait3A_412 = arith.constant 0 : i32
        %dma_wait3A_413 = tpu.memref_slice %arg19[%dma_wait3A_411, %dma_wait3A_412] : memref<10240x128xf32, #tpu.memory_space<vmem_shared>> -> memref<10240x128xf32, #tpu.memory_space<vmem_shared>>
        tpu.wait_indirect_dma semaphore(%run_scoped3A_401 : memref<!tpu.dma_semaphore, #tpu.memory_space<semaphore_mem>>) src(%arg16 : memref<80x128xf32, #tpu.memory_space<vmem>>) dst(%dma_wait3A_413 : memref<10240x128xf32, #tpu.memory_space<vmem_shared>>)
        tpu.yield
      }) : () -> ()
      %add3A_359 = arith.constant 4 : i32
      %add3A_360 = arith.addi %add3A_334, %add3A_359 : i32
      %lt3A_361 = arith.constant 125 : i32
      %lt3A_362 = arith.cmpi slt, %add3A_360, %lt3A_361 : i32
      %convert_element_type3A_363 = arith.extui %lt3A_362 : i1 to i32
      %cond3A_364 = arith.constant 0 : i32
      %cond3A_365 = arith.cmpi ne, %convert_element_type3A_363, %cond3A_364 : i32
      scf.if %cond3A_365 {
        %add3A_401 = arith.addi %mul3A_2, %add3A_334 : i32
        %add3A_402 = arith.constant 4 : i32
        %add3A_403 = arith.addi %add3A_401, %add3A_402 : i32
        %dma_start3A_404 = arith.constant 0 : i32
        %dma_start3A_405 = arith.constant 0 : i32
        %dma_start3A_406 = tpu.memref_slice %arg4[%add3A_403, %dma_start3A_404, %dma_start3A_405] : memref<4000x1x80xi32, #tpu.memory_space<hbm>> -> memref<1x1x80xi32, #tpu.memory_space<hbm>>
        %dma_start3A_407 = tpu.memref_squeeze %dma_start3A_406 : memref<1x1x80xi32, #tpu.memory_space<hbm>> -> memref<1x80xi32, #tpu.memory_space<hbm>>
        %dma_start3A_408 = arith.constant 0 : i32
        %dma_start3A_409 = arith.constant 0 : i32
        %dma_start3A_410 = tpu.memref_slice %arg4[%add3A_403, %dma_start3A_408, %dma_start3A_409] : memref<4000x1x80xi32, #tpu.memory_space<hbm>> -> memref<1x1x80xi32, #tpu.memory_space<hbm>>
        %dma_start3A_411 = tpu.memref_squeeze %dma_start3A_410 : memref<1x1x80xi32, #tpu.memory_space<hbm>> -> memref<1x80xi32, #tpu.memory_space<hbm>>
        tpu.enqueue_dma source(%dma_start3A_411 : memref<1x80xi32, #tpu.memory_space<hbm>>) target(%arg12 : memref<1x80xi32, #tpu.memory_space<vmem>>) target_semaphore(%arg30 : memref<!tpu.dma_semaphore, #tpu.memory_space<semaphore_mem>>)
        %add3A_412 = arith.addi %mul3A_2, %add3A_334 : i32
        %add3A_413 = arith.constant 4 : i32
        %add3A_414 = arith.addi %add3A_412, %add3A_413 : i32
        %dma_wait3A_415 = arith.constant 0 : i32
        %dma_wait3A_416 = arith.constant 0 : i32
        %dma_wait3A_417 = tpu.memref_slice %arg3[%add3A_414, %dma_wait3A_415, %dma_wait3A_416] : memref<4000x1x80xi32, #tpu.memory_space<hbm>> -> memref<1x1x80xi32, #tpu.memory_space<hbm>>
        %dma_wait3A_418 = tpu.memref_squeeze %dma_wait3A_417 : memref<1x1x80xi32, #tpu.memory_space<hbm>> -> memref<1x80xi32, #tpu.memory_space<hbm>>
        %dma_wait3A_419 = arith.constant 0 : i32
        %dma_wait3A_420 = arith.constant 0 : i32
        %dma_wait3A_421 = tpu.memref_slice %arg3[%add3A_414, %dma_wait3A_419, %dma_wait3A_420] : memref<4000x1x80xi32, #tpu.memory_space<hbm>> -> memref<1x1x80xi32, #tpu.memory_space<hbm>>
        %dma_wait3A_422 = tpu.memref_squeeze %dma_wait3A_421 : memref<1x1x80xi32, #tpu.memory_space<hbm>> -> memref<1x80xi32, #tpu.memory_space<hbm>>
        tpu.wait_dma2 semaphore(%arg26 : memref<!tpu.dma_semaphore, #tpu.memory_space<semaphore_mem>>) src(%dma_wait3A_422 : memref<1x80xi32, #tpu.memory_space<hbm>>) dst(%arg8 : memref<1x80xi32, #tpu.memory_space<vmem>>)
        %dma_start3A_423 = arith.constant 0 : i32
        %dma_start3A_424 = arith.constant 0 : i32
        %dma_start3A_425 = tpu.memref_slice %arg8[%dma_start3A_423, %dma_start3A_424] : memref<1x80xi32, #tpu.memory_space<vmem>> -> memref<1x80xi32, #tpu.memory_space<vmem>>
        %dma_start3A_426 = tpu.memref_squeeze %dma_start3A_425 : memref<1x80xi32, #tpu.memory_space<vmem>> -> memref<80xi32, #tpu.memory_space<vmem>>
        %dma_start3A_427 = arith.constant 0 : i32
        %dma_start3A_428 = arith.constant 0 : i32
        %dma_start3A_429 = tpu.memref_slice %arg2[%dma_start3A_427, %dma_start3A_428] : memref<10000x128xf32, #tpu.memory_space<hbm>> -> memref<10000x128xf32, #tpu.memory_space<hbm>>
        tpu.enqueue_indirect_dma source(%dma_start3A_429 : memref<10000x128xf32, #tpu.memory_space<hbm>>) target(%arg16 : memref<80x128xf32, #tpu.memory_space<vmem>>) offsets(%dma_start3A_426 : memref<80xi32, #tpu.memory_space<vmem>>) semaphore(%arg22 : memref<!tpu.dma_semaphore, #tpu.memory_space<semaphore_mem>>)
      } else {
      }
      %mul3A_366 = arith.constant 4 : i32
      %mul3A_367 = arith.muli %mul3A_366, %scan3A_263 : i32
      %add3A_368 = arith.constant 3 : i32
      %add3A_369 = arith.addi %mul3A_367, %add3A_368 : i32
      %dma_wait3A_370 = arith.constant 0 : i32
      %dma_wait3A_371 = arith.constant 0 : i32
      %dma_wait3A_372 = tpu.memref_slice %arg9[%dma_wait3A_370, %dma_wait3A_371] : memref<1x80xi32, #tpu.memory_space<vmem>> -> memref<1x80xi32, #tpu.memory_space<vmem>>
      %dma_wait3A_373 = tpu.memref_squeeze %dma_wait3A_372 : memref<1x80xi32, #tpu.memory_space<vmem>> -> memref<80xi32, #tpu.memory_space<vmem>>
      %dma_wait3A_374 = arith.constant 0 : i32
      %dma_wait3A_375 = arith.constant 0 : i32
      %dma_wait3A_376 = tpu.memref_slice %arg2[%dma_wait3A_374, %dma_wait3A_375] : memref<10000x128xf32, #tpu.memory_space<hbm>> -> memref<10000x128xf32, #tpu.memory_space<hbm>>
      tpu.wait_indirect_dma semaphore(%arg23 : memref<!tpu.dma_semaphore, #tpu.memory_space<semaphore_mem>>) src(%dma_wait3A_376 : memref<10000x128xf32, #tpu.memory_space<hbm>>) dst(%arg17 : memref<80x128xf32, #tpu.memory_space<vmem>>)
      %add3A_377 = arith.constant 4 : i32
      %add3A_378 = arith.addi %add3A_369, %add3A_377 : i32
      %lt3A_379 = arith.constant 125 : i32
      %lt3A_380 = arith.cmpi slt, %add3A_378, %lt3A_379 : i32
      %convert_element_type3A_381 = arith.extui %lt3A_380 : i1 to i32
      %cond3A_382 = arith.constant 0 : i32
      %cond3A_383 = arith.cmpi ne, %convert_element_type3A_381, %cond3A_382 : i32
      scf.if %cond3A_383 {
        %add3A_401 = arith.addi %mul3A_2, %add3A_369 : i32
        %add3A_402 = arith.constant 4 : i32
        %add3A_403 = arith.addi %add3A_401, %add3A_402 : i32
        %dma_start3A_404 = arith.constant 0 : i32
        %dma_start3A_405 = arith.constant 0 : i32
        %dma_start3A_406 = tpu.memref_slice %arg3[%add3A_403, %dma_start3A_404, %dma_start3A_405] : memref<4000x1x80xi32, #tpu.memory_space<hbm>> -> memref<1x1x80xi32, #tpu.memory_space<hbm>>
        %dma_start3A_407 = tpu.memref_squeeze %dma_start3A_406 : memref<1x1x80xi32, #tpu.memory_space<hbm>> -> memref<1x80xi32, #tpu.memory_space<hbm>>
        %dma_start3A_408 = arith.constant 0 : i32
        %dma_start3A_409 = arith.constant 0 : i32
        %dma_start3A_410 = tpu.memref_slice %arg3[%add3A_403, %dma_start3A_408, %dma_start3A_409] : memref<4000x1x80xi32, #tpu.memory_space<hbm>> -> memref<1x1x80xi32, #tpu.memory_space<hbm>>
        %dma_start3A_411 = tpu.memref_squeeze %dma_start3A_410 : memref<1x1x80xi32, #tpu.memory_space<hbm>> -> memref<1x80xi32, #tpu.memory_space<hbm>>
        tpu.enqueue_dma source(%dma_start3A_411 : memref<1x80xi32, #tpu.memory_space<hbm>>) target(%arg9 : memref<1x80xi32, #tpu.memory_space<vmem>>) target_semaphore(%arg27 : memref<!tpu.dma_semaphore, #tpu.memory_space<semaphore_mem>>)
      } else {
      }
      %add3A_384 = arith.addi %mul3A_2, %add3A_369 : i32
      %dma_wait3A_385 = arith.constant 0 : i32
      %dma_wait3A_386 = arith.constant 0 : i32
      %dma_wait3A_387 = tpu.memref_slice %arg4[%add3A_384, %dma_wait3A_385, %dma_wait3A_386] : memref<4000x1x80xi32, #tpu.memory_space<hbm>> -> memref<1x1x80xi32, #tpu.memory_space<hbm>>
      %dma_wait3A_388 = tpu.memref_squeeze %dma_wait3A_387 : memref<1x1x80xi32, #tpu.memory_space<hbm>> -> memref<1x80xi32, #tpu.memory_space<hbm>>
      %dma_wait3A_389 = arith.constant 0 : i32
      %dma_wait3A_390 = arith.constant 0 : i32
      %dma_wait3A_391 = tpu.memref_slice %arg4[%add3A_384, %dma_wait3A_389, %dma_wait3A_390] : memref<4000x1x80xi32, #tpu.memory_space<hbm>> -> memref<1x1x80xi32, #tpu.memory_space<hbm>>
      %dma_wait3A_392 = tpu.memref_squeeze %dma_wait3A_391 : memref<1x1x80xi32, #tpu.memory_space<hbm>> -> memref<1x80xi32, #tpu.memory_space<hbm>>
      tpu.wait_dma2 semaphore(%arg31 : memref<!tpu.dma_semaphore, #tpu.memory_space<semaphore_mem>>) src(%dma_wait3A_392 : memref<1x80xi32, #tpu.memory_space<hbm>>) dst(%arg13 : memref<1x80xi32, #tpu.memory_space<vmem>>)
      %run_scoped3A_393 = arith.constant 0 : i32
      "tpu.region"() ({
        %run_scoped3A_401 = tpu.sem_alloc : memref<!tpu.dma_semaphore, #tpu.memory_space<semaphore_mem>>
        %dma_start3A_402 = arith.constant 0 : i32
        %dma_start3A_403 = tpu.memref_slice %arg13[%run_scoped3A_393, %dma_start3A_402] : memref<1x80xi32, #tpu.memory_space<vmem>> -> memref<1x80xi32, #tpu.memory_space<vmem>>
        %dma_start3A_404 = tpu.memref_squeeze %dma_start3A_403 : memref<1x80xi32, #tpu.memory_space<vmem>> -> memref<80xi32, #tpu.memory_space<vmem>>
        %dma_start3A_405 = arith.constant 0 : i32
        %dma_start3A_406 = arith.constant 0 : i32
        %dma_start3A_407 = tpu.memref_slice %arg19[%dma_start3A_405, %dma_start3A_406] : memref<10240x128xf32, #tpu.memory_space<vmem_shared>> -> memref<10240x128xf32, #tpu.memory_space<vmem_shared>>
        tpu.enqueue_indirect_dma source(%arg17 : memref<80x128xf32, #tpu.memory_space<vmem>>) target(%dma_start3A_407 : memref<10240x128xf32, #tpu.memory_space<vmem_shared>>) offsets(%dma_start3A_404 : memref<80xi32, #tpu.memory_space<vmem>>) semaphore(%run_scoped3A_401 : memref<!tpu.dma_semaphore, #tpu.memory_space<semaphore_mem>>) {add = true}
        %dma_wait3A_408 = arith.constant 0 : i32
        %dma_wait3A_409 = tpu.memref_slice %arg13[%run_scoped3A_393, %dma_wait3A_408] : memref<1x80xi32, #tpu.memory_space<vmem>> -> memref<1x80xi32, #tpu.memory_space<vmem>>
        %dma_wait3A_410 = tpu.memref_squeeze %dma_wait3A_409 : memref<1x80xi32, #tpu.memory_space<vmem>> -> memref<80xi32, #tpu.memory_space<vmem>>
        %dma_wait3A_411 = arith.constant 0 : i32
        %dma_wait3A_412 = arith.constant 0 : i32
        %dma_wait3A_413 = tpu.memref_slice %arg19[%dma_wait3A_411, %dma_wait3A_412] : memref<10240x128xf32, #tpu.memory_space<vmem_shared>> -> memref<10240x128xf32, #tpu.memory_space<vmem_shared>>
        tpu.wait_indirect_dma semaphore(%run_scoped3A_401 : memref<!tpu.dma_semaphore, #tpu.memory_space<semaphore_mem>>) src(%arg17 : memref<80x128xf32, #tpu.memory_space<vmem>>) dst(%dma_wait3A_413 : memref<10240x128xf32, #tpu.memory_space<vmem_shared>>)
        tpu.yield
      }) : () -> ()
      %add3A_394 = arith.constant 4 : i32
      %add3A_395 = arith.addi %add3A_369, %add3A_394 : i32
      %lt3A_396 = arith.constant 125 : i32
      %lt3A_397 = arith.cmpi slt, %add3A_395, %lt3A_396 : i32
      %convert_element_type3A_398 = arith.extui %lt3A_397 : i1 to i32
      %cond3A_399 = arith.constant 0 : i32
      %cond3A_400 = arith.cmpi ne, %convert_element_type3A_398, %cond3A_399 : i32
      scf.if %cond3A_400 {
        %add3A_401 = arith.addi %mul3A_2, %add3A_369 : i32
        %add3A_402 = arith.constant 4 : i32
        %add3A_403 = arith.addi %add3A_401, %add3A_402 : i32
        %dma_start3A_404 = arith.constant 0 : i32
        %dma_start3A_405 = arith.constant 0 : i32
        %dma_start3A_406 = tpu.memref_slice %arg4[%add3A_403, %dma_start3A_404, %dma_start3A_405] : memref<4000x1x80xi32, #tpu.memory_space<hbm>> -> memref<1x1x80xi32, #tpu.memory_space<hbm>>
        %dma_start3A_407 = tpu.memref_squeeze %dma_start3A_406 : memref<1x1x80xi32, #tpu.memory_space<hbm>> -> memref<1x80xi32, #tpu.memory_space<hbm>>
        %dma_start3A_408 = arith.constant 0 : i32
        %dma_start3A_409 = arith.constant 0 : i32
        %dma_start3A_410 = tpu.memref_slice %arg4[%add3A_403, %dma_start3A_408, %dma_start3A_409] : memref<4000x1x80xi32, #tpu.memory_space<hbm>> -> memref<1x1x80xi32, #tpu.memory_space<hbm>>
        %dma_start3A_411 = tpu.memref_squeeze %dma_start3A_410 : memref<1x1x80xi32, #tpu.memory_space<hbm>> -> memref<1x80xi32, #tpu.memory_space<hbm>>
        tpu.enqueue_dma source(%dma_start3A_411 : memref<1x80xi32, #tpu.memory_space<hbm>>) target(%arg13 : memref<1x80xi32, #tpu.memory_space<vmem>>) target_semaphore(%arg31 : memref<!tpu.dma_semaphore, #tpu.memory_space<semaphore_mem>>)
        %add3A_412 = arith.addi %mul3A_2, %add3A_369 : i32
        %add3A_413 = arith.constant 4 : i32
        %add3A_414 = arith.addi %add3A_412, %add3A_413 : i32
        %dma_wait3A_415 = arith.constant 0 : i32
        %dma_wait3A_416 = arith.constant 0 : i32
        %dma_wait3A_417 = tpu.memref_slice %arg3[%add3A_414, %dma_wait3A_415, %dma_wait3A_416] : memref<4000x1x80xi32, #tpu.memory_space<hbm>> -> memref<1x1x80xi32, #tpu.memory_space<hbm>>
        %dma_wait3A_418 = tpu.memref_squeeze %dma_wait3A_417 : memref<1x1x80xi32, #tpu.memory_space<hbm>> -> memref<1x80xi32, #tpu.memory_space<hbm>>
        %dma_wait3A_419 = arith.constant 0 : i32
        %dma_wait3A_420 = arith.constant 0 : i32
        %dma_wait3A_421 = tpu.memref_slice %arg3[%add3A_414, %dma_wait3A_419, %dma_wait3A_420] : memref<4000x1x80xi32, #tpu.memory_space<hbm>> -> memref<1x1x80xi32, #tpu.memory_space<hbm>>
        %dma_wait3A_422 = tpu.memref_squeeze %dma_wait3A_421 : memref<1x1x80xi32, #tpu.memory_space<hbm>> -> memref<1x80xi32, #tpu.memory_space<hbm>>
        tpu.wait_dma2 semaphore(%arg27 : memref<!tpu.dma_semaphore, #tpu.memory_space<semaphore_mem>>) src(%dma_wait3A_422 : memref<1x80xi32, #tpu.memory_space<hbm>>) dst(%arg9 : memref<1x80xi32, #tpu.memory_space<vmem>>)
        %dma_start3A_423 = arith.constant 0 : i32
        %dma_start3A_424 = arith.constant 0 : i32
        %dma_start3A_425 = tpu.memref_slice %arg9[%dma_start3A_423, %dma_start3A_424] : memref<1x80xi32, #tpu.memory_space<vmem>> -> memref<1x80xi32, #tpu.memory_space<vmem>>
        %dma_start3A_426 = tpu.memref_squeeze %dma_start3A_425 : memref<1x80xi32, #tpu.memory_space<vmem>> -> memref<80xi32, #tpu.memory_space<vmem>>
        %dma_start3A_427 = arith.constant 0 : i32
        %dma_start3A_428 = arith.constant 0 : i32
        %dma_start3A_429 = tpu.memref_slice %arg2[%dma_start3A_427, %dma_start3A_428] : memref<10000x128xf32, #tpu.memory_space<hbm>> -> memref<10000x128xf32, #tpu.memory_space<hbm>>
        tpu.enqueue_indirect_dma source(%dma_start3A_429 : memref<10000x128xf32, #tpu.memory_space<hbm>>) target(%arg17 : memref<80x128xf32, #tpu.memory_space<vmem>>) offsets(%dma_start3A_426 : memref<80xi32, #tpu.memory_space<vmem>>) semaphore(%arg23 : memref<!tpu.dma_semaphore, #tpu.memory_space<semaphore_mem>>)
      } else {
      }
    }
    %scan3A_240 = arith.constant 31 : i32
    %dma_wait3A_241 = arith.constant 0 : i32
    %dma_wait3A_242 = arith.constant 0 : i32
    %dma_wait3A_243 = tpu.memref_slice %arg6[%dma_wait3A_241, %dma_wait3A_242] : memref<1x80xi32, #tpu.memory_space<vmem>> -> memref<1x80xi32, #tpu.memory_space<vmem>>
    %dma_wait3A_244 = tpu.memref_squeeze %dma_wait3A_243 : memref<1x80xi32, #tpu.memory_space<vmem>> -> memref<80xi32, #tpu.memory_space<vmem>>
    %dma_wait3A_245 = arith.constant 0 : i32
    %dma_wait3A_246 = arith.constant 0 : i32
    %dma_wait3A_247 = tpu.memref_slice %arg2[%dma_wait3A_245, %dma_wait3A_246] : memref<10000x128xf32, #tpu.memory_space<hbm>> -> memref<10000x128xf32, #tpu.memory_space<hbm>>
    tpu.wait_indirect_dma semaphore(%arg20 : memref<!tpu.dma_semaphore, #tpu.memory_space<semaphore_mem>>) src(%dma_wait3A_247 : memref<10000x128xf32, #tpu.memory_space<hbm>>) dst(%arg14 : memref<80x128xf32, #tpu.memory_space<vmem>>)
    %add3A_248 = arith.constant 124 : i32
    %add3A_249 = arith.addi %mul3A_2, %add3A_248 : i32
    %dma_wait3A_250 = arith.constant 0 : i32
    %dma_wait3A_251 = arith.constant 0 : i32
    %dma_wait3A_252 = tpu.memref_slice %arg4[%add3A_249, %dma_wait3A_250, %dma_wait3A_251] : memref<4000x1x80xi32, #tpu.memory_space<hbm>> -> memref<1x1x80xi32, #tpu.memory_space<hbm>>
    %dma_wait3A_253 = tpu.memref_squeeze %dma_wait3A_252 : memref<1x1x80xi32, #tpu.memory_space<hbm>> -> memref<1x80xi32, #tpu.memory_space<hbm>>
    %dma_wait3A_254 = arith.constant 0 : i32
    %dma_wait3A_255 = arith.constant 0 : i32
    %dma_wait3A_256 = tpu.memref_slice %arg4[%add3A_249, %dma_wait3A_254, %dma_wait3A_255] : memref<4000x1x80xi32, #tpu.memory_space<hbm>> -> memref<1x1x80xi32, #tpu.memory_space<hbm>>
    %dma_wait3A_257 = tpu.memref_squeeze %dma_wait3A_256 : memref<1x1x80xi32, #tpu.memory_space<hbm>> -> memref<1x80xi32, #tpu.memory_space<hbm>>
    tpu.wait_dma2 semaphore(%arg28 : memref<!tpu.dma_semaphore, #tpu.memory_space<semaphore_mem>>) src(%dma_wait3A_257 : memref<1x80xi32, #tpu.memory_space<hbm>>) dst(%arg10 : memref<1x80xi32, #tpu.memory_space<vmem>>)
    %run_scoped3A = arith.constant 0 : i32
    "tpu.region"() ({
      %run_scoped3A_263 = tpu.sem_alloc : memref<!tpu.dma_semaphore, #tpu.memory_space<semaphore_mem>>
      %dma_start3A_264 = arith.constant 0 : i32
      %dma_start3A_265 = tpu.memref_slice %arg10[%run_scoped3A, %dma_start3A_264] : memref<1x80xi32, #tpu.memory_space<vmem>> -> memref<1x80xi32, #tpu.memory_space<vmem>>
      %dma_start3A_266 = tpu.memref_squeeze %dma_start3A_265 : memref<1x80xi32, #tpu.memory_space<vmem>> -> memref<80xi32, #tpu.memory_space<vmem>>
      %dma_start3A_267 = arith.constant 0 : i32
      %dma_start3A_268 = arith.constant 0 : i32
      %dma_start3A_269 = tpu.memref_slice %arg19[%dma_start3A_267, %dma_start3A_268] : memref<10240x128xf32, #tpu.memory_space<vmem_shared>> -> memref<10240x128xf32, #tpu.memory_space<vmem_shared>>
      tpu.enqueue_indirect_dma source(%arg14 : memref<80x128xf32, #tpu.memory_space<vmem>>) target(%dma_start3A_269 : memref<10240x128xf32, #tpu.memory_space<vmem_shared>>) offsets(%dma_start3A_266 : memref<80xi32, #tpu.memory_space<vmem>>) semaphore(%run_scoped3A_263 : memref<!tpu.dma_semaphore, #tpu.memory_space<semaphore_mem>>) {add = true}
      %dma_wait3A_270 = arith.constant 0 : i32
      %dma_wait3A_271 = tpu.memref_slice %arg10[%run_scoped3A, %dma_wait3A_270] : memref<1x80xi32, #tpu.memory_space<vmem>> -> memref<1x80xi32, #tpu.memory_space<vmem>>
      %dma_wait3A_272 = tpu.memref_squeeze %dma_wait3A_271 : memref<1x80xi32, #tpu.memory_space<vmem>> -> memref<80xi32, #tpu.memory_space<vmem>>
      %dma_wait3A_273 = arith.constant 0 : i32
      %dma_wait3A_274 = arith.constant 0 : i32
      %dma_wait3A_275 = tpu.memref_slice %arg19[%dma_wait3A_273, %dma_wait3A_274] : memref<10240x128xf32, #tpu.memory_space<vmem_shared>> -> memref<10240x128xf32, #tpu.memory_space<vmem_shared>>
      tpu.wait_indirect_dma semaphore(%run_scoped3A_263 : memref<!tpu.dma_semaphore, #tpu.memory_space<semaphore_mem>>) src(%arg14 : memref<80x128xf32, #tpu.memory_space<vmem>>) dst(%dma_wait3A_275 : memref<10240x128xf32, #tpu.memory_space<vmem_shared>>)
      tpu.yield
    }) : () -> ()
    %barrier3A_258 = arith.constant 0 : index
    tpu.barrier barrier_id(%barrier3A_258)
    %mul3A_259 = arith.constant 640 : i32
    %mul3A_260 = arith.muli %arg1, %mul3A_259 : i32
    %mul3A_261 = arith.constant 640 : i32
    %mul3A_262 = arith.muli %arg1, %mul3A_261 : i32
    "tpu.region"() ({
      %run_scoped3A_263 = tpu.sem_alloc : memref<!tpu.dma_semaphore, #tpu.memory_space<semaphore_mem>>
      %dma_start3A_264 = arith.constant 0 : i32
      %dma_start3A_265 = tpu.memref_slice %arg5[%arg0, %mul3A_262, %dma_start3A_264] : memref<2x10240x128xf32, #tpu.memory_space<hbm>> -> memref<1x640x128xf32, #tpu.memory_space<hbm>>
      %dma_start3A_266 = tpu.memref_squeeze %dma_start3A_265 : memref<1x640x128xf32, #tpu.memory_space<hbm>> -> memref<640x128xf32, #tpu.memory_space<hbm>>
      %dma_start3A_267 = arith.constant 0 : i32
      %dma_start3A_268 = tpu.memref_slice %arg19[%mul3A_260, %dma_start3A_267] : memref<10240x128xf32, #tpu.memory_space<vmem_shared>> -> memref<640x128xf32, #tpu.memory_space<vmem_shared>>
      tpu.enqueue_dma source(%dma_start3A_268 : memref<640x128xf32, #tpu.memory_space<vmem_shared>>) target(%dma_start3A_266 : memref<640x128xf32, #tpu.memory_space<hbm>>) target_semaphore(%run_scoped3A_263 : memref<!tpu.dma_semaphore, #tpu.memory_space<semaphore_mem>>)
      %dma_wait3A_269 = arith.constant 0 : i32
      %dma_wait3A_270 = tpu.memref_slice %arg5[%arg0, %mul3A_262, %dma_wait3A_269] : memref<2x10240x128xf32, #tpu.memory_space<hbm>> -> memref<1x640x128xf32, #tpu.memory_space<hbm>>
      %dma_wait3A_271 = tpu.memref_squeeze %dma_wait3A_270 : memref<1x640x128xf32, #tpu.memory_space<hbm>> -> memref<640x128xf32, #tpu.memory_space<hbm>>
      %dma_wait3A_272 = arith.constant 0 : i32
      %dma_wait3A_273 = tpu.memref_slice %arg19[%mul3A_260, %dma_wait3A_272] : memref<10240x128xf32, #tpu.memory_space<vmem_shared>> -> memref<640x128xf32, #tpu.memory_space<vmem_shared>>
      tpu.wait_dma2 semaphore(%run_scoped3A_263 : memref<!tpu.dma_semaphore, #tpu.memory_space<semaphore_mem>>) src(%dma_wait3A_273 : memref<640x128xf32, #tpu.memory_space<vmem_shared>>) dst(%dma_wait3A_271 : memref<640x128xf32, #tpu.memory_space<hbm>>)
      tpu.yield
    }) : () -> ()
    return
  }
}

module attributes {stable_mosaic.version = 14 : i64} {
  func.func @_tca_body(%arg0: i32, %arg1: memref<1000x128xf32, #tpu.memory_space<vmem>>, %arg2: memref<128x128xf32, #tpu.memory_space<vmem>>, %arg3: memref<1000x2xf32, #tpu.memory_space<vmem>>, %arg4: memref<1000x128xf32, #tpu.memory_space<vmem>>) attributes {dimension_semantics = [#tpu.dimension_semantics<arbitrary>], iteration_bounds = array<i64: 10>, scalar_prefetch = 0 : i64, scratch_operands = 0 : i64, tpu.core_type = #tpu.core_type<tc>, window_params = [{transform_indices = @transform_0, window_bounds = array<i64: 1000, 128>}, {pipeline_mode = #tpu.pipeline_mode<synchronous>, transform_indices = @transform_1, window_bounds = array<i64: 128, 128>}, {transform_indices = @transform_2, window_bounds = array<i64: 1000, 2>}, {transform_indices = @transform_3, window_bounds = array<i64: 1000, 128>}]} {
    %get3A = arith.constant 0 : index
    %get3A_0 = arith.constant 0 : index
    %get3A_1 = vector.load %arg3[%get3A, %get3A_0] : memref<1000x2xf32, #tpu.memory_space<vmem>>, vector<1000x1xf32>
    %get3A_2 = vector.shape_cast %get3A_1 : vector<1000x1xf32> to vector<1000xf32>
    %get3A_3 = arith.constant 0 : index
    %get3A_4 = arith.constant 1 : index
    %get3A_5 = vector.load %arg3[%get3A_3, %get3A_4] : memref<1000x2xf32, #tpu.memory_space<vmem>>, vector<1000x1xf32>
    %get3A_6 = vector.shape_cast %get3A_5 : vector<1000x1xf32> to vector<1000xf32>
    %add3A = arith.addf %get3A_2, %get3A_6 : vector<1000xf32>
    %add3A_7 = arith.constant 1.000000e+00 : f32
    %add3A_8 = vector.broadcast %add3A_7 : f32 to vector<1000xf32>
    %add3A_9 = arith.addf %add3A, %add3A_8 : vector<1000xf32>
    %rsqrt3A = math.rsqrt %add3A_9 : vector<1000xf32>
    %get3A_10 = arith.constant 0 : index
    %get3A_11 = arith.constant 0 : index
    %get3A_12 = vector.load %arg1[%get3A_10, %get3A_11] : memref<1000x128xf32, #tpu.memory_space<vmem>>, vector<1000x128xf32>
    %get3A_13 = arith.constant 0 : index
    %get3A_14 = arith.constant 0 : index
    %get3A_15 = vector.load %arg2[%get3A_13, %get3A_14] : memref<128x128xf32, #tpu.memory_space<vmem>>, vector<128x128xf32>
    %dot_general3A = arith.constant dense<0.000000e+00> : vector<1000x128xf32>
    %dot_general3A_16 = tpu.matmul %get3A_12, %get3A_15, %dot_general3A {dimension_numbers = #tpu.dot_dimension_numbers<[1], [0], [0], [1], [0, 0, 1, 1], [], []>, precision = #tpu.contract_precision<fp32>, transpose_lhs_hint = false} : vector<1000x128xf32>, vector<128x128xf32>, vector<1000x128xf32> -> vector<1000x128xf32>
    %broadcast_in_dim3A = vector.shape_cast %rsqrt3A : vector<1000xf32> to vector<1000x1xf32>
    %mul3A = vector.broadcast %broadcast_in_dim3A : vector<1000x1xf32> to vector<1000x128xf32>
    %mul3A_17 = arith.mulf %dot_general3A_16, %mul3A : vector<1000x128xf32>
    %swap3A = arith.constant 0 : index
    %swap3A_18 = arith.constant 0 : index
    %swap3A_19 = vector.load %arg4[%swap3A, %swap3A_18] : memref<1000x128xf32, #tpu.memory_space<vmem>>, vector<1000x128xf32>
    tpu.vector_store %arg4[%swap3A, %swap3A_18], %mul3A_17 {strides = array<i32>} : memref<1000x128xf32, #tpu.memory_space<vmem>>, vector<1000x128xf32>,
    return
  }
  func.func @transform_0(%arg0: i32) -> (i32, i32) {
    %c0_i32 = arith.constant 0 : i32
    %c0_i32_0 = arith.constant 0 : i32
    return %arg0, %c0_i32 : i32, i32
  }
  func.func @transform_1(%arg0: i32) -> (i32, i32) {
    %c0_i32 = arith.constant 0 : i32
    %c0_i32_0 = arith.constant 0 : i32
    %c0_i32_1 = arith.constant 0 : i32
    return %c0_i32, %c0_i32_0 : i32, i32
  }
  func.func @transform_2(%arg0: i32) -> (i32, i32) {
    %c0_i32 = arith.constant 0 : i32
    %c0_i32_0 = arith.constant 0 : i32
    return %arg0, %c0_i32 : i32, i32
  }
  func.func @transform_3(%arg0: i32) -> (i32, i32) {
    %c0_i32 = arith.constant 0 : i32
    %c0_i32_0 = arith.constant 0 : i32
    return %arg0, %c0_i32 : i32, i32
  }
}

module attributes {stable_mosaic.version = 14 : i64} {
  func.func @_tcb_body(%arg0: i32, %arg1: i32, %arg2: memref<2x1000x128xf32, #tpu.memory_space<vmem>>, %arg3: memref<1000x128xf32, #tpu.memory_space<vmem>>, %arg4: memref<1000x2xf32, #tpu.memory_space<vmem>>, %arg5: memref<1x128xf32, #tpu.memory_space<vmem>>, %arg6: memref<1x128xf32, #tpu.memory_space<vmem>>, %arg7: memref<1x128xf32, #tpu.memory_space<vmem>>, %arg8: memref<1000x128xf32, #tpu.memory_space<vmem>>, %arg9: memref<10000x128xf32, #tpu.memory_space<vmem>>, %arg10: memref<1x128xf32, #tpu.memory_space<vmem>>, %arg11: memref<1x128xf32, #tpu.memory_space<vmem>>) attributes {dimension_semantics = [#tpu.dimension_semantics<arbitrary>, #tpu.dimension_semantics<arbitrary>], iteration_bounds = array<i64: 2, 10>, scalar_prefetch = 0 : i64, scratch_operands = 3 : i64, tpu.core_type = #tpu.core_type<tc>, window_params = [{transform_indices = @transform_0, window_bounds = array<i64: 2, 1000, 128>}, {transform_indices = @transform_1, window_bounds = array<i64: 1000, 128>}, {transform_indices = @transform_2, window_bounds = array<i64: 1000, 2>}, {pipeline_mode = #tpu.pipeline_mode<synchronous>, transform_indices = @transform_3, window_bounds = array<i64: 1, 128>}, {pipeline_mode = #tpu.pipeline_mode<synchronous>, transform_indices = @transform_4, window_bounds = array<i64: 1, 128>}, {pipeline_mode = #tpu.pipeline_mode<synchronous>, transform_indices = @transform_5, window_bounds = array<i64: 1, 128>}, {transform_indices = @transform_6, window_bounds = array<i64: 1000, 128>}]} {
    %eq3A = arith.constant 0 : i32
    %eq3A_0 = arith.cmpi eq, %arg0, %eq3A : i32
    %convert_element_type3A = arith.extui %eq3A_0 : i1 to i32
    %cond3A = arith.constant 0 : i32
    %cond3A_1 = arith.cmpi ne, %convert_element_type3A, %cond3A : i32
    scf.if %cond3A_1 {
      %get3A = arith.constant 0 : index
      %get3A_7 = arith.constant 0 : index
      %get3A_8 = vector.load %arg4[%get3A, %get3A_7] : memref<1000x2xf32, #tpu.memory_space<vmem>>, vector<1000x1xf32>
      %get3A_9 = vector.shape_cast %get3A_8 : vector<1000x1xf32> to vector<1000xf32>
      %get3A_10 = arith.constant 0 : index
      %get3A_11 = arith.constant 1 : index
      %get3A_12 = vector.load %arg4[%get3A_10, %get3A_11] : memref<1000x2xf32, #tpu.memory_space<vmem>>, vector<1000x1xf32>
      %get3A_13 = vector.shape_cast %get3A_12 : vector<1000x1xf32> to vector<1000xf32>
      %add3A = arith.addf %get3A_9, %get3A_13 : vector<1000xf32>
      %add3A_14 = arith.constant 1.000000e+00 : f32
      %add3A_15 = vector.broadcast %add3A_14 : f32 to vector<1000xf32>
      %add3A_16 = arith.addf %add3A, %add3A_15 : vector<1000xf32>
      %rsqrt3A = math.rsqrt %add3A_16 : vector<1000xf32>
      %get3A_17 = arith.constant 0 : index
      %get3A_18 = arith.constant 0 : index
      %get3A_19 = arith.constant 0 : index
      %get3A_20 = vector.load %arg2[%get3A_17, %get3A_18, %get3A_19] : memref<2x1000x128xf32, #tpu.memory_space<vmem>>, vector<1x1000x128xf32>
      %get3A_21 = vector.shape_cast %get3A_20 : vector<1x1000x128xf32> to vector<1000x128xf32>
      %get3A_22 = arith.constant 1 : index
      %get3A_23 = arith.constant 0 : index
      %get3A_24 = arith.constant 0 : index
      %get3A_25 = vector.load %arg2[%get3A_22, %get3A_23, %get3A_24] : memref<2x1000x128xf32, #tpu.memory_space<vmem>>, vector<1x1000x128xf32>
      %get3A_26 = vector.shape_cast %get3A_25 : vector<1x1000x128xf32> to vector<1000x128xf32>
      %add3A_27 = arith.addf %get3A_21, %get3A_26 : vector<1000x128xf32>
      %get3A_28 = arith.constant 0 : index
      %get3A_29 = arith.constant 0 : index
      %get3A_30 = vector.load %arg3[%get3A_28, %get3A_29] : memref<1000x128xf32, #tpu.memory_space<vmem>>, vector<1000x128xf32>
      %add3A_31 = arith.addf %add3A_27, %get3A_30 : vector<1000x128xf32>
      %broadcast_in_dim3A = vector.shape_cast %rsqrt3A : vector<1000xf32> to vector<1000x1xf32>
      %mul3A = vector.broadcast %broadcast_in_dim3A : vector<1000x1xf32> to vector<1000x128xf32>
      %mul3A_32 = arith.mulf %add3A_31, %mul3A : vector<1000x128xf32>
      %get3A_33 = arith.constant 0 : index
      %get3A_34 = arith.constant 0 : index
      %get3A_35 = vector.load %arg5[%get3A_33, %get3A_34] : memref<1x128xf32, #tpu.memory_space<vmem>>, vector<1x128xf32>
      %add3A_36 = vector.broadcast %get3A_35 : vector<1x128xf32> to vector<1000x128xf32>
      %add3A_37 = arith.addf %mul3A_32, %add3A_36 : vector<1000x128xf32>
      %mul3A_38 = arith.constant 1000 : i32
      %mul3A_39 = arith.muli %arg1, %mul3A_38 : i32
      %swap3A = arith.index_cast %mul3A_39 : i32 to index
      %swap3A_40 = arith.constant 0 : index
      %swap3A_41 = vector.load %arg9[%swap3A, %swap3A_40] : memref<10000x128xf32, #tpu.memory_space<vmem>>, vector<1000x128xf32>
      tpu.vector_store %arg9[%swap3A, %swap3A_40], %add3A_37 {strides = array<i32>} : memref<10000x128xf32, #tpu.memory_space<vmem>>, vector<1000x128xf32>,
      %reduce_sum3A = arith.constant dense<0.000000e+00> : vector<128xf32>
      %reduce_sum3A_42 = vector.multi_reduction <add>, %add3A_37, %reduce_sum3A [0] : vector<1000x128xf32> to vector<128xf32>
      %broadcast_in_dim3A_43 = vector.shape_cast %reduce_sum3A_42 : vector<128xf32> to vector<1x128xf32>
      %mul3A_44 = arith.mulf %add3A_37, %add3A_37 : vector<1000x128xf32>
      %reduce_sum3A_45 = arith.constant dense<0.000000e+00> : vector<128xf32>
      %reduce_sum3A_46 = vector.multi_reduction <add>, %mul3A_44, %reduce_sum3A_45 [0] : vector<1000x128xf32> to vector<128xf32>
      %broadcast_in_dim3A_47 = vector.shape_cast %reduce_sum3A_46 : vector<128xf32> to vector<1x128xf32>
      %eq3A_48 = arith.constant 0 : i32
      %eq3A_49 = arith.cmpi eq, %arg1, %eq3A_48 : i32
      %convert_element_type3A_50 = arith.extui %eq3A_49 : i1 to i32
      %cond3A_51 = arith.constant 0 : i32
      %cond3A_52 = arith.cmpi ne, %convert_element_type3A_50, %cond3A_51 : i32
      scf.if %cond3A_52 {
        %swap3A_57 = arith.constant 0 : index
        %swap3A_58 = arith.constant 0 : index
        %swap3A_59 = vector.load %arg10[%swap3A_57, %swap3A_58] : memref<1x128xf32, #tpu.memory_space<vmem>>, vector<1x128xf32>
        tpu.vector_store %arg10[%swap3A_57, %swap3A_58], %broadcast_in_dim3A_43 {strides = array<i32>} : memref<1x128xf32, #tpu.memory_space<vmem>>, vector<1x128xf32>,
        %swap3A_60 = arith.constant 0 : index
        %swap3A_61 = arith.constant 0 : index
        %swap3A_62 = vector.load %arg11[%swap3A_60, %swap3A_61] : memref<1x128xf32, #tpu.memory_space<vmem>>, vector<1x128xf32>
        tpu.vector_store %arg11[%swap3A_60, %swap3A_61], %broadcast_in_dim3A_47 {strides = array<i32>} : memref<1x128xf32, #tpu.memory_space<vmem>>, vector<1x128xf32>,
      } else {
      }
      %ne3A = arith.constant 0 : i32
      %ne3A_53 = arith.cmpi ne, %arg1, %ne3A : i32
      %convert_element_type3A_54 = arith.extui %ne3A_53 : i1 to i32
      %cond3A_55 = arith.constant 0 : i32
      %cond3A_56 = arith.cmpi ne, %convert_element_type3A_54, %cond3A_55 : i32
      scf.if %cond3A_56 {
        %get3A_57 = arith.constant 0 : index
        %get3A_58 = arith.constant 0 : index
        %get3A_59 = vector.load %arg10[%get3A_57, %get3A_58] : memref<1x128xf32, #tpu.memory_space<vmem>>, vector<1x128xf32>
        %add3A_60 = arith.addf %get3A_59, %broadcast_in_dim3A_43 : vector<1x128xf32>
        %swap3A_61 = arith.constant 0 : index
        %swap3A_62 = arith.constant 0 : index
        %swap3A_63 = vector.load %arg10[%swap3A_61, %swap3A_62] : memref<1x128xf32, #tpu.memory_space<vmem>>, vector<1x128xf32>
        tpu.vector_store %arg10[%swap3A_61, %swap3A_62], %add3A_60 {strides = array<i32>} : memref<1x128xf32, #tpu.memory_space<vmem>>, vector<1x128xf32>,
        %get3A_64 = arith.constant 0 : index
        %get3A_65 = arith.constant 0 : index
        %get3A_66 = vector.load %arg11[%get3A_64, %get3A_65] : memref<1x128xf32, #tpu.memory_space<vmem>>, vector<1x128xf32>
        %add3A_67 = arith.addf %get3A_66, %broadcast_in_dim3A_47 : vector<1x128xf32>
        %swap3A_68 = arith.constant 0 : index
        %swap3A_69 = arith.constant 0 : index
        %swap3A_70 = vector.load %arg11[%swap3A_68, %swap3A_69] : memref<1x128xf32, #tpu.memory_space<vmem>>, vector<1x128xf32>
        tpu.vector_store %arg11[%swap3A_68, %swap3A_69], %add3A_67 {strides = array<i32>} : memref<1x128xf32, #tpu.memory_space<vmem>>, vector<1x128xf32>,
      } else {
      }
    } else {
    }
    %eq3A_2 = arith.constant 1 : i32
    %eq3A_3 = arith.cmpi eq, %arg0, %eq3A_2 : i32
    %convert_element_type3A_4 = arith.extui %eq3A_3 : i1 to i32
    %cond3A_5 = arith.constant 0 : i32
    %cond3A_6 = arith.cmpi ne, %convert_element_type3A_4, %cond3A_5 : i32
    scf.if %cond3A_6 {
      %get3A = arith.constant 0 : index
      %get3A_7 = arith.constant 0 : index
      %get3A_8 = vector.load %arg10[%get3A, %get3A_7] : memref<1x128xf32, #tpu.memory_space<vmem>>, vector<1x128xf32>
      %mul3A = arith.constant 9.99999974E-5 : f32
      %mul3A_9 = vector.broadcast %mul3A : f32 to vector<1x128xf32>
      %mul3A_10 = arith.mulf %get3A_8, %mul3A_9 : vector<1x128xf32>
      %get3A_11 = arith.constant 0 : index
      %get3A_12 = arith.constant 0 : index
      %get3A_13 = vector.load %arg11[%get3A_11, %get3A_12] : memref<1x128xf32, #tpu.memory_space<vmem>>, vector<1x128xf32>
      %mul3A_14 = arith.constant 9.99999974E-5 : f32
      %mul3A_15 = vector.broadcast %mul3A_14 : f32 to vector<1x128xf32>
      %mul3A_16 = arith.mulf %get3A_13, %mul3A_15 : vector<1x128xf32>
      %mul3A_17 = arith.mulf %mul3A_10, %mul3A_10 : vector<1x128xf32>
      %sub3A = arith.subf %mul3A_16, %mul3A_17 : vector<1x128xf32>
      %add3A = arith.constant 9.99999974E-6 : f32
      %add3A_18 = vector.broadcast %add3A : f32 to vector<1x128xf32>
      %add3A_19 = arith.addf %sub3A, %add3A_18 : vector<1x128xf32>
      %rsqrt3A = math.rsqrt %add3A_19 : vector<1x128xf32>
      %mul3A_20 = arith.constant 1000 : i32
      %mul3A_21 = arith.muli %arg1, %mul3A_20 : i32
      %get3A_22 = arith.index_cast %mul3A_21 : i32 to index
      %get3A_23 = arith.constant 0 : index
      %get3A_24 = vector.load %arg9[%get3A_22, %get3A_23] : memref<10000x128xf32, #tpu.memory_space<vmem>>, vector<1000x128xf32>
      %sub3A_25 = vector.broadcast %mul3A_10 : vector<1x128xf32> to vector<1000x128xf32>
      %sub3A_26 = arith.subf %get3A_24, %sub3A_25 : vector<1000x128xf32>
      %get3A_27 = arith.constant 0 : index
      %get3A_28 = arith.constant 0 : index
      %get3A_29 = vector.load %arg6[%get3A_27, %get3A_28] : memref<1x128xf32, #tpu.memory_space<vmem>>, vector<1x128xf32>
      %mul3A_30 = arith.mulf %rsqrt3A, %get3A_29 : vector<1x128xf32>
      %mul3A_31 = vector.broadcast %mul3A_30 : vector<1x128xf32> to vector<1000x128xf32>
      %mul3A_32 = arith.mulf %sub3A_26, %mul3A_31 : vector<1000x128xf32>
      %get3A_33 = arith.constant 0 : index
      %get3A_34 = arith.constant 0 : index
      %get3A_35 = vector.load %arg7[%get3A_33, %get3A_34] : memref<1x128xf32, #tpu.memory_space<vmem>>, vector<1x128xf32>
      %add3A_36 = vector.broadcast %get3A_35 : vector<1x128xf32> to vector<1000x128xf32>
      %add3A_37 = arith.addf %mul3A_32, %add3A_36 : vector<1000x128xf32>
      %max3A = arith.constant 0.000000e+00 : f32
      %max3A_38 = vector.broadcast %max3A : f32 to vector<1000x128xf32>
      %max3A_39 = arith.maximumf %add3A_37, %max3A_38 : vector<1000x128xf32>
      %swap3A = arith.constant 0 : index
      %swap3A_40 = arith.constant 0 : index
      %swap3A_41 = vector.load %arg8[%swap3A, %swap3A_40] : memref<1000x128xf32, #tpu.memory_space<vmem>>, vector<1000x128xf32>
      tpu.vector_store %arg8[%swap3A, %swap3A_40], %max3A_39 {strides = array<i32>} : memref<1000x128xf32, #tpu.memory_space<vmem>>, vector<1000x128xf32>,
    } else {
    }
    return
  }
  func.func @transform_0(%arg0: i32, %arg1: i32) -> (i32, i32, i32) {
    %sub3A = arith.constant 1 : i32
    %sub3A_0 = arith.subi %sub3A, %arg0 : i32
    %mul3A = arith.muli %arg1, %sub3A_0 : i32
    %c0_i32 = arith.constant 0 : i32
    %c0_i32_1 = arith.constant 0 : i32
    %c0_i32_2 = arith.constant 0 : i32
    return %c0_i32, %mul3A, %c0_i32_1 : i32, i32, i32
  }
  func.func @transform_1(%arg0: i32, %arg1: i32) -> (i32, i32) {
    %sub3A = arith.constant 1 : i32
    %sub3A_0 = arith.subi %sub3A, %arg0 : i32
    %mul3A = arith.muli %arg1, %sub3A_0 : i32
    %c0_i32 = arith.constant 0 : i32
    %c0_i32_1 = arith.constant 0 : i32
    return %mul3A, %c0_i32 : i32, i32
  }
  func.func @transform_2(%arg0: i32, %arg1: i32) -> (i32, i32) {
    %sub3A = arith.constant 1 : i32
    %sub3A_0 = arith.subi %sub3A, %arg0 : i32
    %mul3A = arith.muli %arg1, %sub3A_0 : i32
    %c0_i32 = arith.constant 0 : i32
    %c0_i32_1 = arith.constant 0 : i32
    return %mul3A, %c0_i32 : i32, i32
  }
  func.func @transform_3(%arg0: i32, %arg1: i32) -> (i32, i32) {
    %c0_i32 = arith.constant 0 : i32
    %c0_i32_0 = arith.constant 0 : i32
    %c0_i32_1 = arith.constant 0 : i32
    return %c0_i32, %c0_i32_0 : i32, i32
  }
  func.func @transform_4(%arg0: i32, %arg1: i32) -> (i32, i32) {
    %c0_i32 = arith.constant 0 : i32
    %c0_i32_0 = arith.constant 0 : i32
    %c0_i32_1 = arith.constant 0 : i32
    return %c0_i32, %c0_i32_0 : i32, i32
  }
  func.func @transform_5(%arg0: i32, %arg1: i32) -> (i32, i32) {
    %c0_i32 = arith.constant 0 : i32
    %c0_i32_0 = arith.constant 0 : i32
    %c0_i32_1 = arith.constant 0 : i32
    return %c0_i32, %c0_i32_0 : i32, i32
  }
  func.func @transform_6(%arg0: i32, %arg1: i32) -> (i32, i32) {
    %c0_i32 = arith.constant 0 : i32
    %c0_i32_0 = arith.constant 0 : i32
    return %arg1, %c0_i32 : i32, i32
  }
}

</mosaic_0001>

<sc_bundles>
// kernel: kernel.6.cloned.1.call-start
scs
__scs_entry_jumppad:
0x0: {  	(pc) =	sbr.rel $0x88, $3  }
0x1: {  	(tag) =	ssettag $0x0;
	lr =	simm.s32 $0x1  }
0x2: {  	[smem:$0x3F9B] =	sst lr;
	_ =	strace $0xD0000000  }
0x3: {  	_ = 	snop  }
0x4: {  	_ = 	snop  }
0x5: {  	_ = 	snop  }
0x6: {  	_ = 	snop  }
0x7: {  	_ = 	snop  }
__scs_overlays_trampoline_lowered:
0x8: {  	[smem:$0x3FAA] =	sst s0  }
0x9: {  	[smem:$0x3FAB] =	sst s1  }
0xa: {  	[smem:$0x3FAC] =	sst s2  }
0xb: {  	[smem:$0x3FAD] =	sst s3  }
0xc: {  	[smem:$0x3FAE] =	sst s4  }
0xd: {  	[smem:$0x3FAF] =	sst s5  }
0xe: {  	[smem:$0x3FB0] =	sst s6  }
0xf: {  	[smem:$0x3FB1] =	sst s7  }
0x10: {  	[smem:$0x3FB2] =	sst s8  }
0x11: {  	[smem:$0x3FB3] =	sst s9;
	s0 =	simm.s32 @!p0 $0x0  }
0x12: {  	s1 =	sld [smem:$0x3F99];
	s0 =	simm.s32 @p0 $0x1  }
0x13: {  	[smem:$0x3FB4] =	sst s0;
	s0 =	simm.s32 @!p1 $0x0  }
0x14: {  	s2 =	sld [smem:$0x3F98];
	s0 =	simm.s32 @p1 $0x1  }
0x15: {  	[smem:$0x3FB5] =	sst s0;
	s0 =	simm.s32 @!p2 $0x0  }
0x16: {  	s3 =	sld [smem:$0x3FDB];
	s0 =	simm.s32 @p2 $0x1  }
0x17: {  	s4 =	simm.s32 $0x1BF5;
	[smem:$0x3FB7] =	sst s0  }
0x18: {  	s0 =	sld [smem:$0x3F9A];
	_ =	swait.ge [sflag:s4], $0x0  }
0x19: {  	s7 =	sld [smem:$0x3F9B]  }
0x1a: {  	s8 =	sadd.s32 $0xFFFFE003, lr  }
0x1b: {  	s9 =	sadd.s32 $0xFFFFFEF7, lr;
	s5 =	simm.s32 $0xFFFFFFFF;
	p2 =	slt.u32 s8, $0xFFFFF086  }
0x1c: {  	p1 =	slt.u32 s9, $0xF7A;
	s5 =	simm.s32 @!p2 $0x0  }
0x1d: {  	s5 =	simm.s32 @p1 $0x1;
	p0 =	seq.s32 s7, s2  }
0x1e: {  	s7 =	smul.u32 @!p0 $0xF7A, s2;
	p2 =	seq.s32 @!p0 s5, $0x0  }
0x1f: {  	s9 =	smul.u32 $0xF7A, s1;
	s8 =	simm.s32 @!p0 $0x1BF5;
	p2 =	por !p2, p0  }
0x20: {  	[sflag:s8] =	ssyncset.s32 @!p0 $0xFFFFF086;
	s6 =	sadd.s32 @!p0 s3, s7;
	s7 =	simm.s32 @!p0 $0x108  }
0x21: {  	s3 =	sadd.s32 s3, s9;
	s6 =	sadd.s32 @!p0 $0x88, s6;
	s7 =	simm.s32 @p2 $0x1082  }
0x22: {  	[simem:s7], [sflag:s8] =	dma.local @!p0 [hbm:s6], $0xF7A  }
0x23: {  	s9 =	sor.u32 $0xD0000000, s2;
	s6 =	simm.s32 $0x108;
	_ =	swait.ge @!p0 [sflag:s8], $0x0  }
0x24: {  	s3 =	sadd.s32 $0x88, s3;
	s6 =	simm.s32 @!p1 $0x1082;
	[sflag:s4] =	ssyncset.s32 $0xFFFFF086  }
0x25: {  	[simem:s6], [sflag:s4] =	dma.local [hbm:s3], $0xF7A  }
0x26: {  	[smem:$0x3F9B] =	sst s1;
	(tag) =	ssettag s2;
	_ =	strace s9  }
0x27: {  	s1 =	sld [smem:$0x3FAB]  }
0x28: {  	s2 =	sld [smem:$0x3FAC]  }
0x29: {  	s4 =	sld [smem:$0x3FAE]  }
0x2a: {  	p0 =	seq.s32 s5, $0x0;
	s5 =	sld [smem:$0x3FAF]  }
0x2b: {  	s6 =	sld [smem:$0x3FB0]  }
0x2c: {  	s7 =	sld [smem:$0x3FB1]  }
0x2d: {  	s3 =	simm.s32 $0x108;
	s8 =	sld [smem:$0x3FB2]  }
0x2e: {  	s3 =	simm.s32 @!p0 $0x1082;
	s9 =	sld [smem:$0x3FB3]  }
0x2f: {  	lr =	sadd.s32 s0, s3;
	s0 =	sld [smem:$0x3FAA]  }
0x30: {  	s3 =	sld [smem:$0x3FAD]  }
0x31: {  	[smem:$0x3FB6] =	sst s10  }
0x32: {  	s10 =	sld [smem:$0x3FB4];
	_ =	sdelay $0x3  }
0x33: {  	p0 =	seq.s32 s10, $0x1;
	s10 =	sld [smem:$0x3FB6];
	_ =	sdelay $0x3  }
0x34: {  	[smem:$0x3FB6] =	sst s10  }
0x35: {  	s10 =	sld [smem:$0x3FB5];
	_ =	sdelay $0x3  }
0x36: {  	p1 =	seq.s32 s10, $0x1;
	s10 =	sld [smem:$0x3FB6];
	_ =	sdelay $0x3  }
0x37: {  	[smem:$0x3FB6] =	sst s10  }
0x38: {  	s10 =	sld [smem:$0x3FB7]  }
0x39: {  	_ = 	snop;
	(pc) =	sbr.ind lr, $3  }
0x3a: {  	_ = 	snop  }
0x3b: {  	_ = 	snop  }
0x3c: {  	p2 =	seq.s32 s10, $0x1;
	s10 =	sld [smem:$0x3FB6]  }
0x3d: {  	_ =	shalt  }
0x3e: {  	_ =	shalt  }
0x3f: {  	_ =	shalt  }
0x40: {  	_ =	shalt  }
0x41: {  	_ =	shalt  }
0x42: {  	_ =	shalt  }
0x43: {  	_ =	shalt  }
0x44: {  	_ =	shalt  }
0x45: {  	_ =	shalt  }
0x46: {  	_ =	shalt  }
0x47: {  	_ =	shalt  }
0x48: {  	_ =	shalt  }
0x49: {  	_ =	shalt  }
0x4a: {  	_ =	shalt  }
0x4b: {  	_ =	shalt  }
0x4c: {  	_ =	shalt  }
0x4d: {  	_ =	shalt  }
0x4e: {  	_ =	shalt  }
0x4f: {  	_ =	shalt  }
0x50: {  	_ =	shalt  }
0x51: {  	_ =	shalt  }
0x52: {  	_ =	shalt  }
0x53: {  	_ =	shalt  }
0x54: {  	_ =	shalt  }
0x55: {  	_ =	shalt  }
0x56: {  	_ =	shalt  }
0x57: {  	_ =	shalt  }
0x58: {  	_ =	shalt  }
0x59: {  	_ =	shalt  }
0x5a: {  	_ =	shalt  }
0x5b: {  	_ =	shalt  }
0x5c: {  	_ =	shalt  }
0x5d: {  	_ =	shalt  }
0x5e: {  	_ =	shalt  }
0x5f: {  	_ =	shalt  }
0x60: {  	_ =	shalt  }
0x61: {  	_ =	shalt  }
0x62: {  	_ =	shalt  }
0x63: {  	_ =	shalt  }
0x64: {  	_ =	shalt  }
0x65: {  	_ =	shalt  }
0x66: {  	_ =	shalt  }
0x67: {  	_ =	shalt  }
0x68: {  	_ =	shalt  }
0x69: {  	_ =	shalt  }
0x6a: {  	_ =	shalt  }
0x6b: {  	_ =	shalt  }
0x6c: {  	_ =	shalt  }
0x6d: {  	_ =	shalt  }
0x6e: {  	_ =	shalt  }
0x6f: {  	_ =	shalt  }
0x70: {  	_ =	shalt  }
0x71: {  	_ =	shalt  }
0x72: {  	_ =	shalt  }
0x73: {  	_ =	shalt  }
0x74: {  	_ =	shalt  }
0x75: {  	_ =	shalt  }
0x76: {  	_ =	shalt  }
0x77: {  	_ =	shalt  }
0x78: {  	_ =	shalt  }
0x79: {  	_ =	shalt  }
0x7a: {  	_ =	shalt  }
0x7b: {  	_ =	shalt  }
0x7c: {  	_ =	shalt  }
0x7d: {  	_ =	shalt  }
0x7e: {  	_ =	shalt  }
0x7f: {  	_ =	shalt  }
0x80: {  	_ =	shalt  }
0x81: {  	_ =	shalt  }
0x82: {  	_ =	shalt  }
0x83: {  	_ =	shalt  }
0x84: {  	_ =	shalt  }
0x85: {  	_ =	shalt  }
0x86: {  	_ =	shalt  }
0x87: {  	_ =	shalt  }
.Lfunc_end0:
.L_simem_size_0:
called_computation_lowered:
.L_overlay_start_0:
0x88: {  	s2 =	sld [smem:$0x3FD9]  }
0x89: {  	s3 =	sld [smem:$0x3FFE];
	_ =	sdelay $0x1  }
0x8a: {  	s1 =	srdreg.scid  }
0x8b: {  	s0 =	sand.u32 $0x1, s1  }
0x8c: {  	s17 =	sshll.u32 s0, $0xA;
	s2 =	sadd.s32 s3, s2  }
0x8d: {  	s2 =	sadd.s32 s2, s17  }
0x8e: {  	[smem:$0x3FC2] =	sst s2  }
0x8f: {  	_ = 	snop  }
0x90: {  	s2 =	sld [smem:$0x3FD0];
	(tm) =	ssettm $0x1  }
0x91: {  	s18 =	sld [smem:$0x3FFB];
	_ =	sdelay $0x3  }
0x92: {  	_ =	strace s18  }
0x93: {  	s3 =	sld [smem:$0x3FFC];
	_ =	sdelay $0x3  }
0x94: {  	_ =	strace s3  }
0x95: {  	s3 =	sld [smem:$0x3FFD];
	_ =	sdelay $0x3  }
0x96: {  	_ =	strace s3  }
0x97: {  	_ =	strace $0x8FFFFFFF  }
0x98: {  	s19 =	sld [smem:$0x3FDB];
	_ =	sdelay $0x1  }
0x99: {  	s4 =	simm.s32 $_scs_section_size  }
0x9a: {  	s5 =	simm.s32 $_size__tile_overlayer_lowered;
	s6 =	simm.s32 $_tile_overlayer_lowered  }
0x9b: {  	s22 =	simm.s32 $0x1BFF;
	s21 =	sshll.u32 s6, $0x1;
	s3 =	sadd.s32 s4, s19  }
0x9c: {  	s7 =	simm.s32 $0x0;
	s20 =	sshll.u32 s5, $0x1;
	s5 =	sadd.s32 s21, s3  }
0x9d: {  	[timem:s7], [sflag:s22] =	dma.local [hbm:s5], s20  }
0x9e: {  	_ =	swait.ge [sflag:s22], s20  }
0x9f: {  	s4 =	ssub.s32 $0x0, s20;
	[sflag:s22] =	ssyncset.done $0x0  }
0xa0: {  	[sflag:s22] =	ssyncadd.s32 s4;
	_ =	sdelay $0x1  }
0xa1: {  	s23 =	simm.s32 $0x1B8B  }
0xa2: {  	_ =	swait.ge [sflag:s23], $0x1  }
0xa3: {  	[sflag:s23] =	ssyncset.done $0x0  }
0xa4: {  	s25 =	simm.s32 $0x1B8E;
	s24 =	sld [smem:$0x3FFE];
	[sflag:s23] =	ssyncadd.s32 $0xFFFFFFFF  }
0xa5: {  	s26 =	simm.s32 $execute0_lowered;
	[smem:$0x3FD2] =	sst s25  }
0xa6: {  	s5 =	sshll.u32 s26, $0x1;
	_ =	strace $0x80000046;
	[dreg:$0x1] =	wrdreg $0xFFFFFFFF  }
0xa7: {  	s28 =	simm.s32 $_size_execute0_lowered;
	s3 =	sadd.s32 s3, s5;
	[dreg:$0x0] =	wrdreg $0x0  }
0xa8: {  	s5 =	sshll.u32 s28, $0x1;
	[dreg:$0x2] =	wrdreg s3  }
0xa9: {  	[dreg:$0x3] =	wrdreg s5  }
0xaa: {  	[dreg:$0x4] =	wrdreg $0xC0  }
0xab: {  	_ =	task [dreg:s7], $0x5FFFF  }
0xac: {  	[dreg:$0x1] =	wrdreg $0xFFFFFFFF  }
0xad: {  	[dreg:$0x0] =	wrdreg $0x60  }
0xae: {  	[dreg:$0x2] =	wrdreg s2  }
0xaf: {  	[dreg:$0x3] =	wrdreg s24  }
0xb0: {  	[dreg:$0x4] =	wrdreg $0x7A000  }
0xb1: {  	[dreg:$0x5] =	wrdreg $0x9  }
0xb2: {  	_ =	task.clear_ibuf [dreg:s7], $0x6FFFF;
	_ =	strace $0x90000046  }
0xb3: {  	s29 =	simm.s32 $0x9;
	_ =	strace $0x80000048  }
0xb4: {  	_ =	swait.ge [sflag:s29], $0x1  }
0xb5: {  	[sflag:s29] =	ssyncadd.s32 $0xFFFFFFFF  }
0xb6: {  	_ =	strace $0x90000048  }
0xb7: {  	_ =	sfence  }
0xb8: {  	s30 =	sld [smem:$0x0];
	_ =	sdelay $0x2  }
0xb9: {  	s31 =	sshll.u32 s1, $0xD;
	s1 =	sshrl.u32 s1, $0x2  }
0xba: {  	s3 =	sand.u32 $0x4000, s31;
	s1 =	sadd.s32 s1, s30  }
0xbb: {  	s0 =	sor.u32 s3, s0;
	s1 =	sshll.u32 s1, $0x11  }
0xbc: {  	s0 =	sor.u32 s1, s0  }
0xbd: {  	s0 =	sadd.s32 $0x8F2B, s0  }
0xbe: {  	[sflag:s0] =	ssyncadd.remote.s32 $0x1  }
0xbf: {  	_ =	sfence.sel $0xFFFF  }
0xc0: {  	[dreg:$0x0] =	wrdreg $0xFFFFFFFF;
	(pc) =	sbr.abs _section_cstart, $3  }
0xc1: {  	[dreg:$0x1] =	wrdreg $0xFFFFFFFF  }
0xc2: {  	_ =	task.clear_ibuf [dreg:s7], $0x2FFFF;
	_ =	strace $0x9FFFFFFF  }
0xc3: {  	(tm) =	ssettm $0x7FFFFFFF  }
tec
execute0_lowered:
.L_overlay_start_1:
0x0: {  	(tag) =	ssettag $0x1  }
0x1: {  	s1 =	rddreg [dreg:$0x0]  }
0x2: {  	s0 =	srdreg.scid;
	s2 =	rddreg [dreg:$0x1]  }
0x3: {  	s7 =	stileid.u32;
	s5 =	rddreg [dreg:$0x2];
	s6 =	simm.s32 $0x0  }
0x4: {  	s23 =	simm.s32 $0x1;
	s29 =	simm.s32 $0x7000;
	s30 =	simm.s32 $0x7280  }
0x5: {  	s31 =	simm.s32 $0x7500;
	s0 =	sand.u32 $0x1, s0;
	[smem:$0x7FF] =	sst s6  }
0x6: {  	s24 =	smul.u32 $0xA000, s7;
	s3 =	sshll.u32 s0, $0x4;
	_ =	strace $0x80000047  }
0x7: {  	s0 =	ssub.s32 $0x2, s0;
	s3 =	sor.u32 s7, s3;
	s7 =	smul.u32 $0xA00, s7  }
0x8: {  	s25 =	sshrl.u32 s0, $0x1;
	s26 =	sshrl.u32 s24, $0x2;
	s4 =	smul.u32 $0x50, s3  }
0x9: {  	s24 =	simm.s32 $0x2780;
	s3 =	smul.u32 $0x4F0, s3;
	s0 =	ssub.s32 s0, s25  }
0xa: {  	s28 =	sshrl.u32 s7, $0x2;
	s22 =	smax.u32 s0, $0x1;
	s0 =	simm.s32 $0x0  }
0xb: {  	s2 =	sadd.s32 s4, s2;
	s4 =	sadd.s32 s26, s5;
	s5 =	sadd.s32 s28, s5  }
0xc: {  	s3 =	sadd.s32 s1, s3;
	s1 =	simm.s32 $0x7780;
	s6 =	sadd.s32 $0x2800, s5  }
0xd: {  	s7 =	sadd.s32 $0x5000, s5;
	s8 =	sadd.s32 $0x7800, s5;
	s9 =	sadd.s32 $0xA000, s5  }
0xe: {  	s10 =	sadd.s32 $0xC800, s5;
	s11 =	sadd.s32 $0xF000, s5;
	s12 =	sadd.s32 $0x11800, s5  }
0xf: {  	s13 =	sadd.s32 $0x14000, s5;
	s14 =	sadd.s32 $0x16800, s5;
	s15 =	sadd.s32 $0x19000, s5  }
0x10: {  	s16 =	sadd.s32 $0x1B800, s5;
	s17 =	sadd.s32 $0x1E000, s5;
	s18 =	sadd.s32 $0x20800, s5  }
0x11: {  	v0 =	vimm.f32 $0.0e+00;
	v1 =	vimm.f32 $1.000000000e+00;
	s19 =	sadd.s32 $0x23000, s5;
	s20 =	sadd.s32 $0x25800, s5;
	s21 =	sadd.s32 $0x1600, s2  }
.LBB2_1:
0x12: {  	s2 =	simm.s32 $0x40;
	s25 =	simm.s32 $0x0  }
.LBB2_2:
0x13: {  	p0 =	sne.s32 s2, $0x9FC0;
	[tilespmem:s25+$0x2780] =	vst v0;
	s25 =	smov.u32 s2;
	s2 =	sadd.s32 $0x40, s2  }
.Ltmp0:
0x14: {  	(pc) =	sbr.rel @p0 .LBB2_2-.Ltmp0, $2  }
0x15: {  	_ =	sdelay $0x2  }
0x16: {  	s25 =	sshra.s32 s25, $0x2  }
0x17: {  	[tilespmem:s25+$0x2780] =	vst v0;
	s2 =	simm.s32 $0x0  }
0x18: {  	[tilespmem:s2], [sflag:$0x1] =	stream.linear.gather [hbm4b:s3+s2], $0x2780, $0x38;
	[tilespmem:$0xA200] =	vst v63  }
0x19: {  	_ =	swait.ge [sflag:s23], $0x2780  }
0x1a: {  	[sflag:s23] =	ssyncset.done $0x0  }
0x1b: {  	s25 =	simm.s32 $0x0;
	s2 =	simm.s32 $0x40;
	[sflag:s23] =	ssyncadd.s32 $0xFFFFD880  }
.LBB2_4:
0x1c: {  	p0 =	sne.s32 s2, $0x9C00;
	v2 =	vld [tilespmem:s25+$0x0];
	_ =	sdelay $0x3  }
.Ltmp1:
0x1d: {  	(pc) =	sbr.rel @p0 .LBB2_4-.Ltmp1, $2  }
0x1e: {  	_ =	sdelay $0x2  }
0x1f: {  	s25 =	sshra.s32 s2, $0x2;
	s2 =	sadd.s32 $0x40, s2;
	[tilespmem:v2+s24+$0x0] =	vst.idx.add.f32.msk $0xffff, v1  }
0x20: {  	v2 =	vld [tilespmem:s25+$0x0];
	_ =	sdelay $0x7  }
0x21: {  	[tilespmem:v2+s24+$0x0] =	vst.idx.add.f32.msk $0xffff, v1  }
0x22: {  	[spmem:s4] =	stream.linear.scatter [tilespmem:s24], [sflag:$0x1], $0x2800, $0x38;
	[tilespmem:$0xA200] =	vst v63  }
0x23: {  	_ =	swait.ge [sflag:s23], $0x2800  }
0x24: {  	[sflag:s23] =	ssyncset.done $0x0  }
0x25: {  	[sflag:s23] =	ssyncadd.s32 $0xFFFFD800  }
0x26: {  	s2 =	simm.s32 $0x4F80;
	[bflag:$0x0] =	sbarrier.arrive $0xFFFF  }
0x27: {  	[tilespmem:s2], [sflag:$0x1] =	stream.linear.gather [spmem:s5], $0x280, $0x38;
	[tilespmem:$0xA200] =	vst v63  }
0x28: {  	_ =	swait.ge [sflag:s23], $0x280  }
0x29: {  	[sflag:s23] =	ssyncset.done $0x0  }
0x2a: {  	s26 =	simm.s32 $0x5200;
	[sflag:s23] =	ssyncadd.s32 $0xFFFFFD80  }
0x2b: {  	[tilespmem:s26], [sflag:$0x1] =	stream.linear.gather [spmem:s6], $0x280, $0x38;
	[tilespmem:$0xA200] =	vst v63  }
0x2c: {  	_ =	swait.ge [sflag:s23], $0x280  }
0x2d: {  	[sflag:s23] =	ssyncset.done $0x0  }
0x2e: {  	s26 =	simm.s32 $0x5480;
	[sflag:s23] =	ssyncadd.s32 $0xFFFFFD80  }
0x2f: {  	[tilespmem:s26], [sflag:$0x1] =	stream.linear.gather [spmem:s7], $0x280, $0x38;
	[tilespmem:$0xA200] =	vst v63  }
0x30: {  	_ =	swait.ge [sflag:s23], $0x280  }
0x31: {  	[sflag:s23] =	ssyncset.done $0x0  }
0x32: {  	s26 =	simm.s32 $0x5700;
	[sflag:s23] =	ssyncadd.s32 $0xFFFFFD80  }
0x33: {  	[tilespmem:s26], [sflag:$0x1] =	stream.linear.gather [spmem:s8], $0x280, $0x38;
	[tilespmem:$0xA200] =	vst v63  }
0x34: {  	_ =	swait.ge [sflag:s23], $0x280  }
0x35: {  	[sflag:s23] =	ssyncset.done $0x0  }
0x36: {  	s26 =	simm.s32 $0x5980;
	[sflag:s23] =	ssyncadd.s32 $0xFFFFFD80  }
0x37: {  	[tilespmem:s26], [sflag:$0x1] =	stream.linear.gather [spmem:s9], $0x280, $0x38;
	[tilespmem:$0xA200] =	vst v63  }
0x38: {  	_ =	swait.ge [sflag:s23], $0x280  }
0x39: {  	[sflag:s23] =	ssyncset.done $0x0  }
0x3a: {  	s26 =	simm.s32 $0x5C00;
	[sflag:s23] =	ssyncadd.s32 $0xFFFFFD80  }
0x3b: {  	[tilespmem:s26], [sflag:$0x1] =	stream.linear.gather [spmem:s10], $0x280, $0x38;
	[tilespmem:$0xA200] =	vst v63  }
0x3c: {  	_ =	swait.ge [sflag:s23], $0x280  }
0x3d: {  	[sflag:s23] =	ssyncset.done $0x0  }
0x3e: {  	s26 =	simm.s32 $0x5E80;
	[sflag:s23] =	ssyncadd.s32 $0xFFFFFD80  }
0x3f: {  	[tilespmem:s26], [sflag:$0x1] =	stream.linear.gather [spmem:s11], $0x280, $0x38;
	[tilespmem:$0xA200] =	vst v63  }
0x40: {  	_ =	swait.ge [sflag:s23], $0x280  }
0x41: {  	[sflag:s23] =	ssyncset.done $0x0  }
0x42: {  	s26 =	simm.s32 $0x6100;
	[sflag:s23] =	ssyncadd.s32 $0xFFFFFD80  }
0x43: {  	[tilespmem:s26], [sflag:$0x1] =	stream.linear.gather [spmem:s12], $0x280, $0x38;
	[tilespmem:$0xA200] =	vst v63  }
0x44: {  	_ =	swait.ge [sflag:s23], $0x280  }
0x45: {  	[sflag:s23] =	ssyncset.done $0x0  }
0x46: {  	s26 =	simm.s32 $0x6380;
	[sflag:s23] =	ssyncadd.s32 $0xFFFFFD80  }
0x47: {  	[tilespmem:s26], [sflag:$0x1] =	stream.linear.gather [spmem:s13], $0x280, $0x38;
	[tilespmem:$0xA200] =	vst v63  }
0x48: {  	_ =	swait.ge [sflag:s23], $0x280  }
0x49: {  	[sflag:s23] =	ssyncset.done $0x0  }
0x4a: {  	s26 =	simm.s32 $0x6600;
	[sflag:s23] =	ssyncadd.s32 $0xFFFFFD80  }
0x4b: {  	[tilespmem:s26], [sflag:$0x1] =	stream.linear.gather [spmem:s14], $0x280, $0x38;
	[tilespmem:$0xA200] =	vst v63  }
0x4c: {  	_ =	swait.ge [sflag:s23], $0x280  }
0x4d: {  	[sflag:s23] =	ssyncset.done $0x0  }
0x4e: {  	s26 =	simm.s32 $0x6880;
	[sflag:s23] =	ssyncadd.s32 $0xFFFFFD80  }
0x4f: {  	[tilespmem:s26], [sflag:$0x1] =	stream.linear.gather [spmem:s15], $0x280, $0x38;
	[tilespmem:$0xA200] =	vst v63  }
0x50: {  	_ =	swait.ge [sflag:s23], $0x280  }
0x51: {  	[sflag:s23] =	ssyncset.done $0x0  }
0x52: {  	s26 =	simm.s32 $0x6B00;
	[sflag:s23] =	ssyncadd.s32 $0xFFFFFD80  }
0x53: {  	[tilespmem:s26], [sflag:$0x1] =	stream.linear.gather [spmem:s16], $0x280, $0x38;
	[tilespmem:$0xA200] =	vst v63  }
0x54: {  	_ =	swait.ge [sflag:s23], $0x280  }
0x55: {  	[sflag:s23] =	ssyncset.done $0x0  }
0x56: {  	s26 =	simm.s32 $0x6D80;
	[sflag:s23] =	ssyncadd.s32 $0xFFFFFD80  }
0x57: {  	[tilespmem:s26], [sflag:$0x1] =	stream.linear.gather [spmem:s17], $0x280, $0x38;
	[tilespmem:$0xA200] =	vst v63  }
0x58: {  	_ =	swait.ge [sflag:s23], $0x280  }
0x59: {  	[sflag:s23] =	ssyncset.done $0x0  }
0x5a: {  	[sflag:s23] =	ssyncadd.s32 $0xFFFFFD80  }
0x5b: {  	[tilespmem:s29], [sflag:$0x1] =	stream.linear.gather [spmem:s18], $0x280, $0x38;
	[tilespmem:$0xA200] =	vst v63  }
0x5c: {  	_ =	swait.ge [sflag:s23], $0x280  }
0x5d: {  	[sflag:s23] =	ssyncset.done $0x0  }
0x5e: {  	[sflag:s23] =	ssyncadd.s32 $0xFFFFFD80  }
0x5f: {  	[tilespmem:s30], [sflag:$0x1] =	stream.linear.gather [spmem:s19], $0x280, $0x38;
	[tilespmem:$0xA200] =	vst v63  }
0x60: {  	_ =	swait.ge [sflag:s23], $0x280  }
0x61: {  	[sflag:s23] =	ssyncset.done $0x0  }
0x62: {  	[sflag:s23] =	ssyncadd.s32 $0xFFFFFD80  }
0x63: {  	[tilespmem:s31], [sflag:$0x1] =	stream.linear.gather [spmem:s20], $0x280, $0x38;
	[tilespmem:$0xA200] =	vst v63  }
0x64: {  	_ =	swait.ge [sflag:s23], $0x280  }
0x65: {  	s26 =	simm.s32 $0x0;
	[sflag:s23] =	ssyncset.done $0x0  }
0x66: {  	s25 =	sand.u32 $0x3F0, s26;
	[sflag:s23] =	ssyncadd.s32 $0xFFFFFD80  }
0x67: {  	v2 =	vld [tilespmem:s25+$0x5200]  }
0x68: {  	v3 =	vld [tilespmem:s2+$0x0];
	_ =	sdelay $0x1  }
0x69: {  	v4 =	vld [tilespmem:s25+$0x5480];
	_ =	sdelay $0x1  }
0x6a: {  	v5 =	vld [tilespmem:s25+$0x5700]  }
0x6b: {  	v2 =	vadd.f32 v2, v3  }
0x6c: {  	v3 =	vld [tilespmem:s25+$0x5980]  }
0x6d: {  	v2 =	vadd.f32 v4, v2  }
0x6e: {  	v56 =	vld [tilespmem:s25+$0x5C00]  }
0x6f: {  	v2 =	vadd.f32 v5, v2  }
0x70: {  	v57 =	vld [tilespmem:s25+$0x5E80]  }
0x71: {  	v2 =	vadd.f32 v3, v2  }
0x72: {  	v3 =	vld [tilespmem:s25+$0x6100]  }
0x73: {  	v2 =	vadd.f32 v56, v2  }
0x74: {  	v58 =	vld [tilespmem:s25+$0x6380]  }
0x75: {  	v2 =	vadd.f32 v57, v2  }
0x76: {  	v59 =	vld [tilespmem:s25+$0x6600]  }
0x77: {  	v2 =	vadd.f32 v3, v2  }
0x78: {  	v3 =	vld [tilespmem:s25+$0x6880]  }
0x79: {  	v2 =	vadd.f32 v58, v2  }
0x7a: {  	v60 =	vld [tilespmem:s25+$0x6B00]  }
0x7b: {  	v2 =	vadd.f32 v59, v2  }
0x7c: {  	v61 =	vld [tilespmem:s25+$0x6D80]  }
0x7d: {  	v2 =	vadd.f32 v3, v2  }
0x7e: {  	v3 =	vld [tilespmem:s25+$0x7000]  }
0x7f: {  	v2 =	vadd.f32 v60, v2  }
0x80: {  	v62 =	vld [tilespmem:s25+$0x7280]  }
0x81: {  	v2 =	vadd.f32 v61, v2  }
0x82: {  	v63 =	vld [tilespmem:s25+$0x7500]  }
0x83: {  	v2 =	vadd.f32 v3, v2;
	_ =	sdelay $0x1  }
0x84: {  	v2 =	vadd.f32 v62, v2;
	_ =	sdelay $0x1  }
0x85: {  	v2 =	vadd.f32 v63, v2  }
0x86: {  	s26 =	simm.s32 $0x10;
	s2 =	simm.s32 $0x7780  }
0x87: {  	s25 =	sand.u32 $0x3F0, s26;
	[tilespmem:s2+$0x0] =	vst v2  }
0x88: {  	s28 =	simm.s32 $0x20;
	s26 =	simm.s32 $0x4F90;
	v2 =	vld [tilespmem:s25+$0x5200]  }
.LBB2_6:
0x89: {  	p0 =	sne.s32 s28, $0x270;
	v3 =	vld [tilespmem:s26+$0x0];
	_ =	sdelay $0x1  }
0x8a: {  	v4 =	vld [tilespmem:s25+$0x5480];
	_ =	sdelay $0x1  }
0x8b: {  	v5 =	vld [tilespmem:s25+$0x5700]  }
0x8c: {  	v2 =	vadd.f32 v2, v3  }
0x8d: {  	v3 =	vld [tilespmem:s25+$0x5980]  }
0x8e: {  	v2 =	vadd.f32 v4, v2  }
0x8f: {  	v4 =	vld [tilespmem:s25+$0x5C00]  }
0x90: {  	v2 =	vadd.f32 v5, v2  }
0x91: {  	v5 =	vld [tilespmem:s25+$0x5E80]  }
0x92: {  	v2 =	vadd.f32 v3, v2  }
0x93: {  	v3 =	vld [tilespmem:s25+$0x6100]  }
0x94: {  	v2 =	vadd.f32 v4, v2  }
0x95: {  	v4 =	vld [tilespmem:s25+$0x6380]  }
0x96: {  	v2 =	vadd.f32 v5, v2  }
0x97: {  	v5 =	vld [tilespmem:s25+$0x6600]  }
0x98: {  	v2 =	vadd.f32 v3, v2  }
0x99: {  	v3 =	vld [tilespmem:s25+$0x6880]  }
0x9a: {  	v2 =	vadd.f32 v4, v2  }
0x9b: {  	v4 =	vld [tilespmem:s25+$0x6B00]  }
0x9c: {  	v2 =	vadd.f32 v5, v2  }
0x9d: {  	v5 =	vld [tilespmem:s25+$0x6D80]  }
0x9e: {  	v2 =	vadd.f32 v3, v2  }
0x9f: {  	v3 =	vld [tilespmem:s25+$0x7000]  }
0xa0: {  	v2 =	vadd.f32 v4, v2  }
0xa1: {  	v4 =	vld [tilespmem:s25+$0x7280]  }
0xa2: {  	v2 =	vadd.f32 v5, v2  }
0xa3: {  	v5 =	vld [tilespmem:s25+$0x7500]  }
0xa4: {  	v2 =	vadd.f32 v3, v2;
	_ =	sdelay $0x1  }
0xa5: {  	v2 =	vadd.f32 v4, v2  }
.Ltmp2:
0xa6: {  	(pc) =	sbr.rel @p0 .LBB2_6-.Ltmp2, $4  }
0xa7: {  	v2 =	vadd.f32 v5, v2  }
0xa8: {  	s2 =	sadd.s32 $0x10, s2  }
0xa9: {  	s25 =	sand.u32 $0x3F0, s28;
	[tilespmem:s2+$0x0] =	vst v2  }
0xaa: {  	s26 =	sadd.s32 $0x10, s26;
	s28 =	sadd.s32 $0x10, s28;
	v2 =	vld [tilespmem:s25+$0x5200]  }
0xab: {  	v3 =	vld [tilespmem:s26+$0x0];
	_ =	sdelay $0x1  }
0xac: {  	v4 =	vld [tilespmem:s25+$0x5480];
	_ =	sdelay $0x1  }
0xad: {  	v5 =	vld [tilespmem:s25+$0x5700]  }
0xae: {  	v2 =	vadd.f32 v2, v3  }
0xaf: {  	v3 =	vld [tilespmem:s25+$0x5980]  }
0xb0: {  	v2 =	vadd.f32 v4, v2  }
0xb1: {  	v56 =	vld [tilespmem:s25+$0x5C00]  }
0xb2: {  	v2 =	vadd.f32 v5, v2  }
0xb3: {  	v57 =	vld [tilespmem:s25+$0x5E80]  }
0xb4: {  	v2 =	vadd.f32 v3, v2  }
0xb5: {  	v3 =	vld [tilespmem:s25+$0x6100]  }
0xb6: {  	v2 =	vadd.f32 v56, v2  }
0xb7: {  	v58 =	vld [tilespmem:s25+$0x6380]  }
0xb8: {  	v2 =	vadd.f32 v57, v2  }
0xb9: {  	v59 =	vld [tilespmem:s25+$0x6600]  }
0xba: {  	v2 =	vadd.f32 v3, v2  }
0xbb: {  	v3 =	vld [tilespmem:s25+$0x6880]  }
0xbc: {  	v2 =	vadd.f32 v58, v2  }
0xbd: {  	v60 =	vld [tilespmem:s25+$0x6B00]  }
0xbe: {  	v2 =	vadd.f32 v59, v2  }
0xbf: {  	v61 =	vld [tilespmem:s25+$0x6D80]  }
0xc0: {  	v2 =	vadd.f32 v3, v2  }
0xc1: {  	v3 =	vld [tilespmem:s25+$0x7000]  }
0xc2: {  	v2 =	vadd.f32 v60, v2  }
0xc3: {  	v62 =	vld [tilespmem:s25+$0x7280]  }
0xc4: {  	v2 =	vadd.f32 v61, v2  }
0xc5: {  	v63 =	vld [tilespmem:s25+$0x7500]  }
0xc6: {  	v2 =	vadd.f32 v3, v2;
	_ =	sdelay $0x1  }
0xc7: {  	v2 =	vadd.f32 v62, v2;
	_ =	sdelay $0x1  }
0xc8: {  	s0 =	sadd.s32 $0x1, s0;
	v2 =	vadd.f32 v63, v2  }
0xc9: {  	s2 =	sadd.s32 $0x10, s2;
	p0 =	sne.s32 s0, s22  }
.Ltmp3:
0xca: {  	s28 =	simm.s32 $0x0;
	[tilespmem:s2+$0x0] =	vst v2;
	(pc) =	sbr.rel @p0 .LBB2_1-.Ltmp3, $4  }
0xcb: {  	[hbm4b:s21+s28] =	stream.linear.scatter [tilespmem:s1], [sflag:$0x1], $0x280, $0x38;
	[tilespmem:$0xA200] =	vst v63  }
0xcc: {  	_ =	swait.ge [sflag:s23], $0x280  }
0xcd: {  	[sflag:s23] =	ssyncset.done $0x0  }
0xce: {  	[sflag:s23] =	ssyncadd.s32 $0xFFFFFD80  }
0xcf: {  	_ =	sfence.sel $0x180000  }
0xd0: {  	[bflag:$0x0] =	sbarrier.arrive $0xFFFF  }
0xd1: {  	_ =	strace $0x90000047  }
0xd2: {  	s0 =	stileid.u32;
	[bflag:$0x2] =	sbarrier.arrive $0xFFFF  }
0xd3: {  	p0 =	sne.s32 s0, $0x0;
	s0 =	rddreg [dreg:$0x3]  }
0xd4: {  	s0 =	sadd.s32 @!p0 $0x100000, s0  }
0xd5: {  	[sflag:s0] =	ssyncadd.tile.s32 @!p0 $0x1;
	_ =	shalt  }
.Lfunc_end2:
_tile_overlayer_lowered:
.L_overlay_start_2:
0xd6: {  	(tag) =	ssettag $0x2  }
0xd7: {  	s0 =	rddreg [dreg:$0x0];
	s2 =	stileid.u32  }
0xd8: {  	s1 =	rddreg [dreg:$0x1];
	p0 =	sne.s32 s2, $0x0  }
0xd9: {  	s3 =	rddreg [dreg:$0x2];
	[bflag:$0x3] =	sbarrier.arrive $0xFFFF;
	s2 =	simm.s32 @!p0 $0x1C01  }
0xda: {  	[timem:s3], [sflag:s2] =	dma.local @!p0 [hbm:s0], s1  }
0xdb: {  	s0 =	simm.s32 @!p0 $0x1  }
0xdc: {  	_ =	swait.ge @!p0 [sflag:s0], s1  }
0xdd: {  	s1 =	ssub.s32 @!p0 $0x0, s1;
	[sflag:s0] =	ssyncset.done @!p0 $0x0  }
0xde: {  	[sflag:s0] =	ssyncadd.s32 @!p0 s1  }
0xdf: {  	[bflag:$0x3] =	sbarrier.arrive $0xFFFF  }
0xe0: {  	_ =	shalt  }

// kernel: kernel.9.cloned.1.call-start
scs
__scs_entry_jumppad:
0x0: {  	(pc) =	sbr.rel $0x88, $3  }
0x1: {  	(tag) =	ssettag $0x0;
	lr =	simm.s32 $0x1  }
0x2: {  	[smem:$0x3F9B] =	sst lr;
	_ =	strace $0xD0000000  }
0x3: {  	_ = 	snop  }
0x4: {  	_ = 	snop  }
0x5: {  	_ = 	snop  }
0x6: {  	_ = 	snop  }
0x7: {  	_ = 	snop  }
__scs_overlays_trampoline_lowered:
0x8: {  	[smem:$0x3FAA] =	sst s0  }
0x9: {  	[smem:$0x3FAB] =	sst s1  }
0xa: {  	[smem:$0x3FAC] =	sst s2  }
0xb: {  	[smem:$0x3FAD] =	sst s3  }
0xc: {  	[smem:$0x3FAE] =	sst s4  }
0xd: {  	[smem:$0x3FAF] =	sst s5  }
0xe: {  	[smem:$0x3FB0] =	sst s6  }
0xf: {  	[smem:$0x3FB1] =	sst s7  }
0x10: {  	[smem:$0x3FB2] =	sst s8  }
0x11: {  	[smem:$0x3FB3] =	sst s9;
	s0 =	simm.s32 @!p0 $0x0  }
0x12: {  	s1 =	sld [smem:$0x3F99];
	s0 =	simm.s32 @p0 $0x1  }
0x13: {  	[smem:$0x3FB4] =	sst s0;
	s0 =	simm.s32 @!p1 $0x0  }
0x14: {  	s2 =	sld [smem:$0x3F98];
	s0 =	simm.s32 @p1 $0x1  }
0x15: {  	[smem:$0x3FB5] =	sst s0;
	s0 =	simm.s32 @!p2 $0x0  }
0x16: {  	s3 =	sld [smem:$0x3FDB];
	s0 =	simm.s32 @p2 $0x1  }
0x17: {  	s4 =	simm.s32 $0x1BF5;
	[smem:$0x3FB7] =	sst s0  }
0x18: {  	s0 =	sld [smem:$0x3F9A];
	_ =	swait.ge [sflag:s4], $0x0  }
0x19: {  	s7 =	sld [smem:$0x3F9B]  }
0x1a: {  	s8 =	sadd.s32 $0xFFFFE003, lr  }
0x1b: {  	s9 =	sadd.s32 $0xFFFFFEF7, lr;
	s5 =	simm.s32 $0xFFFFFFFF;
	p2 =	slt.u32 s8, $0xFFFFF086  }
0x1c: {  	p1 =	slt.u32 s9, $0xF7A;
	s5 =	simm.s32 @!p2 $0x0  }
0x1d: {  	s5 =	simm.s32 @p1 $0x1;
	p0 =	seq.s32 s7, s2  }
0x1e: {  	s7 =	smul.u32 @!p0 $0xF7A, s2;
	p2 =	seq.s32 @!p0 s5, $0x0  }
0x1f: {  	s9 =	smul.u32 $0xF7A, s1;
	s8 =	simm.s32 @!p0 $0x1BF5;
	p2 =	por !p2, p0  }
0x20: {  	[sflag:s8] =	ssyncset.s32 @!p0 $0xFFFFF086;
	s6 =	sadd.s32 @!p0 s3, s7;
	s7 =	simm.s32 @!p0 $0x108  }
0x21: {  	s3 =	sadd.s32 s3, s9;
	s6 =	sadd.s32 @!p0 $0x88, s6;
	s7 =	simm.s32 @p2 $0x1082  }
0x22: {  	[simem:s7], [sflag:s8] =	dma.local @!p0 [hbm:s6], $0xF7A  }
0x23: {  	s9 =	sor.u32 $0xD0000000, s2;
	s6 =	simm.s32 $0x108;
	_ =	swait.ge @!p0 [sflag:s8], $0x0  }
0x24: {  	s3 =	sadd.s32 $0x88, s3;
	s6 =	simm.s32 @!p1 $0x1082;
	[sflag:s4] =	ssyncset.s32 $0xFFFFF086  }
0x25: {  	[simem:s6], [sflag:s4] =	dma.local [hbm:s3], $0xF7A  }
0x26: {  	[smem:$0x3F9B] =	sst s1;
	(tag) =	ssettag s2;
	_ =	strace s9  }
0x27: {  	s1 =	sld [smem:$0x3FAB]  }
0x28: {  	s2 =	sld [smem:$0x3FAC]  }
0x29: {  	s4 =	sld [smem:$0x3FAE]  }
0x2a: {  	p0 =	seq.s32 s5, $0x0;
	s5 =	sld [smem:$0x3FAF]  }
0x2b: {  	s6 =	sld [smem:$0x3FB0]  }
0x2c: {  	s7 =	sld [smem:$0x3FB1]  }
0x2d: {  	s3 =	simm.s32 $0x108;
	s8 =	sld [smem:$0x3FB2]  }
0x2e: {  	s3 =	simm.s32 @!p0 $0x1082;
	s9 =	sld [smem:$0x3FB3]  }
0x2f: {  	lr =	sadd.s32 s0, s3;
	s0 =	sld [smem:$0x3FAA]  }
0x30: {  	s3 =	sld [smem:$0x3FAD]  }
0x31: {  	[smem:$0x3FB6] =	sst s10  }
0x32: {  	s10 =	sld [smem:$0x3FB4];
	_ =	sdelay $0x3  }
0x33: {  	p0 =	seq.s32 s10, $0x1;
	s10 =	sld [smem:$0x3FB6];
	_ =	sdelay $0x3  }
0x34: {  	[smem:$0x3FB6] =	sst s10  }
0x35: {  	s10 =	sld [smem:$0x3FB5];
	_ =	sdelay $0x3  }
0x36: {  	p1 =	seq.s32 s10, $0x1;
	s10 =	sld [smem:$0x3FB6];
	_ =	sdelay $0x3  }
0x37: {  	[smem:$0x3FB6] =	sst s10  }
0x38: {  	s10 =	sld [smem:$0x3FB7]  }
0x39: {  	_ = 	snop;
	(pc) =	sbr.ind lr, $3  }
0x3a: {  	_ = 	snop  }
0x3b: {  	_ = 	snop  }
0x3c: {  	p2 =	seq.s32 s10, $0x1;
	s10 =	sld [smem:$0x3FB6]  }
0x3d: {  	_ =	shalt  }
0x3e: {  	_ =	shalt  }
0x3f: {  	_ =	shalt  }
0x40: {  	_ =	shalt  }
0x41: {  	_ =	shalt  }
0x42: {  	_ =	shalt  }
0x43: {  	_ =	shalt  }
0x44: {  	_ =	shalt  }
0x45: {  	_ =	shalt  }
0x46: {  	_ =	shalt  }
0x47: {  	_ =	shalt  }
0x48: {  	_ =	shalt  }
0x49: {  	_ =	shalt  }
0x4a: {  	_ =	shalt  }
0x4b: {  	_ =	shalt  }
0x4c: {  	_ =	shalt  }
0x4d: {  	_ =	shalt  }
0x4e: {  	_ =	shalt  }
0x4f: {  	_ =	shalt  }
0x50: {  	_ =	shalt  }
0x51: {  	_ =	shalt  }
0x52: {  	_ =	shalt  }
0x53: {  	_ =	shalt  }
0x54: {  	_ =	shalt  }
0x55: {  	_ =	shalt  }
0x56: {  	_ =	shalt  }
0x57: {  	_ =	shalt  }
0x58: {  	_ =	shalt  }
0x59: {  	_ =	shalt  }
0x5a: {  	_ =	shalt  }
0x5b: {  	_ =	shalt  }
0x5c: {  	_ =	shalt  }
0x5d: {  	_ =	shalt  }
0x5e: {  	_ =	shalt  }
0x5f: {  	_ =	shalt  }
0x60: {  	_ =	shalt  }
0x61: {  	_ =	shalt  }
0x62: {  	_ =	shalt  }
0x63: {  	_ =	shalt  }
0x64: {  	_ =	shalt  }
0x65: {  	_ =	shalt  }
0x66: {  	_ =	shalt  }
0x67: {  	_ =	shalt  }
0x68: {  	_ =	shalt  }
0x69: {  	_ =	shalt  }
0x6a: {  	_ =	shalt  }
0x6b: {  	_ =	shalt  }
0x6c: {  	_ =	shalt  }
0x6d: {  	_ =	shalt  }
0x6e: {  	_ =	shalt  }
0x6f: {  	_ =	shalt  }
0x70: {  	_ =	shalt  }
0x71: {  	_ =	shalt  }
0x72: {  	_ =	shalt  }
0x73: {  	_ =	shalt  }
0x74: {  	_ =	shalt  }
0x75: {  	_ =	shalt  }
0x76: {  	_ =	shalt  }
0x77: {  	_ =	shalt  }
0x78: {  	_ =	shalt  }
0x79: {  	_ =	shalt  }
0x7a: {  	_ =	shalt  }
0x7b: {  	_ =	shalt  }
0x7c: {  	_ =	shalt  }
0x7d: {  	_ =	shalt  }
0x7e: {  	_ =	shalt  }
0x7f: {  	_ =	shalt  }
0x80: {  	_ =	shalt  }
0x81: {  	_ =	shalt  }
0x82: {  	_ =	shalt  }
0x83: {  	_ =	shalt  }
0x84: {  	_ =	shalt  }
0x85: {  	_ =	shalt  }
0x86: {  	_ =	shalt  }
0x87: {  	_ =	shalt  }
.Lfunc_end0:
.L_simem_size_0:
called_computation.1_lowered:
.L_overlay_start_0:
0x88: {  	s2 =	sld [smem:$0x3FD9]  }
0x89: {  	s3 =	sld [smem:$0x3FFE];
	_ =	sdelay $0x1  }
0x8a: {  	s1 =	srdreg.scid  }
0x8b: {  	s0 =	sand.u32 $0x1, s1  }
0x8c: {  	s17 =	sshll.u32 s0, $0xA;
	s2 =	sadd.s32 s3, s2  }
0x8d: {  	s2 =	sadd.s32 s2, s17  }
0x8e: {  	[smem:$0x3FC2] =	sst s2  }
0x8f: {  	_ = 	snop  }
0x90: {  	s2 =	sld [smem:$0x3FD0];
	(tm) =	ssettm $0x1  }
0x91: {  	s18 =	sld [smem:$0x3FFB];
	_ =	sdelay $0x3  }
0x92: {  	_ =	strace s18  }
0x93: {  	s3 =	sld [smem:$0x3FFC];
	_ =	sdelay $0x3  }
0x94: {  	_ =	strace s3  }
0x95: {  	s3 =	sld [smem:$0x3FFD];
	_ =	sdelay $0x3  }
0x96: {  	_ =	strace s3  }
0x97: {  	_ =	strace $0x8FFFFFFF  }
0x98: {  	s19 =	sld [smem:$0x3FDB];
	_ =	sdelay $0x1  }
0x99: {  	s4 =	simm.s32 $_scs_section_size  }
0x9a: {  	s5 =	simm.s32 $_size__tile_overlayer_lowered;
	s6 =	simm.s32 $_tile_overlayer_lowered  }
0x9b: {  	s22 =	simm.s32 $0x1BFF;
	s21 =	sshll.u32 s6, $0x1;
	s3 =	sadd.s32 s4, s19  }
0x9c: {  	s7 =	simm.s32 $0x0;
	s20 =	sshll.u32 s5, $0x1;
	s5 =	sadd.s32 s21, s3  }
0x9d: {  	[timem:s7], [sflag:s22] =	dma.local [hbm:s5], s20  }
0x9e: {  	_ =	swait.ge [sflag:s22], s20  }
0x9f: {  	s4 =	ssub.s32 $0x0, s20;
	[sflag:s22] =	ssyncset.done $0x0  }
0xa0: {  	[sflag:s22] =	ssyncadd.s32 s4;
	_ =	sdelay $0x1  }
0xa1: {  	s23 =	simm.s32 $0x1B8B  }
0xa2: {  	_ =	swait.ge [sflag:s23], $0x1  }
0xa3: {  	[sflag:s23] =	ssyncset.done $0x0  }
0xa4: {  	s25 =	simm.s32 $0x1B8E;
	s24 =	sld [smem:$0x3FFE];
	[sflag:s23] =	ssyncadd.s32 $0xFFFFFFFF  }
0xa5: {  	s26 =	simm.s32 $execute0_lowered;
	[smem:$0x3FD2] =	sst s25  }
0xa6: {  	s5 =	sshll.u32 s26, $0x1;
	_ =	strace $0x80000049;
	[dreg:$0x1] =	wrdreg $0xFFFFFFFF  }
0xa7: {  	s28 =	simm.s32 $_size_execute0_lowered;
	s3 =	sadd.s32 s3, s5;
	[dreg:$0x0] =	wrdreg $0x0  }
0xa8: {  	s5 =	sshll.u32 s28, $0x1;
	[dreg:$0x2] =	wrdreg s3  }
0xa9: {  	[dreg:$0x3] =	wrdreg s5  }
0xaa: {  	[dreg:$0x4] =	wrdreg $0xC0  }
0xab: {  	_ =	task [dreg:s7], $0x5FFFF  }
0xac: {  	[dreg:$0x1] =	wrdreg $0xFFFFFFFF  }
0xad: {  	[dreg:$0x0] =	wrdreg $0x60  }
0xae: {  	[dreg:$0x2] =	wrdreg s2  }
0xaf: {  	[dreg:$0x3] =	wrdreg s24  }
0xb0: {  	[dreg:$0x4] =	wrdreg $0xB4000  }
0xb1: {  	[dreg:$0x5] =	wrdreg $0x9  }
0xb2: {  	_ =	task.clear_ibuf [dreg:s7], $0x6FFFF;
	_ =	strace $0x90000049  }
0xb3: {  	s29 =	simm.s32 $0x9;
	_ =	strace $0x8000004B  }
0xb4: {  	_ =	swait.ge [sflag:s29], $0x1  }
0xb5: {  	[sflag:s29] =	ssyncadd.s32 $0xFFFFFFFF  }
0xb6: {  	_ =	strace $0x9000004B  }
0xb7: {  	_ =	sfence  }
0xb8: {  	s30 =	sld [smem:$0x0];
	_ =	sdelay $0x2  }
0xb9: {  	s31 =	sshll.u32 s1, $0xD;
	s1 =	sshrl.u32 s1, $0x2  }
0xba: {  	s3 =	sand.u32 $0x4000, s31;
	s1 =	sadd.s32 s1, s30  }
0xbb: {  	s0 =	sor.u32 s3, s0;
	s1 =	sshll.u32 s1, $0x11  }
0xbc: {  	s0 =	sor.u32 s1, s0  }
0xbd: {  	s0 =	sadd.s32 $0x8F2B, s0  }
0xbe: {  	[sflag:s0] =	ssyncadd.remote.s32 $0x1  }
0xbf: {  	_ =	sfence.sel $0xFFFF  }
0xc0: {  	[dreg:$0x0] =	wrdreg $0xFFFFFFFF;
	(pc) =	sbr.abs _section_cstart, $3  }
0xc1: {  	[dreg:$0x1] =	wrdreg $0xFFFFFFFF  }
0xc2: {  	_ =	task.clear_ibuf [dreg:s7], $0x2FFFF;
	_ =	strace $0x9FFFFFFF  }
0xc3: {  	(tm) =	ssettm $0x7FFFFFFF  }
tec
execute0_lowered:
.L_overlay_start_1:
0x0: {  	(tag) =	ssettag $0x1  }
0x1: {  	s1 =	rddreg [dreg:$0x0];
	s0 =	srdreg.scid  }
0x2: {  	s2 =	rddreg [dreg:$0x1];
	s11 =	stileid.u32  }
0x3: {  	s3 =	rddreg [dreg:$0x2];
	s4 =	simm.s32 $0x0;
	s6 =	smul.u32 $0x14000, s11  }
0x4: {  	s28 =	simm.s32 $0x5400;
	s0 =	sand.u32 $0x1, s0;
	s10 =	smul.u32 $0x50000, s11  }
0x5: {  	s29 =	simm.s32 $0x8;
	s30 =	simm.s32 $0x7C00;
	s5 =	smul.u32 $0x140000, s0  }
0x6: {  	s31 =	simm.s32 $0x1;
	[smem:$0x7FF] =	sst s4;
	s7 =	sadd.s32 $0x11A00, s2  }
0x7: {  	s8 =	sadd.s32 $0x2000, s2;
	s5 =	sadd.s32 s6, s5;
	s6 =	sshrl.u32 s10, $0x2  }
0x8: {  	s25 =	smul.u32 $0x7D0, s11;
	_ =	strace $0x8000004A;
	s22 =	sadd.s32 s6, s3  }
0x9: {  	s12 =	ssub.s32 $0x2, s0;
	s6 =	sadd.s32 $0x1000, s22;
	[dreg:$0x4] =	wrdreg s22  }
0xa: {  	s9 =	sshll.u32 s0, $0x4;
	s14 =	sadd.s32 $0x2000, s22;
	[dreg:$0x5] =	wrdreg s6  }
0xb: {  	s9 =	sor.u32 s11, s9;
	s15 =	sadd.s32 $0x3000, s22;
	[dreg:$0x6] =	wrdreg s14  }
0xc: {  	s13 =	smul.u32 $0x3E80, s9;
	s16 =	sadd.s32 $0x4000, s22;
	[dreg:$0x7] =	wrdreg s15  }
0xd: {  	s9 =	smul.u32 $0x7D0, s9;
	s17 =	sadd.s32 $0x5000, s22;
	[dreg:$0x8] =	wrdreg s16  }
0xe: {  	s0 =	smul.u32 $0x7D00, s0;
	s18 =	sadd.s32 $0x6000, s22;
	[dreg:$0x9] =	wrdreg s17  }
0xf: {  	s10 =	sshrl.u32 s12, $0x1;
	s19 =	sadd.s32 s7, s9;
	[dreg:$0xa] =	wrdreg s18  }
0x10: {  	s5 =	sshrl.u32 s5, $0x3;
	s9 =	sadd.s32 s8, s9;
	[dreg:$0xb] =	wrdreg s19  }
0x11: {  	s2 =	sadd.s32 s5, s2;
	s11 =	sadd.s32 $0x7000, s22;
	[dreg:$0xc] =	wrdreg s9  }
0x12: {  	s5 =	ssub.s32 s12, s10;
	s12 =	sadd.s32 $0x8000, s22;
	[dreg:$0x13] =	wrdreg s11  }
0x13: {  	s6 =	sshrl.u32 s13, $0x3;
	[dreg:$0x16] =	wrdreg s12;
	s13 =	sadd.s32 $0x21400, s2  }
0x14: {  	s14 =	smax.u32 s5, $0x1;
	s15 =	sadd.s32 $0x9000, s22;
	[dreg:$0x17] =	wrdreg s13  }
0x15: {  	s16 =	sadd.s32 $0xA000, s22;
	s17 =	sadd.s32 $0xB000, s22;
	[dreg:$0x18] =	wrdreg s14  }
0x16: {  	s18 =	sadd.s32 $0xC000, s22;
	s19 =	sadd.s32 $0xD000, s22;
	[dreg:$0x19] =	wrdreg s15  }
0x17: {  	s11 =	simm.s32 $0xD;
	s12 =	simm.s32 $0x200;
	[dreg:$0x1a] =	wrdreg s16  }
0x18: {  	s2 =	simm.s32 $0x9;
	s5 =	simm.s32 $0xC;
	[dreg:$0x1b] =	wrdreg s17  }
0x19: {  	s20 =	sadd.s32 $0x10, s6;
	s23 =	sadd.s32 $0x20, s6;
	[dreg:$0x1c] =	wrdreg s18  }
0x1a: {  	s6 =	sadd.s32 $0x30, s6;
	[dreg:$0x1d] =	wrdreg s19;
	s21 =	sadd.s32 s7, s20  }
0x1b: {  	s15 =	simm.s32 $0x280;
	s10 =	sadd.s32 s8, s20;
	[dreg:$0xd] =	wrdreg s21  }
0x1c: {  	s16 =	simm.s32 $0x300;
	s24 =	sadd.s32 s7, s23;
	[dreg:$0xe] =	wrdreg s10  }
0x1d: {  	s18 =	simm.s32 $0x380;
	s9 =	sadd.s32 s8, s23;
	[dreg:$0xf] =	wrdreg s24  }
0x1e: {  	s19 =	simm.s32 $0x5;
	s26 =	sadd.s32 s7, s6;
	[dreg:$0x10] =	wrdreg s9  }
0x1f: {  	s13 =	simm.s32 $0x0;
	s6 =	sadd.s32 s8, s6;
	[dreg:$0x11] =	wrdreg s26  }
0x20: {  	s20 =	sadd.s32 $0xE000, s22;
	s23 =	sadd.s32 $0x10000, s22;
	[dreg:$0x12] =	wrdreg s6  }
0x21: {  	s10 =	sadd.s32 s0, s8;
	s0 =	sadd.s32 s0, s7;
	[dreg:$0x1e] =	wrdreg s20  }
0x22: {  	s21 =	sadd.s32 $0xF000, s22;
	[smem:$0x7FA] =	sst s23;
	s24 =	sadd.s32 $0x11000, s22  }
0x23: {  	s26 =	sadd.s32 $0x13000, s22;
	s20 =	simm.s32 $0x50;
	[dreg:$0x1f] =	wrdreg s21  }
0x24: {  	s23 =	simm.s32 $0x400;
	s7 =	simm.s32 $0x3;
	[smem:$0x7FB] =	sst s24  }
.Ltmp0:
0x25: {  	s6 =	sadd.s32 s25, s10;
	[smem:$0x7FD] =	sst s26;
	(pc) =	sbr.rel .LBB2_1-.Ltmp0, $4  }
0x26: {  	s8 =	simm.s32 $0xB;
	s0 =	sadd.s32 s25, s0;
	[dreg:$0x14] =	wrdreg s6  }
0x27: {  	s9 =	simm.s32 $0x4;
	s25 =	sadd.s32 $0x12000, s22;
	[dreg:$0x15] =	wrdreg s0  }
0x28: {  	s24 =	simm.s32 $0x6;
	s26 =	simm.s32 $0x7;
	[smem:$0x7FC] =	sst s25  }
0x29: {  	v0 =	vimm.f32 $0.0e+00;
	s25 =	simm.s32 $0x2C00;
	s0 =	simm.s32 $0x2;
	s6 =	simm.s32 $0xA  }
.LBB2_6:
0x2a: {  	_ =	swait.ge [sflag:s6], $0x80  }
0x2b: {  	[sflag:s6] =	ssyncset.done $0x0  }
0x2c: {  	[sflag:s6] =	ssyncadd.s32 $0xFFFFFF80  }
0x2d: {  	[spmem:s3] =	stream.indirect.scatter.add.f32 [tilespmem:s25], [sflag:$0xD], $0x80, s15, s20, $0xb8;
	[tilespmem:$0x1F400] =	vst v63  }
0x2e: {  	_ =	swait.ge [sflag:s11], $0x2800  }
0x2f: {  	[sflag:s11] =	ssyncset.done $0x0  }
0x30: {  	[sflag:s11] =	ssyncadd.s32 $0xFFFFD800  }
0x31: {  	_ =	swait.ge [sflag:s7], $0x2800  }
0x32: {  	[sflag:s7] =	ssyncset.done $0x0  }
0x33: {  	[sflag:s7] =	ssyncadd.s32 $0xFFFFD800  }
0x34: {  	_ =	swait.ge [sflag:s8], $0x80  }
0x35: {  	[sflag:s8] =	ssyncset.done $0x0  }
0x36: {  	[sflag:s8] =	ssyncadd.s32 $0xFFFFFF80  }
0x37: {  	[spmem:s3] =	stream.indirect.scatter.add.f32 [tilespmem:s28], [sflag:$0xD], $0x80, s16, s20, $0xb8;
	[tilespmem:$0x1F400] =	vst v63  }
0x38: {  	_ =	swait.ge [sflag:s11], $0x2800  }
0x39: {  	[sflag:s11] =	ssyncset.done $0x0  }
0x3a: {  	[sflag:s11] =	ssyncadd.s32 $0xFFFFD800  }
0x3b: {  	_ =	swait.ge [sflag:s9], $0x2800  }
0x3c: {  	[sflag:s9] =	ssyncset.done $0x0  }
0x3d: {  	[sflag:s9] =	ssyncadd.s32 $0xFFFFD800  }
0x3e: {  	_ =	swait.ge [sflag:s5], $0x80  }
0x3f: {  	[sflag:s5] =	ssyncset.done $0x0  }
0x40: {  	[sflag:s5] =	ssyncadd.s32 $0xFFFFFF80  }
0x41: {  	[spmem:s3] =	stream.indirect.scatter.add.f32 [tilespmem:s30], [sflag:$0xD], $0x80, s18, s20, $0xb8;
	[tilespmem:$0x1F400] =	vst v63  }
0x42: {  	_ =	swait.ge [sflag:s11], $0x2800  }
0x43: {  	[sflag:s11] =	ssyncset.done $0x0  }
0x44: {  	[sflag:s11] =	ssyncadd.s32 $0xFFFFD800  }
0x45: {  	_ =	swait.ge [sflag:s31], $0x2800  }
0x46: {  	[sflag:s31] =	ssyncset.done $0x0  }
0x47: {  	[sflag:s31] =	ssyncadd.s32 $0xFFFFD800  }
0x48: {  	_ =	swait.ge [sflag:s2], $0x80  }
0x49: {  	[sflag:s2] =	ssyncset.done $0x0  }
0x4a: {  	[sflag:s2] =	ssyncadd.s32 $0xFFFFFF80  }
0x4b: {  	[spmem:s3] =	stream.indirect.scatter.add.f32 [tilespmem:s23], [sflag:$0xD], $0x80, s12, s20, $0xb8;
	[tilespmem:$0x1F400] =	vst v63  }
0x4c: {  	_ =	swait.ge [sflag:s11], $0x2800  }
0x4d: {  	[sflag:s11] =	ssyncset.done $0x0  }
0x4e: {  	[sflag:s11] =	ssyncadd.s32 $0xFFFFD800  }
0x4f: {  	s10 =	stileid.u32;
	[bflag:$0x0] =	sbarrier.arrive $0xFFFF  }
0x50: {  	s10 =	sshll.u32 s10, $0x6;
	s22 =	rddreg [dreg:$0x4]  }
0x51: {  	s10 =	sor.u32 $0x1C0D, s10;
	s21 =	rddreg [dreg:$0x17];
	s13 =	sshrl.u32 s22, $0x3  }
0x52: {  	[hbm:s21], [sflag:s10] =	dma.local [spmem:s13], $0x2800  }
0x53: {  	_ =	swait.ge [sflag:s11], $0x2800  }
0x54: {  	s17 =	sld [smem:$0x7F9];
	_ =	sdelay $0x2  }
0x55: {  	s21 =	rddreg [dreg:$0x18];
	s13 =	sadd.s32 $0x1, s17  }
0x56: {  	p0 =	sne.s32 s13, s21  }
.Ltmp1:
0x57: {  	_ = 	snop;
	(pc) =	sbr.rel @!p0 .LBB2_7-.Ltmp1, $3  }
0x58: {  	_ =	sdelay $0x1  }
0x59: {  	[sflag:s11] =	ssyncset.done $0x0  }
0x5a: {  	[sflag:s11] =	ssyncadd.s32 $0xFFFFD800  }
.LBB2_1:
0x5b: {  	[smem:$0x7F9] =	sst s13;
	s10 =	simm.s32 $0x0;
	s21 =	simm.s32 $0x200  }
.LBB2_2:
0x5c: {  	p0 =	sne.s32 s21, $0x3E00;
	[tilespmem:s10+$0xA470] =	vst v0  }
0x5d: {  	[tilespmem:s10+$0xA400] =	vst v0  }
0x5e: {  	[tilespmem:s10+$0xA410] =	vst v0  }
.Ltmp2:
0x5f: {  	[tilespmem:s10+$0xA420] =	vst v0;
	(pc) =	sbr.rel @p0 .LBB2_2-.Ltmp2, $4  }
0x60: {  	[tilespmem:s10+$0xA430] =	vst v0  }
0x61: {  	[tilespmem:s10+$0xA440] =	vst v0  }
0x62: {  	[tilespmem:s10+$0xA450] =	vst v0  }
0x63: {  	[tilespmem:s10+$0xA460] =	vst v0;
	s10 =	sshra.s32 s21, $0x2;
	s21 =	sadd.s32 $0x200, s21  }
0x64: {  	[tilespmem:s10+$0xA470] =	vst v0  }
0x65: {  	[tilespmem:s10+$0xA400] =	vst v0  }
0x66: {  	[tilespmem:s10+$0xA410] =	vst v0  }
0x67: {  	[tilespmem:s10+$0xA420] =	vst v0  }
0x68: {  	[tilespmem:s10+$0xA430] =	vst v0  }
0x69: {  	[tilespmem:s10+$0xA440] =	vst v0  }
0x6a: {  	[tilespmem:s10+$0xA450] =	vst v0  }
0x6b: {  	[tilespmem:s10+$0xA460] =	vst v0;
	s13 =	simm.s32 $0xA400  }
0x6c: {  	[spmem:s22] =	stream.linear.scatter [tilespmem:s13], [sflag:$0xD], $0x1000, $0x38;
	[tilespmem:$0x1F400] =	vst v63  }
0x6d: {  	_ =	swait.ge [sflag:s11], $0x1000  }
0x6e: {  	[sflag:s11] =	ssyncset.done $0x0  }
0x6f: {  	s22 =	rddreg [dreg:$0x5];
	[sflag:s11] =	ssyncadd.s32 $0xFFFFF000  }
0x70: {  	[spmem:s22] =	stream.linear.scatter [tilespmem:s13], [sflag:$0xD], $0x1000, $0x38;
	[tilespmem:$0x1F400] =	vst v63  }
0x71: {  	_ =	swait.ge [sflag:s11], $0x1000  }
0x72: {  	[sflag:s11] =	ssyncset.done $0x0  }
0x73: {  	s14 =	rddreg [dreg:$0x6];
	[sflag:s11] =	ssyncadd.s32 $0xFFFFF000  }
0x74: {  	[spmem:s14] =	stream.linear.scatter [tilespmem:s13], [sflag:$0xD], $0x1000, $0x38;
	[tilespmem:$0x1F400] =	vst v63  }
0x75: {  	_ =	swait.ge [sflag:s11], $0x1000  }
0x76: {  	[sflag:s11] =	ssyncset.done $0x0  }
0x77: {  	s17 =	rddreg [dreg:$0x7];
	[sflag:s11] =	ssyncadd.s32 $0xFFFFF000  }
0x78: {  	[spmem:s17] =	stream.linear.scatter [tilespmem:s13], [sflag:$0xD], $0x1000, $0x38;
	[tilespmem:$0x1F400] =	vst v63  }
0x79: {  	_ =	swait.ge [sflag:s11], $0x1000  }
0x7a: {  	[sflag:s11] =	ssyncset.done $0x0  }
0x7b: {  	s21 =	rddreg [dreg:$0x8];
	[sflag:s11] =	ssyncadd.s32 $0xFFFFF000  }
0x7c: {  	[spmem:s21] =	stream.linear.scatter [tilespmem:s13], [sflag:$0xD], $0x1000, $0x38;
	[tilespmem:$0x1F400] =	vst v63  }
0x7d: {  	_ =	swait.ge [sflag:s11], $0x1000  }
0x7e: {  	[sflag:s11] =	ssyncset.done $0x0  }
0x7f: {  	s22 =	rddreg [dreg:$0x9];
	[sflag:s11] =	ssyncadd.s32 $0xFFFFF000  }
0x80: {  	[spmem:s22] =	stream.linear.scatter [tilespmem:s13], [sflag:$0xD], $0x1000, $0x38;
	[tilespmem:$0x1F400] =	vst v63  }
0x81: {  	_ =	swait.ge [sflag:s11], $0x1000  }
0x82: {  	[sflag:s11] =	ssyncset.done $0x0  }
0x83: {  	s14 =	rddreg [dreg:$0xa];
	[sflag:s11] =	ssyncadd.s32 $0xFFFFF000  }
0x84: {  	[spmem:s14] =	stream.linear.scatter [tilespmem:s13], [sflag:$0xD], $0x1000, $0x38;
	[tilespmem:$0x1F400] =	vst v63  }
0x85: {  	_ =	swait.ge [sflag:s11], $0x1000  }
0x86: {  	[sflag:s11] =	ssyncset.done $0x0  }
0x87: {  	s17 =	rddreg [dreg:$0x13];
	[sflag:s11] =	ssyncadd.s32 $0xFFFFF000  }
0x88: {  	[spmem:s17] =	stream.linear.scatter [tilespmem:s13], [sflag:$0xD], $0x1000, $0x38;
	[tilespmem:$0x1F400] =	vst v63  }
0x89: {  	_ =	swait.ge [sflag:s11], $0x1000  }
0x8a: {  	[sflag:s11] =	ssyncset.done $0x0  }
0x8b: {  	s21 =	rddreg [dreg:$0x16];
	[sflag:s11] =	ssyncadd.s32 $0xFFFFF000  }
0x8c: {  	[spmem:s21] =	stream.linear.scatter [tilespmem:s13], [sflag:$0xD], $0x1000, $0x38;
	[tilespmem:$0x1F400] =	vst v63  }
0x8d: {  	_ =	swait.ge [sflag:s11], $0x1000  }
0x8e: {  	[sflag:s11] =	ssyncset.done $0x0  }
0x8f: {  	s22 =	rddreg [dreg:$0x19];
	[sflag:s11] =	ssyncadd.s32 $0xFFFFF000  }
0x90: {  	[spmem:s22] =	stream.linear.scatter [tilespmem:s13], [sflag:$0xD], $0x1000, $0x38;
	[tilespmem:$0x1F400] =	vst v63  }
0x91: {  	_ =	swait.ge [sflag:s11], $0x1000  }
0x92: {  	[sflag:s11] =	ssyncset.done $0x0  }
0x93: {  	s14 =	rddreg [dreg:$0x1a];
	[sflag:s11] =	ssyncadd.s32 $0xFFFFF000  }
0x94: {  	[spmem:s14] =	stream.linear.scatter [tilespmem:s13], [sflag:$0xD], $0x1000, $0x38;
	[tilespmem:$0x1F400] =	vst v63  }
0x95: {  	_ =	swait.ge [sflag:s11], $0x1000  }
0x96: {  	[sflag:s11] =	ssyncset.done $0x0  }
0x97: {  	s17 =	rddreg [dreg:$0x1b];
	[sflag:s11] =	ssyncadd.s32 $0xFFFFF000  }
0x98: {  	[spmem:s17] =	stream.linear.scatter [tilespmem:s13], [sflag:$0xD], $0x1000, $0x38;
	[tilespmem:$0x1F400] =	vst v63  }
0x99: {  	_ =	swait.ge [sflag:s11], $0x1000  }
0x9a: {  	[sflag:s11] =	ssyncset.done $0x0  }
0x9b: {  	s21 =	rddreg [dreg:$0x1c];
	[sflag:s11] =	ssyncadd.s32 $0xFFFFF000  }
0x9c: {  	[spmem:s21] =	stream.linear.scatter [tilespmem:s13], [sflag:$0xD], $0x1000, $0x38;
	[tilespmem:$0x1F400] =	vst v63  }
0x9d: {  	_ =	swait.ge [sflag:s11], $0x1000  }
0x9e: {  	[sflag:s11] =	ssyncset.done $0x0  }
0x9f: {  	s22 =	rddreg [dreg:$0x1d];
	[sflag:s11] =	ssyncadd.s32 $0xFFFFF000  }
0xa0: {  	[spmem:s22] =	stream.linear.scatter [tilespmem:s13], [sflag:$0xD], $0x1000, $0x38;
	[tilespmem:$0x1F400] =	vst v63  }
0xa1: {  	_ =	swait.ge [sflag:s11], $0x1000  }
0xa2: {  	[sflag:s11] =	ssyncset.done $0x0  }
0xa3: {  	s14 =	rddreg [dreg:$0x1e];
	[sflag:s11] =	ssyncadd.s32 $0xFFFFF000  }
0xa4: {  	[spmem:s14] =	stream.linear.scatter [tilespmem:s13], [sflag:$0xD], $0x1000, $0x38;
	[tilespmem:$0x1F400] =	vst v63  }
0xa5: {  	_ =	swait.ge [sflag:s11], $0x1000  }
0xa6: {  	[sflag:s11] =	ssyncset.done $0x0  }
0xa7: {  	s17 =	rddreg [dreg:$0x1f];
	[sflag:s11] =	ssyncadd.s32 $0xFFFFF000  }
0xa8: {  	[spmem:s17] =	stream.linear.scatter [tilespmem:s13], [sflag:$0xD], $0x1000, $0x38;
	[tilespmem:$0x1F400] =	vst v63  }
0xa9: {  	_ =	swait.ge [sflag:s11], $0x1000  }
0xaa: {  	s21 =	sld [smem:$0x7FA]  }
0xab: {  	[sflag:s11] =	ssyncset.done $0x0  }
0xac: {  	[sflag:s11] =	ssyncadd.s32 $0xFFFFF000  }
0xad: {  	[spmem:s21] =	stream.linear.scatter [tilespmem:s13], [sflag:$0xD], $0x1000, $0x38;
	[tilespmem:$0x1F400] =	vst v63  }
0xae: {  	_ =	swait.ge [sflag:s11], $0x1000  }
0xaf: {  	s22 =	sld [smem:$0x7FB]  }
0xb0: {  	[sflag:s11] =	ssyncset.done $0x0  }
0xb1: {  	[sflag:s11] =	ssyncadd.s32 $0xFFFFF000  }
0xb2: {  	[spmem:s22] =	stream.linear.scatter [tilespmem:s13], [sflag:$0xD], $0x1000, $0x38;
	[tilespmem:$0x1F400] =	vst v63  }
0xb3: {  	_ =	swait.ge [sflag:s11], $0x1000  }
0xb4: {  	s14 =	sld [smem:$0x7FC]  }
0xb5: {  	[sflag:s11] =	ssyncset.done $0x0  }
0xb6: {  	[sflag:s11] =	ssyncadd.s32 $0xFFFFF000  }
0xb7: {  	[spmem:s14] =	stream.linear.scatter [tilespmem:s13], [sflag:$0xD], $0x1000, $0x38;
	[tilespmem:$0x1F400] =	vst v63  }
0xb8: {  	_ =	swait.ge [sflag:s11], $0x1000  }
0xb9: {  	s17 =	sld [smem:$0x7FD]  }
0xba: {  	[sflag:s11] =	ssyncset.done $0x0  }
0xbb: {  	[sflag:s11] =	ssyncadd.s32 $0xFFFFF000  }
0xbc: {  	[spmem:s17] =	stream.linear.scatter [tilespmem:s13], [sflag:$0xD], $0x1000, $0x38;
	[tilespmem:$0x1F400] =	vst v63  }
0xbd: {  	_ =	swait.ge [sflag:s11], $0x1000  }
0xbe: {  	[sflag:s11] =	ssyncset.done $0x0  }
0xbf: {  	[sflag:s11] =	ssyncadd.s32 $0xFFFFF000  }
0xc0: {  	[bflag:$0x0] =	sbarrier.arrive $0xFFFF  }
0xc1: {  	s10 =	simm.s32 $0x0;
	s21 =	rddreg [dreg:$0xb]  }
0xc2: {  	[tilespmem:s10], [sflag:$0x5] =	stream.linear.gather [hbm4b:s21+s10], $0x80, $0x38;
	[tilespmem:$0x1F400] =	vst v63  }
0xc3: {  	s22 =	rddreg [dreg:$0xc]  }
0xc4: {  	[tilespmem:s12], [sflag:$0x9] =	stream.linear.gather [hbm4b:s22+s10], $0x80, $0x38;
	[tilespmem:$0x1F400] =	vst v63  }
0xc5: {  	s14 =	rddreg [dreg:$0xd];
	s21 =	simm.s32 $0x80  }
0xc6: {  	[tilespmem:s21], [sflag:$0x6] =	stream.linear.gather [hbm4b:s14+s10], $0x80, $0x38;
	[tilespmem:$0x1F400] =	vst v63  }
0xc7: {  	s17 =	rddreg [dreg:$0xe]  }
0xc8: {  	[tilespmem:s15], [sflag:$0xA] =	stream.linear.gather [hbm4b:s17+s10], $0x80, $0x38;
	[tilespmem:$0x1F400] =	vst v63  }
0xc9: {  	s22 =	rddreg [dreg:$0xf];
	s14 =	simm.s32 $0x100  }
0xca: {  	[tilespmem:s14], [sflag:$0x7] =	stream.linear.gather [hbm4b:s22+s10], $0x80, $0x38;
	[tilespmem:$0x1F400] =	vst v63  }
0xcb: {  	s17 =	rddreg [dreg:$0x10]  }
0xcc: {  	[tilespmem:s16], [sflag:$0xB] =	stream.linear.gather [hbm4b:s17+s10], $0x80, $0x38;
	[tilespmem:$0x1F400] =	vst v63  }
0xcd: {  	s22 =	rddreg [dreg:$0x11];
	s17 =	simm.s32 $0x180  }
0xce: {  	[tilespmem:s17], [sflag:$0x8] =	stream.linear.gather [hbm4b:s22+s10], $0x80, $0x38;
	[tilespmem:$0x1F400] =	vst v63  }
0xcf: {  	s22 =	rddreg [dreg:$0x12]  }
0xd0: {  	[tilespmem:s18], [sflag:$0xC] =	stream.linear.gather [hbm4b:s22+s10], $0x80, $0x38;
	[tilespmem:$0x1F400] =	vst v63  }
0xd1: {  	_ =	swait.ge [sflag:s19], $0x80  }
0xd2: {  	[sflag:s19] =	ssyncset.done $0x0  }
0xd3: {  	[sflag:s19] =	ssyncadd.s32 $0xFFFFFF80  }
0xd4: {  	[tilespmem:s23], [sflag:$0x1] =	stream.indirect.gather [hbm4b:s1+s20], $0x80, s10, s20, $0xb8;
	[tilespmem:$0x1F400] =	vst v63  }
0xd5: {  	_ =	swait.ge [sflag:s24], $0x80  }
0xd6: {  	[sflag:s24] =	ssyncset.done $0x0  }
0xd7: {  	[sflag:s24] =	ssyncadd.s32 $0xFFFFFF80  }
0xd8: {  	[tilespmem:s25], [sflag:$0x2] =	stream.indirect.gather [hbm4b:s1+s20], $0x80, s21, s20, $0xb8;
	[tilespmem:$0x1F400] =	vst v63  }
0xd9: {  	_ =	swait.ge [sflag:s26], $0x80  }
0xda: {  	[sflag:s26] =	ssyncset.done $0x0  }
0xdb: {  	[sflag:s26] =	ssyncadd.s32 $0xFFFFFF80  }
0xdc: {  	[tilespmem:s28], [sflag:$0x3] =	stream.indirect.gather [hbm4b:s1+s20], $0x80, s14, s20, $0xb8;
	[tilespmem:$0x1F400] =	vst v63  }
0xdd: {  	_ =	swait.ge [sflag:s29], $0x80  }
0xde: {  	[sflag:s29] =	ssyncset.done $0x0  }
0xdf: {  	[sflag:s29] =	ssyncadd.s32 $0xFFFFFF80  }
0xe0: {  	[tilespmem:s30], [sflag:$0x4] =	stream.indirect.gather [hbm4b:s1+s20], $0x80, s17, s20, $0xb8;
	[tilespmem:$0x1F400] =	vst v63  }
.LBB2_4:
0xe1: {  	_ =	swait.ge [sflag:s31], $0x2800  }
0xe2: {  	s13 =	rddreg [dreg:$0x15]  }
0xe3: {  	[sflag:s31] =	ssyncset.done $0x0;
	s21 =	sadd.s32 s10, s13  }
0xe4: {  	[sflag:s31] =	ssyncadd.s32 $0xFFFFD800;
	s22 =	sadd.s32 $0x40, s21  }
0xe5: {  	[tilespmem:s4], [sflag:$0x5] =	stream.linear.gather [hbm4b:s22+s4], $0x80, $0x38;
	[tilespmem:$0x1F400] =	vst v63  }
0xe6: {  	_ =	swait.ge [sflag:s2], $0x80  }
0xe7: {  	[sflag:s2] =	ssyncset.done $0x0  }
0xe8: {  	[sflag:s2] =	ssyncadd.s32 $0xFFFFFF80  }
0xe9: {  	[spmem:s3] =	stream.indirect.scatter.add.f32 [tilespmem:s23], [sflag:$0xD], $0x80, s12, s20, $0xb8;
	[tilespmem:$0x1F400] =	vst v63  }
0xea: {  	_ =	swait.ge [sflag:s11], $0x2800  }
0xeb: {  	s22 =	rddreg [dreg:$0x14]  }
0xec: {  	[sflag:s11] =	ssyncset.done $0x0;
	s22 =	sadd.s32 s10, s22  }
0xed: {  	[sflag:s11] =	ssyncadd.s32 $0xFFFFD800;
	s13 =	sadd.s32 $0x40, s22  }
0xee: {  	[tilespmem:s12], [sflag:$0x9] =	stream.linear.gather [hbm4b:s13+s4], $0x80, $0x38;
	[tilespmem:$0x1F400] =	vst v63  }
0xef: {  	_ =	swait.ge [sflag:s19], $0x80  }
0xf0: {  	p0 =	seq.s32 s10, $0x780;
	[sflag:s19] =	ssyncset.done $0x0  }
.Ltmp3:
0xf1: {  	[sflag:s19] =	ssyncadd.s32 $0xFFFFFF80;
	(pc) =	sbr.rel @p0 .LBB2_6-.Ltmp3, $4  }
0xf2: {  	[tilespmem:s23], [sflag:$0x1] =	stream.indirect.gather [hbm4b:s1+s20], $0x80, s4, s20, $0xb8;
	[tilespmem:$0x1F400] =	vst v63  }
0xf3: {  	_ =	swait.ge [sflag:s0], $0x2800  }
0xf4: {  	[sflag:s0] =	ssyncset.done $0x0  }
0xf5: {  	[sflag:s0] =	ssyncadd.s32 $0xFFFFD800  }
0xf6: {  	s13 =	sadd.s32 $0x50, s21;
	s14 =	simm.s32 $0x80  }
0xf7: {  	[tilespmem:s14], [sflag:$0x6] =	stream.linear.gather [hbm4b:s13+s4], $0x80, $0x38;
	[tilespmem:$0x1F400] =	vst v63  }
0xf8: {  	_ =	swait.ge [sflag:s6], $0x80  }
0xf9: {  	[sflag:s6] =	ssyncset.done $0x0  }
0xfa: {  	s16 =	simm.s32 $0x280;
	[sflag:s6] =	ssyncadd.s32 $0xFFFFFF80  }
0xfb: {  	[spmem:s3] =	stream.indirect.scatter.add.f32 [tilespmem:s25], [sflag:$0xD], $0x80, s16, s20, $0xb8;
	[tilespmem:$0x1F400] =	vst v63  }
0xfc: {  	_ =	swait.ge [sflag:s11], $0x2800  }
0xfd: {  	[sflag:s11] =	ssyncset.done $0x0  }
0xfe: {  	s17 =	sadd.s32 $0x50, s22;
	[sflag:s11] =	ssyncadd.s32 $0xFFFFD800  }
0xff: {  	[tilespmem:s16], [sflag:$0xA] =	stream.linear.gather [hbm4b:s17+s4], $0x80, $0x38;
	[tilespmem:$0x1F400] =	vst v63  }
0x100: {  	_ =	swait.ge [sflag:s24], $0x80  }
0x101: {  	[sflag:s24] =	ssyncset.done $0x0  }
0x102: {  	[sflag:s24] =	ssyncadd.s32 $0xFFFFFF80  }
0x103: {  	[tilespmem:s25], [sflag:$0x2] =	stream.indirect.gather [hbm4b:s1+s20], $0x80, s14, s20, $0xb8;
	[tilespmem:$0x1F400] =	vst v63  }
0x104: {  	_ =	swait.ge [sflag:s7], $0x2800  }
0x105: {  	[sflag:s7] =	ssyncset.done $0x0  }
0x106: {  	s16 =	sadd.s32 $0x60, s21;
	s14 =	simm.s32 $0x100;
	[sflag:s7] =	ssyncadd.s32 $0xFFFFD800  }
0x107: {  	[tilespmem:s14], [sflag:$0x7] =	stream.linear.gather [hbm4b:s16+s4], $0x80, $0x38;
	[tilespmem:$0x1F400] =	vst v63  }
0x108: {  	_ =	swait.ge [sflag:s8], $0x80  }
0x109: {  	[sflag:s8] =	ssyncset.done $0x0  }
0x10a: {  	s17 =	simm.s32 $0x300;
	[sflag:s8] =	ssyncadd.s32 $0xFFFFFF80  }
0x10b: {  	[spmem:s3] =	stream.indirect.scatter.add.f32 [tilespmem:s28], [sflag:$0xD], $0x80, s17, s20, $0xb8;
	[tilespmem:$0x1F400] =	vst v63  }
0x10c: {  	_ =	swait.ge [sflag:s11], $0x2800  }
0x10d: {  	[sflag:s11] =	ssyncset.done $0x0  }
0x10e: {  	s13 =	sadd.s32 $0x60, s22;
	[sflag:s11] =	ssyncadd.s32 $0xFFFFD800  }
0x10f: {  	[tilespmem:s17], [sflag:$0xB] =	stream.linear.gather [hbm4b:s13+s4], $0x80, $0x38;
	[tilespmem:$0x1F400] =	vst v63  }
0x110: {  	_ =	swait.ge [sflag:s26], $0x80  }
0x111: {  	[sflag:s26] =	ssyncset.done $0x0  }
0x112: {  	[sflag:s26] =	ssyncadd.s32 $0xFFFFFF80  }
0x113: {  	[tilespmem:s28], [sflag:$0x3] =	stream.indirect.gather [hbm4b:s1+s20], $0x80, s14, s20, $0xb8;
	[tilespmem:$0x1F400] =	vst v63  }
0x114: {  	_ =	swait.ge [sflag:s9], $0x2800  }
0x115: {  	[sflag:s9] =	ssyncset.done $0x0  }
0x116: {  	s17 =	sadd.s32 $0x70, s21;
	s21 =	simm.s32 $0x180;
	[sflag:s9] =	ssyncadd.s32 $0xFFFFD800  }
0x117: {  	[tilespmem:s21], [sflag:$0x8] =	stream.linear.gather [hbm4b:s17+s4], $0x80, $0x38;
	[tilespmem:$0x1F400] =	vst v63  }
0x118: {  	_ =	swait.ge [sflag:s5], $0x80  }
0x119: {  	[sflag:s5] =	ssyncset.done $0x0  }
0x11a: {  	[sflag:s5] =	ssyncadd.s32 $0xFFFFFF80  }
0x11b: {  	[spmem:s3] =	stream.indirect.scatter.add.f32 [tilespmem:s30], [sflag:$0xD], $0x80, s18, s20, $0xb8;
	[tilespmem:$0x1F400] =	vst v63  }
0x11c: {  	_ =	swait.ge [sflag:s11], $0x2800  }
0x11d: {  	[sflag:s11] =	ssyncset.done $0x0  }
0x11e: {  	s22 =	sadd.s32 $0x70, s22;
	[sflag:s11] =	ssyncadd.s32 $0xFFFFD800  }
0x11f: {  	[tilespmem:s18], [sflag:$0xC] =	stream.linear.gather [hbm4b:s22+s4], $0x80, $0x38;
	[tilespmem:$0x1F400] =	vst v63  }
.Ltmp4:
0x120: {  	_ = 	snop;
	(pc) =	sbr.rel .LBB2_4-.Ltmp4, $4  }
0x121: {  	_ =	swait.ge [sflag:s29], $0x80  }
0x122: {  	s15 =	simm.s32 $0x280;
	[sflag:s29] =	ssyncset.done $0x0  }
0x123: {  	s10 =	sadd.s32 $0x40, s10;
	s16 =	simm.s32 $0x300;
	[sflag:s29] =	ssyncadd.s32 $0xFFFFFF80  }
0x124: {  	[tilespmem:s30], [sflag:$0x4] =	stream.indirect.gather [hbm4b:s1+s20], $0x80, s21, s20, $0xb8;
	[tilespmem:$0x1F400] =	vst v63  }
.LBB2_7:
0x125: {  	_ =	sfence.sel $0x180000  }
0x126: {  	[bflag:$0x0] =	sbarrier.arrive $0xFFFF  }
0x127: {  	_ =	strace $0x9000004A  }
0x128: {  	s0 =	stileid.u32;
	[bflag:$0x2] =	sbarrier.arrive $0xFFFF  }
0x129: {  	p0 =	sne.s32 s0, $0x0;
	s0 =	rddreg [dreg:$0x3]  }
0x12a: {  	s0 =	sadd.s32 @!p0 $0x100000, s0  }
0x12b: {  	[sflag:s0] =	ssyncadd.tile.s32 @!p0 $0x1;
	_ =	shalt  }
.Lfunc_end2:
_tile_overlayer_lowered:
.L_overlay_start_2:
0x12c: {  	(tag) =	ssettag $0x2  }
0x12d: {  	s0 =	rddreg [dreg:$0x0];
	s2 =	stileid.u32  }
0x12e: {  	s1 =	rddreg [dreg:$0x1];
	p0 =	sne.s32 s2, $0x0  }
0x12f: {  	s3 =	rddreg [dreg:$0x2];
	[bflag:$0x3] =	sbarrier.arrive $0xFFFF;
	s2 =	simm.s32 @!p0 $0x1C0D  }
0x130: {  	[timem:s3], [sflag:s2] =	dma.local @!p0 [hbm:s0], s1  }
0x131: {  	s0 =	simm.s32 @!p0 $0xD  }
0x132: {  	_ =	swait.ge @!p0 [sflag:s0], s1  }
0x133: {  	s1 =	ssub.s32 @!p0 $0x0, s1;
	[sflag:s0] =	ssyncset.done @!p0 $0x0  }
0x134: {  	[sflag:s0] =	ssyncadd.s32 @!p0 s1  }
0x135: {  	[bflag:$0x3] =	sbarrier.arrive $0xFFFF  }
0x136: {  	_ =	shalt  }

</sc_bundles>
